<compile_context>
chip_gen: v7x
topology: tpu7x:2x2x1
jax: 0.10.2.dev20260603
libtpu: 0.0.44.dev20260713+nightly
codegen_flags: <defaults>
</compile_context>

<pallas_src>
import jax
import jax.numpy as jnp
from jax import lax
from jax.experimental import pallas as pl
from jax.experimental.pallas import tpu as pltpu
from jax.experimental.pallas import tpu_sc as plsc

N = 100000
C = 256
CO = C // 2
NC, NS = 2, 16
NW = NC * NS
TILE_ROWS = N // NW
R = 125
CHUNKS = TILE_ROWS // R
IN_CHUNK = R * C
OUT_CHUNK = R * CO
VECS = OUT_CHUNK // 16
NBI = 3
NBO = 2


def _sc_body(feat_ref, out_ref, in0, in1, in2, ot0, ot1,
             si0, si1, si2, so0, so1):
    wid = lax.axis_index("s") * NC + lax.axis_index("c")
    in_base = wid * (TILE_ROWS * C)
    out_base = wid * (TILE_ROWS * CO)
    iota2 = lax.iota(jnp.int32, 16) * 2

    in_b = (in0, in1, in2)
    out_b = (ot0, ot1)
    si = (si0, si1, si2)
    so = (so0, so1)

    def start_in(c):
        b = c % NBI
        return pltpu.async_copy(
            feat_ref.at[pl.ds(in_base + c * IN_CHUNK, IN_CHUNK)], in_b[b], si[b]
        )

    in_h = [None] * NBI
    out_h = [None] * NBO
    for c in range(min(NBI - 1, CHUNKS)):
        in_h[c % NBI] = start_in(c)
    for c in range(CHUNKS):
        bi = c % NBI
        bo = c % NBO
        if c + NBI - 1 < CHUNKS:
            in_h[(c + NBI - 1) % NBI] = start_in(c + NBI - 1)
        in_h[bi].wait()
        if out_h[bo] is not None:
            out_h[bo].wait()
        src = in_b[bi]
        dst = out_b[bo]

        @plsc.parallel_loop(0, VECS, 1, unroll=8, carry=iota2)
        def _chunk(k, idx):
            dst[pl.ds(k * 16, 16)] = plsc.load_gather(src, [idx])
            return idx + 32

        out_h[bo] = pltpu.async_copy(
            dst, out_ref.at[pl.ds(out_base + c * OUT_CHUNK, OUT_CHUNK)], so[bo]
        )
    for bo in range(NBO):
        if out_h[bo] is not None:
            out_h[bo].wait()


@jax.jit
def kernel(features):
    flat = features.reshape(-1)
    run = pl.kernel(
        _sc_body,
        out_type=jax.ShapeDtypeStruct((N * CO,), jnp.float32),
        mesh=plsc.VectorSubcoreMesh(core_axis_name="c", subcore_axis_name="s"),
        compiler_params=pltpu.CompilerParams(needs_layout_passes=False),
        scratch_types=[
            pltpu.VMEM((IN_CHUNK,), jnp.float32),
            pltpu.VMEM((IN_CHUNK,), jnp.float32),
            pltpu.VMEM((IN_CHUNK,), jnp.float32),
            pltpu.VMEM((OUT_CHUNK,), jnp.float32),
            pltpu.VMEM((OUT_CHUNK,), jnp.float32),
            pltpu.SemaphoreType.DMA,
            pltpu.SemaphoreType.DMA,
            pltpu.SemaphoreType.DMA,
            pltpu.SemaphoreType.DMA,
            pltpu.SemaphoreType.DMA,
        ],
    )
    return run(flat).reshape(N, CO)

# --- scband reference (transcript-rebuilt; emitter-appended) ---
"""Pipeline reference for scband-feature-select-18433999634781 (READ-ONLY COPY).

The authoritative reference and input builder live on the scoring server;
editing this copy changes nothing except your own understanding.
"""

import jax, jax.numpy as jnp
import numpy as np

# featureColumns from init_kwargs: every even column index in [0, 256)
COLS = np.arange(0, 256, 2, dtype=np.int32)


def setup_inputs(seed: int = 0) -> dict:
    key = jax.random.key(seed)
    # The original module operates on a MinkowskiEngine SparseTensor; the op
    # itself only touches the dense per-point feature matrix [N, d], so we
    # materialize exactly that.
    features = jax.random.normal(key, (100000, 256), dtype=jnp.float32)
    return {"features": features}


def reference(features):
    cols = jnp.asarray(COLS)
    # selectedFeatures = input.features[:, self.featureColumns]
    selected = jnp.take(features, cols, axis=1)
    return selected

if __name__ == "__main__":
    import jax
    _d = setup_inputs()
    print(jax.jit(kernel)(*tuple(_d.values())))

</pallas_src>

<mosaic_0001>
#map = affine_map<(d0, d1) -> (0)>
module attributes {stable_mosaic.version = 14 : i64} {
  func.func @_sc_body(%arg0: i32, %arg1: i32, %arg2: memref<25600000xf32, #tpu.memory_space<hbm>>, %arg3: memref<12800000xf32, #tpu.memory_space<hbm>>, %arg4: memref<32000xf32, #tpu.memory_space<vmem>>, %arg5: memref<32000xf32, #tpu.memory_space<vmem>>, %arg6: memref<32000xf32, #tpu.memory_space<vmem>>, %arg7: memref<16000xf32, #tpu.memory_space<vmem>>, %arg8: memref<16000xf32, #tpu.memory_space<vmem>>, %arg9: memref<!tpu.dma_semaphore, #tpu.memory_space<semaphore_mem>>, %arg10: memref<!tpu.dma_semaphore, #tpu.memory_space<semaphore_mem>>, %arg11: memref<!tpu.dma_semaphore, #tpu.memory_space<semaphore_mem>>, %arg12: memref<!tpu.dma_semaphore, #tpu.memory_space<semaphore_mem>>, %arg13: memref<!tpu.dma_semaphore, #tpu.memory_space<semaphore_mem>>) attributes {dimension_semantics = [#tpu.dimension_semantics<core_parallel>, #tpu.dimension_semantics<subcore_parallel>], iteration_bounds = array<i64: 2, 16>, scalar_prefetch = 0 : i64, scratch_operands = 10 : i64, tpu.core_type = #tpu.core_type<sc_vector_subcore>, window_params = [{transform_indices = #map}, {transform_indices = #map}]} {
    %mul3A = arith.constant 2 : i32
    %mul3A_0 = arith.muli %arg1, %mul3A : i32
    %add3A = arith.addi %mul3A_0, %arg0 : i32
    %mul3A_1 = arith.constant 800000 : i32
    %mul3A_2 = arith.muli %add3A, %mul3A_1 : i32
    %mul3A_3 = arith.constant 400000 : i32
    %mul3A_4 = arith.muli %add3A, %mul3A_3 : i32
    %iota3A = tpu.iota {dimensions = array<i32: 0>} : vector<16xi32>
    %mul3A_5 = arith.constant 2 : i32
    %mul3A_6 = vector.broadcast %mul3A_5 : i32 to vector<16xi32>
    %mul3A_7 = arith.muli %iota3A, %mul3A_6 : vector<16xi32>
    %add3A_8 = arith.constant 0 : i32
    %add3A_9 = arith.addi %mul3A_2, %add3A_8 : i32
    %dma_start3A = tpu.memref_slice %arg2[%add3A_9] : memref<25600000xf32, #tpu.memory_space<hbm>> -> memref<32000xf32, #tpu.memory_space<hbm>>
    %dma_start3A_10 = tpu.memref_slice %arg2[%add3A_9] : memref<25600000xf32, #tpu.memory_space<hbm>> -> memref<32000xf32, #tpu.memory_space<hbm>>
    tpu.enqueue_dma source(%dma_start3A_10 : memref<32000xf32, #tpu.memory_space<hbm>>) target(%arg4 : memref<32000xf32, #tpu.memory_space<vmem>>) target_semaphore(%arg9 : memref<!tpu.dma_semaphore, #tpu.memory_space<semaphore_mem>>)
    %add3A_11 = arith.constant 32000 : i32
    %add3A_12 = arith.addi %mul3A_2, %add3A_11 : i32
    %dma_start3A_13 = tpu.memref_slice %arg2[%add3A_12] : memref<25600000xf32, #tpu.memory_space<hbm>> -> memref<32000xf32, #tpu.memory_space<hbm>>
    %dma_start3A_14 = tpu.memref_slice %arg2[%add3A_12] : memref<25600000xf32, #tpu.memory_space<hbm>> -> memref<32000xf32, #tpu.memory_space<hbm>>
    tpu.enqueue_dma source(%dma_start3A_14 : memref<32000xf32, #tpu.memory_space<hbm>>) target(%arg5 : memref<32000xf32, #tpu.memory_space<vmem>>) target_semaphore(%arg10 : memref<!tpu.dma_semaphore, #tpu.memory_space<semaphore_mem>>)
    %add3A_15 = arith.constant 64000 : i32
    %add3A_16 = arith.addi %mul3A_2, %add3A_15 : i32
    %dma_start3A_17 = tpu.memref_slice %arg2[%add3A_16] : memref<25600000xf32, #tpu.memory_space<hbm>> -> memref<32000xf32, #tpu.memory_space<hbm>>
    %dma_start3A_18 = tpu.memref_slice %arg2[%add3A_16] : memref<25600000xf32, #tpu.memory_space<hbm>> -> memref<32000xf32, #tpu.memory_space<hbm>>
    tpu.enqueue_dma source(%dma_start3A_18 : memref<32000xf32, #tpu.memory_space<hbm>>) target(%arg6 : memref<32000xf32, #tpu.memory_space<vmem>>) target_semaphore(%arg11 : memref<!tpu.dma_semaphore, #tpu.memory_space<semaphore_mem>>)
    %dma_wait3A = tpu.memref_slice %arg2[%add3A_9] : memref<25600000xf32, #tpu.memory_space<hbm>> -> memref<32000xf32, #tpu.memory_space<hbm>>
    %dma_wait3A_19 = tpu.memref_slice %arg2[%add3A_9] : memref<25600000xf32, #tpu.memory_space<hbm>> -> memref<32000xf32, #tpu.memory_space<hbm>>
    tpu.wait_dma2 semaphore(%arg9 : memref<!tpu.dma_semaphore, #tpu.memory_space<semaphore_mem>>) src(%dma_wait3A_19 : memref<32000xf32, #tpu.memory_space<hbm>>) dst(%arg4 : memref<32000xf32, #tpu.memory_space<vmem>>)
    %parallel_loop3A = arith.constant 0 : i32
    %parallel_loop3A_20 = arith.constant 1000 : i32
    %parallel_loop3A_21 = arith.constant 1 : i32
    %parallel_loop3A_22 = scf.for %parallel_loop3A_405 = %parallel_loop3A to %parallel_loop3A_20 step %parallel_loop3A_21 iter_args(%parallel_loop3A_406 = %mul3A_7) -> (vector<16xi32>)  : i32 {
      %parallel_loop3A_407 = tpu.vector_load_idx %arg4[%parallel_loop3A_406] : memref<32000xf32, #tpu.memory_space<vmem>>[vector<16xi32>], vector<16xf32>,
      %parallel_loop3A_408 = arith.constant 16 : i32
      %parallel_loop3A_409 = arith.muli %parallel_loop3A_405, %parallel_loop3A_408 : i32
      %parallel_loop3A_410 = arith.index_cast %parallel_loop3A_409 : i32 to index
      %parallel_loop3A_411 = tpu.vector_load %arg7[%parallel_loop3A_410] {strides = array<i32>} : memref<16000xf32, #tpu.memory_space<vmem>>, vector<16xf32>,
      tpu.vector_store %arg7[%parallel_loop3A_410], %parallel_loop3A_407 {strides = array<i32>} : memref<16000xf32, #tpu.memory_space<vmem>>, vector<16xf32>,
      %parallel_loop3A_412 = arith.constant 32 : i32
      %parallel_loop3A_413 = vector.broadcast %parallel_loop3A_412 : i32 to vector<16xi32>
      %parallel_loop3A_414 = arith.addi %parallel_loop3A_406, %parallel_loop3A_413 : vector<16xi32>
      scf.yield %parallel_loop3A_414 : vector<16xi32>
    } {sc.loop_unroll_factor = 8 : i64, sc.parallel_access}
    %add3A_23 = arith.constant 0 : i32
    %add3A_24 = arith.addi %mul3A_4, %add3A_23 : i32
    %dma_start3A_25 = tpu.memref_slice %arg3[%add3A_24] : memref<12800000xf32, #tpu.memory_space<hbm>> -> memref<16000xf32, #tpu.memory_space<hbm>>
    %dma_start3A_26 = tpu.memref_slice %arg3[%add3A_24] : memref<12800000xf32, #tpu.memory_space<hbm>> -> memref<16000xf32, #tpu.memory_space<hbm>>
    tpu.enqueue_dma source(%arg7 : memref<16000xf32, #tpu.memory_space<vmem>>) target(%dma_start3A_26 : memref<16000xf32, #tpu.memory_space<hbm>>) target_semaphore(%arg12 : memref<!tpu.dma_semaphore, #tpu.memory_space<semaphore_mem>>)
    %add3A_27 = arith.constant 96000 : i32
    %add3A_28 = arith.addi %mul3A_2, %add3A_27 : i32
    %dma_start3A_29 = tpu.memref_slice %arg2[%add3A_28] : memref<25600000xf32, #tpu.memory_space<hbm>> -> memref<32000xf32, #tpu.memory_space<hbm>>
    %dma_start3A_30 = tpu.memref_slice %arg2[%add3A_28] : memref<25600000xf32, #tpu.memory_space<hbm>> -> memref<32000xf32, #tpu.memory_space<hbm>>
    tpu.enqueue_dma source(%dma_start3A_30 : memref<32000xf32, #tpu.memory_space<hbm>>) target(%arg4 : memref<32000xf32, #tpu.memory_space<vmem>>) target_semaphore(%arg9 : memref<!tpu.dma_semaphore, #tpu.memory_space<semaphore_mem>>)
    %dma_wait3A_31 = tpu.memref_slice %arg2[%add3A_12] : memref<25600000xf32, #tpu.memory_space<hbm>> -> memref<32000xf32, #tpu.memory_space<hbm>>
    %dma_wait3A_32 = tpu.memref_slice %arg2[%add3A_12] : memref<25600000xf32, #tpu.memory_space<hbm>> -> memref<32000xf32, #tpu.memory_space<hbm>>
    tpu.wait_dma2 semaphore(%arg10 : memref<!tpu.dma_semaphore, #tpu.memory_space<semaphore_mem>>) src(%dma_wait3A_32 : memref<32000xf32, #tpu.memory_space<hbm>>) dst(%arg5 : memref<32000xf32, #tpu.memory_space<vmem>>)
    %parallel_loop3A_33 = arith.constant 0 : i32
    %parallel_loop3A_34 = arith.constant 1000 : i32
    %parallel_loop3A_35 = arith.constant 1 : i32
    %parallel_loop3A_36 = scf.for %parallel_loop3A_405 = %parallel_loop3A_33 to %parallel_loop3A_34 step %parallel_loop3A_35 iter_args(%parallel_loop3A_406 = %mul3A_7) -> (vector<16xi32>)  : i32 {
      %parallel_loop3A_407 = tpu.vector_load_idx %arg5[%parallel_loop3A_406] : memref<32000xf32, #tpu.memory_space<vmem>>[vector<16xi32>], vector<16xf32>,
      %parallel_loop3A_408 = arith.constant 16 : i32
      %parallel_loop3A_409 = arith.muli %parallel_loop3A_405, %parallel_loop3A_408 : i32
      %parallel_loop3A_410 = arith.index_cast %parallel_loop3A_409 : i32 to index
      %parallel_loop3A_411 = tpu.vector_load %arg8[%parallel_loop3A_410] {strides = array<i32>} : memref<16000xf32, #tpu.memory_space<vmem>>, vector<16xf32>,
      tpu.vector_store %arg8[%parallel_loop3A_410], %parallel_loop3A_407 {strides = array<i32>} : memref<16000xf32, #tpu.memory_space<vmem>>, vector<16xf32>,
      %parallel_loop3A_412 = arith.constant 32 : i32
      %parallel_loop3A_413 = vector.broadcast %parallel_loop3A_412 : i32 to vector<16xi32>
      %parallel_loop3A_414 = arith.addi %parallel_loop3A_406, %parallel_loop3A_413 : vector<16xi32>
      scf.yield %parallel_loop3A_414 : vector<16xi32>
    } {sc.loop_unroll_factor = 8 : i64, sc.parallel_access}
    %add3A_37 = arith.constant 16000 : i32
    %add3A_38 = arith.addi %mul3A_4, %add3A_37 : i32
    %dma_start3A_39 = tpu.memref_slice %arg3[%add3A_38] : memref<12800000xf32, #tpu.memory_space<hbm>> -> memref<16000xf32, #tpu.memory_space<hbm>>
    %dma_start3A_40 = tpu.memref_slice %arg3[%add3A_38] : memref<12800000xf32, #tpu.memory_space<hbm>> -> memref<16000xf32, #tpu.memory_space<hbm>>
    tpu.enqueue_dma source(%arg8 : memref<16000xf32, #tpu.memory_space<vmem>>) target(%dma_start3A_40 : memref<16000xf32, #tpu.memory_space<hbm>>) target_semaphore(%arg13 : memref<!tpu.dma_semaphore, #tpu.memory_space<semaphore_mem>>)
    %add3A_41 = arith.constant 128000 : i32
    %add3A_42 = arith.addi %mul3A_2, %add3A_41 : i32
    %dma_start3A_43 = tpu.memref_slice %arg2[%add3A_42] : memref<25600000xf32, #tpu.memory_space<hbm>> -> memref<32000xf32, #tpu.memory_space<hbm>>
    %dma_start3A_44 = tpu.memref_slice %arg2[%add3A_42] : memref<25600000xf32, #tpu.memory_space<hbm>> -> memref<32000xf32, #tpu.memory_space<hbm>>
    tpu.enqueue_dma source(%dma_start3A_44 : memref<32000xf32, #tpu.memory_space<hbm>>) target(%arg5 : memref<32000xf32, #tpu.memory_space<vmem>>) target_semaphore(%arg10 : memref<!tpu.dma_semaphore, #tpu.memory_space<semaphore_mem>>)
    %dma_wait3A_45 = tpu.memref_slice %arg2[%add3A_16] : memref<25600000xf32, #tpu.memory_space<hbm>> -> memref<32000xf32, #tpu.memory_space<hbm>>
    %dma_wait3A_46 = tpu.memref_slice %arg2[%add3A_16] : memref<25600000xf32, #tpu.memory_space<hbm>> -> memref<32000xf32, #tpu.memory_space<hbm>>
    tpu.wait_dma2 semaphore(%arg11 : memref<!tpu.dma_semaphore, #tpu.memory_space<semaphore_mem>>) src(%dma_wait3A_46 : memref<32000xf32, #tpu.memory_space<hbm>>) dst(%arg6 : memref<32000xf32, #tpu.memory_space<vmem>>)
    %dma_wait3A_47 = tpu.memref_slice %arg3[%add3A_24] : memref<12800000xf32, #tpu.memory_space<hbm>> -> memref<16000xf32, #tpu.memory_space<hbm>>
    %dma_wait3A_48 = tpu.memref_slice %arg3[%add3A_24] : memref<12800000xf32, #tpu.memory_space<hbm>> -> memref<16000xf32, #tpu.memory_space<hbm>>
    tpu.wait_dma2 semaphore(%arg12 : memref<!tpu.dma_semaphore, #tpu.memory_space<semaphore_mem>>) src(%arg7 : memref<16000xf32, #tpu.memory_space<vmem>>) dst(%dma_wait3A_48 : memref<16000xf32, #tpu.memory_space<hbm>>)
    %parallel_loop3A_49 = arith.constant 0 : i32
    %parallel_loop3A_50 = arith.constant 1000 : i32
    %parallel_loop3A_51 = arith.constant 1 : i32
    %parallel_loop3A_52 = scf.for %parallel_loop3A_405 = %parallel_loop3A_49 to %parallel_loop3A_50 step %parallel_loop3A_51 iter_args(%parallel_loop3A_406 = %mul3A_7) -> (vector<16xi32>)  : i32 {
      %parallel_loop3A_407 = tpu.vector_load_idx %arg6[%parallel_loop3A_406] : memref<32000xf32, #tpu.memory_space<vmem>>[vector<16xi32>], vector<16xf32>,
      %parallel_loop3A_408 = arith.constant 16 : i32
      %parallel_loop3A_409 = arith.muli %parallel_loop3A_405, %parallel_loop3A_408 : i32
      %parallel_loop3A_410 = arith.index_cast %parallel_loop3A_409 : i32 to index
      %parallel_loop3A_411 = tpu.vector_load %arg7[%parallel_loop3A_410] {strides = array<i32>} : memref<16000xf32, #tpu.memory_space<vmem>>, vector<16xf32>,
      tpu.vector_store %arg7[%parallel_loop3A_410], %parallel_loop3A_407 {strides = array<i32>} : memref<16000xf32, #tpu.memory_space<vmem>>, vector<16xf32>,
      %parallel_loop3A_412 = arith.constant 32 : i32
      %parallel_loop3A_413 = vector.broadcast %parallel_loop3A_412 : i32 to vector<16xi32>
      %parallel_loop3A_414 = arith.addi %parallel_loop3A_406, %parallel_loop3A_413 : vector<16xi32>
      scf.yield %parallel_loop3A_414 : vector<16xi32>
    } {sc.loop_unroll_factor = 8 : i64, sc.parallel_access}
    %add3A_53 = arith.constant 32000 : i32
    %add3A_54 = arith.addi %mul3A_4, %add3A_53 : i32
    %dma_start3A_55 = tpu.memref_slice %arg3[%add3A_54] : memref<12800000xf32, #tpu.memory_space<hbm>> -> memref<16000xf32, #tpu.memory_space<hbm>>
    %dma_start3A_56 = tpu.memref_slice %arg3[%add3A_54] : memref<12800000xf32, #tpu.memory_space<hbm>> -> memref<16000xf32, #tpu.memory_space<hbm>>
    tpu.enqueue_dma source(%arg7 : memref<16000xf32, #tpu.memory_space<vmem>>) target(%dma_start3A_56 : memref<16000xf32, #tpu.memory_space<hbm>>) target_semaphore(%arg12 : memref<!tpu.dma_semaphore, #tpu.memory_space<semaphore_mem>>)
    %add3A_57 = arith.constant 160000 : i32
    %add3A_58 = arith.addi %mul3A_2, %add3A_57 : i32
    %dma_start3A_59 = tpu.memref_slice %arg2[%add3A_58] : memref<25600000xf32, #tpu.memory_space<hbm>> -> memref<32000xf32, #tpu.memory_space<hbm>>
    %dma_start3A_60 = tpu.memref_slice %arg2[%add3A_58] : memref<25600000xf32, #tpu.memory_space<hbm>> -> memref<32000xf32, #tpu.memory_space<hbm>>
    tpu.enqueue_dma source(%dma_start3A_60 : memref<32000xf32, #tpu.memory_space<hbm>>) target(%arg6 : memref<32000xf32, #tpu.memory_space<vmem>>) target_semaphore(%arg11 : memref<!tpu.dma_semaphore, #tpu.memory_space<semaphore_mem>>)
    %dma_wait3A_61 = tpu.memref_slice %arg2[%add3A_28] : memref<25600000xf32, #tpu.memory_space<hbm>> -> memref<32000xf32, #tpu.memory_space<hbm>>
    %dma_wait3A_62 = tpu.memref_slice %arg2[%add3A_28] : memref<25600000xf32, #tpu.memory_space<hbm>> -> memref<32000xf32, #tpu.memory_space<hbm>>
    tpu.wait_dma2 semaphore(%arg9 : memref<!tpu.dma_semaphore, #tpu.memory_space<semaphore_mem>>) src(%dma_wait3A_62 : memref<32000xf32, #tpu.memory_space<hbm>>) dst(%arg4 : memref<32000xf32, #tpu.memory_space<vmem>>)
    %dma_wait3A_63 = tpu.memref_slice %arg3[%add3A_38] : memref<12800000xf32, #tpu.memory_space<hbm>> -> memref<16000xf32, #tpu.memory_space<hbm>>
    %dma_wait3A_64 = tpu.memref_slice %arg3[%add3A_38] : memref<12800000xf32, #tpu.memory_space<hbm>> -> memref<16000xf32, #tpu.memory_space<hbm>>
    tpu.wait_dma2 semaphore(%arg13 : memref<!tpu.dma_semaphore, #tpu.memory_space<semaphore_mem>>) src(%arg8 : memref<16000xf32, #tpu.memory_space<vmem>>) dst(%dma_wait3A_64 : memref<16000xf32, #tpu.memory_space<hbm>>)
    %parallel_loop3A_65 = arith.constant 0 : i32
    %parallel_loop3A_66 = arith.constant 1000 : i32
    %parallel_loop3A_67 = arith.constant 1 : i32
    %parallel_loop3A_68 = scf.for %parallel_loop3A_405 = %parallel_loop3A_65 to %parallel_loop3A_66 step %parallel_loop3A_67 iter_args(%parallel_loop3A_406 = %mul3A_7) -> (vector<16xi32>)  : i32 {
      %parallel_loop3A_407 = tpu.vector_load_idx %arg4[%parallel_loop3A_406] : memref<32000xf32, #tpu.memory_space<vmem>>[vector<16xi32>], vector<16xf32>,
      %parallel_loop3A_408 = arith.constant 16 : i32
      %parallel_loop3A_409 = arith.muli %parallel_loop3A_405, %parallel_loop3A_408 : i32
      %parallel_loop3A_410 = arith.index_cast %parallel_loop3A_409 : i32 to index
      %parallel_loop3A_411 = tpu.vector_load %arg8[%parallel_loop3A_410] {strides = array<i32>} : memref<16000xf32, #tpu.memory_space<vmem>>, vector<16xf32>,
      tpu.vector_store %arg8[%parallel_loop3A_410], %parallel_loop3A_407 {strides = array<i32>} : memref<16000xf32, #tpu.memory_space<vmem>>, vector<16xf32>,
      %parallel_loop3A_412 = arith.constant 32 : i32
      %parallel_loop3A_413 = vector.broadcast %parallel_loop3A_412 : i32 to vector<16xi32>
      %parallel_loop3A_414 = arith.addi %parallel_loop3A_406, %parallel_loop3A_413 : vector<16xi32>
      scf.yield %parallel_loop3A_414 : vector<16xi32>
    } {sc.loop_unroll_factor = 8 : i64, sc.parallel_access}
    %add3A_69 = arith.constant 48000 : i32
    %add3A_70 = arith.addi %mul3A_4, %add3A_69 : i32
    %dma_start3A_71 = tpu.memref_slice %arg3[%add3A_70] : memref<12800000xf32, #tpu.memory_space<hbm>> -> memref<16000xf32, #tpu.memory_space<hbm>>
    %dma_start3A_72 = tpu.memref_slice %arg3[%add3A_70] : memref<12800000xf32, #tpu.memory_space<hbm>> -> memref<16000xf32, #tpu.memory_space<hbm>>
    tpu.enqueue_dma source(%arg8 : memref<16000xf32, #tpu.memory_space<vmem>>) target(%dma_start3A_72 : memref<16000xf32, #tpu.memory_space<hbm>>) target_semaphore(%arg13 : memref<!tpu.dma_semaphore, #tpu.memory_space<semaphore_mem>>)
    %add3A_73 = arith.constant 192000 : i32
    %add3A_74 = arith.addi %mul3A_2, %add3A_73 : i32
    %dma_start3A_75 = tpu.memref_slice %arg2[%add3A_74] : memref<25600000xf32, #tpu.memory_space<hbm>> -> memref<32000xf32, #tpu.memory_space<hbm>>
    %dma_start3A_76 = tpu.memref_slice %arg2[%add3A_74] : memref<25600000xf32, #tpu.memory_space<hbm>> -> memref<32000xf32, #tpu.memory_space<hbm>>
    tpu.enqueue_dma source(%dma_start3A_76 : memref<32000xf32, #tpu.memory_space<hbm>>) target(%arg4 : memref<32000xf32, #tpu.memory_space<vmem>>) target_semaphore(%arg9 : memref<!tpu.dma_semaphore, #tpu.memory_space<semaphore_mem>>)
    %dma_wait3A_77 = tpu.memref_slice %arg2[%add3A_42] : memref<25600000xf32, #tpu.memory_space<hbm>> -> memref<32000xf32, #tpu.memory_space<hbm>>
    %dma_wait3A_78 = tpu.memref_slice %arg2[%add3A_42] : memref<25600000xf32, #tpu.memory_space<hbm>> -> memref<32000xf32, #tpu.memory_space<hbm>>
    tpu.wait_dma2 semaphore(%arg10 : memref<!tpu.dma_semaphore, #tpu.memory_space<semaphore_mem>>) src(%dma_wait3A_78 : memref<32000xf32, #tpu.memory_space<hbm>>) dst(%arg5 : memref<32000xf32, #tpu.memory_space<vmem>>)
    %dma_wait3A_79 = tpu.memref_slice %arg3[%add3A_54] : memref<12800000xf32, #tpu.memory_space<hbm>> -> memref<16000xf32, #tpu.memory_space<hbm>>
    %dma_wait3A_80 = tpu.memref_slice %arg3[%add3A_54] : memref<12800000xf32, #tpu.memory_space<hbm>> -> memref<16000xf32, #tpu.memory_space<hbm>>
    tpu.wait_dma2 semaphore(%arg12 : memref<!tpu.dma_semaphore, #tpu.memory_space<semaphore_mem>>) src(%arg7 : memref<16000xf32, #tpu.memory_space<vmem>>) dst(%dma_wait3A_80 : memref<16000xf32, #tpu.memory_space<hbm>>)
    %parallel_loop3A_81 = arith.constant 0 : i32
    %parallel_loop3A_82 = arith.constant 1000 : i32
    %parallel_loop3A_83 = arith.constant 1 : i32
    %parallel_loop3A_84 = scf.for %parallel_loop3A_405 = %parallel_loop3A_81 to %parallel_loop3A_82 step %parallel_loop3A_83 iter_args(%parallel_loop3A_406 = %mul3A_7) -> (vector<16xi32>)  : i32 {
      %parallel_loop3A_407 = tpu.vector_load_idx %arg5[%parallel_loop3A_406] : memref<32000xf32, #tpu.memory_space<vmem>>[vector<16xi32>], vector<16xf32>,
      %parallel_loop3A_408 = arith.constant 16 : i32
      %parallel_loop3A_409 = arith.muli %parallel_loop3A_405, %parallel_loop3A_408 : i32
      %parallel_loop3A_410 = arith.index_cast %parallel_loop3A_409 : i32 to index
      %parallel_loop3A_411 = tpu.vector_load %arg7[%parallel_loop3A_410] {strides = array<i32>} : memref<16000xf32, #tpu.memory_space<vmem>>, vector<16xf32>,
      tpu.vector_store %arg7[%parallel_loop3A_410], %parallel_loop3A_407 {strides = array<i32>} : memref<16000xf32, #tpu.memory_space<vmem>>, vector<16xf32>,
      %parallel_loop3A_412 = arith.constant 32 : i32
      %parallel_loop3A_413 = vector.broadcast %parallel_loop3A_412 : i32 to vector<16xi32>
      %parallel_loop3A_414 = arith.addi %parallel_loop3A_406, %parallel_loop3A_413 : vector<16xi32>
      scf.yield %parallel_loop3A_414 : vector<16xi32>
    } {sc.loop_unroll_factor = 8 : i64, sc.parallel_access}
    %add3A_85 = arith.constant 64000 : i32
    %add3A_86 = arith.addi %mul3A_4, %add3A_85 : i32
    %dma_start3A_87 = tpu.memref_slice %arg3[%add3A_86] : memref<12800000xf32, #tpu.memory_space<hbm>> -> memref<16000xf32, #tpu.memory_space<hbm>>
    %dma_start3A_88 = tpu.memref_slice %arg3[%add3A_86] : memref<12800000xf32, #tpu.memory_space<hbm>> -> memref<16000xf32, #tpu.memory_space<hbm>>
    tpu.enqueue_dma source(%arg7 : memref<16000xf32, #tpu.memory_space<vmem>>) target(%dma_start3A_88 : memref<16000xf32, #tpu.memory_space<hbm>>) target_semaphore(%arg12 : memref<!tpu.dma_semaphore, #tpu.memory_space<semaphore_mem>>)
    %add3A_89 = arith.constant 224000 : i32
    %add3A_90 = arith.addi %mul3A_2, %add3A_89 : i32
    %dma_start3A_91 = tpu.memref_slice %arg2[%add3A_90] : memref<25600000xf32, #tpu.memory_space<hbm>> -> memref<32000xf32, #tpu.memory_space<hbm>>
    %dma_start3A_92 = tpu.memref_slice %arg2[%add3A_90] : memref<25600000xf32, #tpu.memory_space<hbm>> -> memref<32000xf32, #tpu.memory_space<hbm>>
    tpu.enqueue_dma source(%dma_start3A_92 : memref<32000xf32, #tpu.memory_space<hbm>>) target(%arg5 : memref<32000xf32, #tpu.memory_space<vmem>>) target_semaphore(%arg10 : memref<!tpu.dma_semaphore, #tpu.memory_space<semaphore_mem>>)
    %dma_wait3A_93 = tpu.memref_slice %arg2[%add3A_58] : memref<25600000xf32, #tpu.memory_space<hbm>> -> memref<32000xf32, #tpu.memory_space<hbm>>
    %dma_wait3A_94 = tpu.memref_slice %arg2[%add3A_58] : memref<25600000xf32, #tpu.memory_space<hbm>> -> memref<32000xf32, #tpu.memory_space<hbm>>
    tpu.wait_dma2 semaphore(%arg11 : memref<!tpu.dma_semaphore, #tpu.memory_space<semaphore_mem>>) src(%dma_wait3A_94 : memref<32000xf32, #tpu.memory_space<hbm>>) dst(%arg6 : memref<32000xf32, #tpu.memory_space<vmem>>)
    %dma_wait3A_95 = tpu.memref_slice %arg3[%add3A_70] : memref<12800000xf32, #tpu.memory_space<hbm>> -> memref<16000xf32, #tpu.memory_space<hbm>>
    %dma_wait3A_96 = tpu.memref_slice %arg3[%add3A_70] : memref<12800000xf32, #tpu.memory_space<hbm>> -> memref<16000xf32, #tpu.memory_space<hbm>>
    tpu.wait_dma2 semaphore(%arg13 : memref<!tpu.dma_semaphore, #tpu.memory_space<semaphore_mem>>) src(%arg8 : memref<16000xf32, #tpu.memory_space<vmem>>) dst(%dma_wait3A_96 : memref<16000xf32, #tpu.memory_space<hbm>>)
    %parallel_loop3A_97 = arith.constant 0 : i32
    %parallel_loop3A_98 = arith.constant 1000 : i32
    %parallel_loop3A_99 = arith.constant 1 : i32
    %parallel_loop3A_100 = scf.for %parallel_loop3A_405 = %parallel_loop3A_97 to %parallel_loop3A_98 step %parallel_loop3A_99 iter_args(%parallel_loop3A_406 = %mul3A_7) -> (vector<16xi32>)  : i32 {
      %parallel_loop3A_407 = tpu.vector_load_idx %arg6[%parallel_loop3A_406] : memref<32000xf32, #tpu.memory_space<vmem>>[vector<16xi32>], vector<16xf32>,
      %parallel_loop3A_408 = arith.constant 16 : i32
      %parallel_loop3A_409 = arith.muli %parallel_loop3A_405, %parallel_loop3A_408 : i32
      %parallel_loop3A_410 = arith.index_cast %parallel_loop3A_409 : i32 to index
      %parallel_loop3A_411 = tpu.vector_load %arg8[%parallel_loop3A_410] {strides = array<i32>} : memref<16000xf32, #tpu.memory_space<vmem>>, vector<16xf32>,
      tpu.vector_store %arg8[%parallel_loop3A_410], %parallel_loop3A_407 {strides = array<i32>} : memref<16000xf32, #tpu.memory_space<vmem>>, vector<16xf32>,
      %parallel_loop3A_412 = arith.constant 32 : i32
      %parallel_loop3A_413 = vector.broadcast %parallel_loop3A_412 : i32 to vector<16xi32>
      %parallel_loop3A_414 = arith.addi %parallel_loop3A_406, %parallel_loop3A_413 : vector<16xi32>
      scf.yield %parallel_loop3A_414 : vector<16xi32>
    } {sc.loop_unroll_factor = 8 : i64, sc.parallel_access}
    %add3A_101 = arith.constant 80000 : i32
    %add3A_102 = arith.addi %mul3A_4, %add3A_101 : i32
    %dma_start3A_103 = tpu.memref_slice %arg3[%add3A_102] : memref<12800000xf32, #tpu.memory_space<hbm>> -> memref<16000xf32, #tpu.memory_space<hbm>>
    %dma_start3A_104 = tpu.memref_slice %arg3[%add3A_102] : memref<12800000xf32, #tpu.memory_space<hbm>> -> memref<16000xf32, #tpu.memory_space<hbm>>
    tpu.enqueue_dma source(%arg8 : memref<16000xf32, #tpu.memory_space<vmem>>) target(%dma_start3A_104 : memref<16000xf32, #tpu.memory_space<hbm>>) target_semaphore(%arg13 : memref<!tpu.dma_semaphore, #tpu.memory_space<semaphore_mem>>)
    %add3A_105 = arith.constant 256000 : i32
    %add3A_106 = arith.addi %mul3A_2, %add3A_105 : i32
    %dma_start3A_107 = tpu.memref_slice %arg2[%add3A_106] : memref<25600000xf32, #tpu.memory_space<hbm>> -> memref<32000xf32, #tpu.memory_space<hbm>>
    %dma_start3A_108 = tpu.memref_slice %arg2[%add3A_106] : memref<25600000xf32, #tpu.memory_space<hbm>> -> memref<32000xf32, #tpu.memory_space<hbm>>
    tpu.enqueue_dma source(%dma_start3A_108 : memref<32000xf32, #tpu.memory_space<hbm>>) target(%arg6 : memref<32000xf32, #tpu.memory_space<vmem>>) target_semaphore(%arg11 : memref<!tpu.dma_semaphore, #tpu.memory_space<semaphore_mem>>)
    %dma_wait3A_109 = tpu.memref_slice %arg2[%add3A_74] : memref<25600000xf32, #tpu.memory_space<hbm>> -> memref<32000xf32, #tpu.memory_space<hbm>>
    %dma_wait3A_110 = tpu.memref_slice %arg2[%add3A_74] : memref<25600000xf32, #tpu.memory_space<hbm>> -> memref<32000xf32, #tpu.memory_space<hbm>>
    tpu.wait_dma2 semaphore(%arg9 : memref<!tpu.dma_semaphore, #tpu.memory_space<semaphore_mem>>) src(%dma_wait3A_110 : memref<32000xf32, #tpu.memory_space<hbm>>) dst(%arg4 : memref<32000xf32, #tpu.memory_space<vmem>>)
    %dma_wait3A_111 = tpu.memref_slice %arg3[%add3A_86] : memref<12800000xf32, #tpu.memory_space<hbm>> -> memref<16000xf32, #tpu.memory_space<hbm>>
    %dma_wait3A_112 = tpu.memref_slice %arg3[%add3A_86] : memref<12800000xf32, #tpu.memory_space<hbm>> -> memref<16000xf32, #tpu.memory_space<hbm>>
    tpu.wait_dma2 semaphore(%arg12 : memref<!tpu.dma_semaphore, #tpu.memory_space<semaphore_mem>>) src(%arg7 : memref<16000xf32, #tpu.memory_space<vmem>>) dst(%dma_wait3A_112 : memref<16000xf32, #tpu.memory_space<hbm>>)
    %parallel_loop3A_113 = arith.constant 0 : i32
    %parallel_loop3A_114 = arith.constant 1000 : i32
    %parallel_loop3A_115 = arith.constant 1 : i32
    %parallel_loop3A_116 = scf.for %parallel_loop3A_405 = %parallel_loop3A_113 to %parallel_loop3A_114 step %parallel_loop3A_115 iter_args(%parallel_loop3A_406 = %mul3A_7) -> (vector<16xi32>)  : i32 {
      %parallel_loop3A_407 = tpu.vector_load_idx %arg4[%parallel_loop3A_406] : memref<32000xf32, #tpu.memory_space<vmem>>[vector<16xi32>], vector<16xf32>,
      %parallel_loop3A_408 = arith.constant 16 : i32
      %parallel_loop3A_409 = arith.muli %parallel_loop3A_405, %parallel_loop3A_408 : i32
      %parallel_loop3A_410 = arith.index_cast %parallel_loop3A_409 : i32 to index
      %parallel_loop3A_411 = tpu.vector_load %arg7[%parallel_loop3A_410] {strides = array<i32>} : memref<16000xf32, #tpu.memory_space<vmem>>, vector<16xf32>,
      tpu.vector_store %arg7[%parallel_loop3A_410], %parallel_loop3A_407 {strides = array<i32>} : memref<16000xf32, #tpu.memory_space<vmem>>, vector<16xf32>,
      %parallel_loop3A_412 = arith.constant 32 : i32
      %parallel_loop3A_413 = vector.broadcast %parallel_loop3A_412 : i32 to vector<16xi32>
      %parallel_loop3A_414 = arith.addi %parallel_loop3A_406, %parallel_loop3A_413 : vector<16xi32>
      scf.yield %parallel_loop3A_414 : vector<16xi32>
    } {sc.loop_unroll_factor = 8 : i64, sc.parallel_access}
    %add3A_117 = arith.constant 96000 : i32
    %add3A_118 = arith.addi %mul3A_4, %add3A_117 : i32
    %dma_start3A_119 = tpu.memref_slice %arg3[%add3A_118] : memref<12800000xf32, #tpu.memory_space<hbm>> -> memref<16000xf32, #tpu.memory_space<hbm>>
    %dma_start3A_120 = tpu.memref_slice %arg3[%add3A_118] : memref<12800000xf32, #tpu.memory_space<hbm>> -> memref<16000xf32, #tpu.memory_space<hbm>>
    tpu.enqueue_dma source(%arg7 : memref<16000xf32, #tpu.memory_space<vmem>>) target(%dma_start3A_120 : memref<16000xf32, #tpu.memory_space<hbm>>) target_semaphore(%arg12 : memref<!tpu.dma_semaphore, #tpu.memory_space<semaphore_mem>>)
    %add3A_121 = arith.constant 288000 : i32
    %add3A_122 = arith.addi %mul3A_2, %add3A_121 : i32
    %dma_start3A_123 = tpu.memref_slice %arg2[%add3A_122] : memref<25600000xf32, #tpu.memory_space<hbm>> -> memref<32000xf32, #tpu.memory_space<hbm>>
    %dma_start3A_124 = tpu.memref_slice %arg2[%add3A_122] : memref<25600000xf32, #tpu.memory_space<hbm>> -> memref<32000xf32, #tpu.memory_space<hbm>>
    tpu.enqueue_dma source(%dma_start3A_124 : memref<32000xf32, #tpu.memory_space<hbm>>) target(%arg4 : memref<32000xf32, #tpu.memory_space<vmem>>) target_semaphore(%arg9 : memref<!tpu.dma_semaphore, #tpu.memory_space<semaphore_mem>>)
    %dma_wait3A_125 = tpu.memref_slice %arg2[%add3A_90] : memref<25600000xf32, #tpu.memory_space<hbm>> -> memref<32000xf32, #tpu.memory_space<hbm>>
    %dma_wait3A_126 = tpu.memref_slice %arg2[%add3A_90] : memref<25600000xf32, #tpu.memory_space<hbm>> -> memref<32000xf32, #tpu.memory_space<hbm>>
    tpu.wait_dma2 semaphore(%arg10 : memref<!tpu.dma_semaphore, #tpu.memory_space<semaphore_mem>>) src(%dma_wait3A_126 : memref<32000xf32, #tpu.memory_space<hbm>>) dst(%arg5 : memref<32000xf32, #tpu.memory_space<vmem>>)
    %dma_wait3A_127 = tpu.memref_slice %arg3[%add3A_102] : memref<12800000xf32, #tpu.memory_space<hbm>> -> memref<16000xf32, #tpu.memory_space<hbm>>
    %dma_wait3A_128 = tpu.memref_slice %arg3[%add3A_102] : memref<12800000xf32, #tpu.memory_space<hbm>> -> memref<16000xf32, #tpu.memory_space<hbm>>
    tpu.wait_dma2 semaphore(%arg13 : memref<!tpu.dma_semaphore, #tpu.memory_space<semaphore_mem>>) src(%arg8 : memref<16000xf32, #tpu.memory_space<vmem>>) dst(%dma_wait3A_128 : memref<16000xf32, #tpu.memory_space<hbm>>)
    %parallel_loop3A_129 = arith.constant 0 : i32
    %parallel_loop3A_130 = arith.constant 1000 : i32
    %parallel_loop3A_131 = arith.constant 1 : i32
    %parallel_loop3A_132 = scf.for %parallel_loop3A_405 = %parallel_loop3A_129 to %parallel_loop3A_130 step %parallel_loop3A_131 iter_args(%parallel_loop3A_406 = %mul3A_7) -> (vector<16xi32>)  : i32 {
      %parallel_loop3A_407 = tpu.vector_load_idx %arg5[%parallel_loop3A_406] : memref<32000xf32, #tpu.memory_space<vmem>>[vector<16xi32>], vector<16xf32>,
      %parallel_loop3A_408 = arith.constant 16 : i32
      %parallel_loop3A_409 = arith.muli %parallel_loop3A_405, %parallel_loop3A_408 : i32
      %parallel_loop3A_410 = arith.index_cast %parallel_loop3A_409 : i32 to index
      %parallel_loop3A_411 = tpu.vector_load %arg8[%parallel_loop3A_410] {strides = array<i32>} : memref<16000xf32, #tpu.memory_space<vmem>>, vector<16xf32>,
      tpu.vector_store %arg8[%parallel_loop3A_410], %parallel_loop3A_407 {strides = array<i32>} : memref<16000xf32, #tpu.memory_space<vmem>>, vector<16xf32>,
      %parallel_loop3A_412 = arith.constant 32 : i32
      %parallel_loop3A_413 = vector.broadcast %parallel_loop3A_412 : i32 to vector<16xi32>
      %parallel_loop3A_414 = arith.addi %parallel_loop3A_406, %parallel_loop3A_413 : vector<16xi32>
      scf.yield %parallel_loop3A_414 : vector<16xi32>
    } {sc.loop_unroll_factor = 8 : i64, sc.parallel_access}
    %add3A_133 = arith.constant 112000 : i32
    %add3A_134 = arith.addi %mul3A_4, %add3A_133 : i32
    %dma_start3A_135 = tpu.memref_slice %arg3[%add3A_134] : memref<12800000xf32, #tpu.memory_space<hbm>> -> memref<16000xf32, #tpu.memory_space<hbm>>
    %dma_start3A_136 = tpu.memref_slice %arg3[%add3A_134] : memref<12800000xf32, #tpu.memory_space<hbm>> -> memref<16000xf32, #tpu.memory_space<hbm>>
    tpu.enqueue_dma source(%arg8 : memref<16000xf32, #tpu.memory_space<vmem>>) target(%dma_start3A_136 : memref<16000xf32, #tpu.memory_space<hbm>>) target_semaphore(%arg13 : memref<!tpu.dma_semaphore, #tpu.memory_space<semaphore_mem>>)
    %add3A_137 = arith.constant 320000 : i32
    %add3A_138 = arith.addi %mul3A_2, %add3A_137 : i32
    %dma_start3A_139 = tpu.memref_slice %arg2[%add3A_138] : memref<25600000xf32, #tpu.memory_space<hbm>> -> memref<32000xf32, #tpu.memory_space<hbm>>
    %dma_start3A_140 = tpu.memref_slice %arg2[%add3A_138] : memref<25600000xf32, #tpu.memory_space<hbm>> -> memref<32000xf32, #tpu.memory_space<hbm>>
    tpu.enqueue_dma source(%dma_start3A_140 : memref<32000xf32, #tpu.memory_space<hbm>>) target(%arg5 : memref<32000xf32, #tpu.memory_space<vmem>>) target_semaphore(%arg10 : memref<!tpu.dma_semaphore, #tpu.memory_space<semaphore_mem>>)
    %dma_wait3A_141 = tpu.memref_slice %arg2[%add3A_106] : memref<25600000xf32, #tpu.memory_space<hbm>> -> memref<32000xf32, #tpu.memory_space<hbm>>
    %dma_wait3A_142 = tpu.memref_slice %arg2[%add3A_106] : memref<25600000xf32, #tpu.memory_space<hbm>> -> memref<32000xf32, #tpu.memory_space<hbm>>
    tpu.wait_dma2 semaphore(%arg11 : memref<!tpu.dma_semaphore, #tpu.memory_space<semaphore_mem>>) src(%dma_wait3A_142 : memref<32000xf32, #tpu.memory_space<hbm>>) dst(%arg6 : memref<32000xf32, #tpu.memory_space<vmem>>)
    %dma_wait3A_143 = tpu.memref_slice %arg3[%add3A_118] : memref<12800000xf32, #tpu.memory_space<hbm>> -> memref<16000xf32, #tpu.memory_space<hbm>>
    %dma_wait3A_144 = tpu.memref_slice %arg3[%add3A_118] : memref<12800000xf32, #tpu.memory_space<hbm>> -> memref<16000xf32, #tpu.memory_space<hbm>>
    tpu.wait_dma2 semaphore(%arg12 : memref<!tpu.dma_semaphore, #tpu.memory_space<semaphore_mem>>) src(%arg7 : memref<16000xf32, #tpu.memory_space<vmem>>) dst(%dma_wait3A_144 : memref<16000xf32, #tpu.memory_space<hbm>>)
    %parallel_loop3A_145 = arith.constant 0 : i32
    %parallel_loop3A_146 = arith.constant 1000 : i32
    %parallel_loop3A_147 = arith.constant 1 : i32
    %parallel_loop3A_148 = scf.for %parallel_loop3A_405 = %parallel_loop3A_145 to %parallel_loop3A_146 step %parallel_loop3A_147 iter_args(%parallel_loop3A_406 = %mul3A_7) -> (vector<16xi32>)  : i32 {
      %parallel_loop3A_407 = tpu.vector_load_idx %arg6[%parallel_loop3A_406] : memref<32000xf32, #tpu.memory_space<vmem>>[vector<16xi32>], vector<16xf32>,
      %parallel_loop3A_408 = arith.constant 16 : i32
      %parallel_loop3A_409 = arith.muli %parallel_loop3A_405, %parallel_loop3A_408 : i32
      %parallel_loop3A_410 = arith.index_cast %parallel_loop3A_409 : i32 to index
      %parallel_loop3A_411 = tpu.vector_load %arg7[%parallel_loop3A_410] {strides = array<i32>} : memref<16000xf32, #tpu.memory_space<vmem>>, vector<16xf32>,
      tpu.vector_store %arg7[%parallel_loop3A_410], %parallel_loop3A_407 {strides = array<i32>} : memref<16000xf32, #tpu.memory_space<vmem>>, vector<16xf32>,
      %parallel_loop3A_412 = arith.constant 32 : i32
      %parallel_loop3A_413 = vector.broadcast %parallel_loop3A_412 : i32 to vector<16xi32>
      %parallel_loop3A_414 = arith.addi %parallel_loop3A_406, %parallel_loop3A_413 : vector<16xi32>
      scf.yield %parallel_loop3A_414 : vector<16xi32>
    } {sc.loop_unroll_factor = 8 : i64, sc.parallel_access}
    %add3A_149 = arith.constant 128000 : i32
    %add3A_150 = arith.addi %mul3A_4, %add3A_149 : i32
    %dma_start3A_151 = tpu.memref_slice %arg3[%add3A_150] : memref<12800000xf32, #tpu.memory_space<hbm>> -> memref<16000xf32, #tpu.memory_space<hbm>>
    %dma_start3A_152 = tpu.memref_slice %arg3[%add3A_150] : memref<12800000xf32, #tpu.memory_space<hbm>> -> memref<16000xf32, #tpu.memory_space<hbm>>
    tpu.enqueue_dma source(%arg7 : memref<16000xf32, #tpu.memory_space<vmem>>) target(%dma_start3A_152 : memref<16000xf32, #tpu.memory_space<hbm>>) target_semaphore(%arg12 : memref<!tpu.dma_semaphore, #tpu.memory_space<semaphore_mem>>)
    %add3A_153 = arith.constant 352000 : i32
    %add3A_154 = arith.addi %mul3A_2, %add3A_153 : i32
    %dma_start3A_155 = tpu.memref_slice %arg2[%add3A_154] : memref<25600000xf32, #tpu.memory_space<hbm>> -> memref<32000xf32, #tpu.memory_space<hbm>>
    %dma_start3A_156 = tpu.memref_slice %arg2[%add3A_154] : memref<25600000xf32, #tpu.memory_space<hbm>> -> memref<32000xf32, #tpu.memory_space<hbm>>
    tpu.enqueue_dma source(%dma_start3A_156 : memref<32000xf32, #tpu.memory_space<hbm>>) target(%arg6 : memref<32000xf32, #tpu.memory_space<vmem>>) target_semaphore(%arg11 : memref<!tpu.dma_semaphore, #tpu.memory_space<semaphore_mem>>)
    %dma_wait3A_157 = tpu.memref_slice %arg2[%add3A_122] : memref<25600000xf32, #tpu.memory_space<hbm>> -> memref<32000xf32, #tpu.memory_space<hbm>>
    %dma_wait3A_158 = tpu.memref_slice %arg2[%add3A_122] : memref<25600000xf32, #tpu.memory_space<hbm>> -> memref<32000xf32, #tpu.memory_space<hbm>>
    tpu.wait_dma2 semaphore(%arg9 : memref<!tpu.dma_semaphore, #tpu.memory_space<semaphore_mem>>) src(%dma_wait3A_158 : memref<32000xf32, #tpu.memory_space<hbm>>) dst(%arg4 : memref<32000xf32, #tpu.memory_space<vmem>>)
    %dma_wait3A_159 = tpu.memref_slice %arg3[%add3A_134] : memref<12800000xf32, #tpu.memory_space<hbm>> -> memref<16000xf32, #tpu.memory_space<hbm>>
    %dma_wait3A_160 = tpu.memref_slice %arg3[%add3A_134] : memref<12800000xf32, #tpu.memory_space<hbm>> -> memref<16000xf32, #tpu.memory_space<hbm>>
    tpu.wait_dma2 semaphore(%arg13 : memref<!tpu.dma_semaphore, #tpu.memory_space<semaphore_mem>>) src(%arg8 : memref<16000xf32, #tpu.memory_space<vmem>>) dst(%dma_wait3A_160 : memref<16000xf32, #tpu.memory_space<hbm>>)
    %parallel_loop3A_161 = arith.constant 0 : i32
    %parallel_loop3A_162 = arith.constant 1000 : i32
    %parallel_loop3A_163 = arith.constant 1 : i32
    %parallel_loop3A_164 = scf.for %parallel_loop3A_405 = %parallel_loop3A_161 to %parallel_loop3A_162 step %parallel_loop3A_163 iter_args(%parallel_loop3A_406 = %mul3A_7) -> (vector<16xi32>)  : i32 {
      %parallel_loop3A_407 = tpu.vector_load_idx %arg4[%parallel_loop3A_406] : memref<32000xf32, #tpu.memory_space<vmem>>[vector<16xi32>], vector<16xf32>,
      %parallel_loop3A_408 = arith.constant 16 : i32
      %parallel_loop3A_409 = arith.muli %parallel_loop3A_405, %parallel_loop3A_408 : i32
      %parallel_loop3A_410 = arith.index_cast %parallel_loop3A_409 : i32 to index
      %parallel_loop3A_411 = tpu.vector_load %arg8[%parallel_loop3A_410] {strides = array<i32>} : memref<16000xf32, #tpu.memory_space<vmem>>, vector<16xf32>,
      tpu.vector_store %arg8[%parallel_loop3A_410], %parallel_loop3A_407 {strides = array<i32>} : memref<16000xf32, #tpu.memory_space<vmem>>, vector<16xf32>,
      %parallel_loop3A_412 = arith.constant 32 : i32
      %parallel_loop3A_413 = vector.broadcast %parallel_loop3A_412 : i32 to vector<16xi32>
      %parallel_loop3A_414 = arith.addi %parallel_loop3A_406, %parallel_loop3A_413 : vector<16xi32>
      scf.yield %parallel_loop3A_414 : vector<16xi32>
    } {sc.loop_unroll_factor = 8 : i64, sc.parallel_access}
    %add3A_165 = arith.constant 144000 : i32
    %add3A_166 = arith.addi %mul3A_4, %add3A_165 : i32
    %dma_start3A_167 = tpu.memref_slice %arg3[%add3A_166] : memref<12800000xf32, #tpu.memory_space<hbm>> -> memref<16000xf32, #tpu.memory_space<hbm>>
    %dma_start3A_168 = tpu.memref_slice %arg3[%add3A_166] : memref<12800000xf32, #tpu.memory_space<hbm>> -> memref<16000xf32, #tpu.memory_space<hbm>>
    tpu.enqueue_dma source(%arg8 : memref<16000xf32, #tpu.memory_space<vmem>>) target(%dma_start3A_168 : memref<16000xf32, #tpu.memory_space<hbm>>) target_semaphore(%arg13 : memref<!tpu.dma_semaphore, #tpu.memory_space<semaphore_mem>>)
    %add3A_169 = arith.constant 384000 : i32
    %add3A_170 = arith.addi %mul3A_2, %add3A_169 : i32
    %dma_start3A_171 = tpu.memref_slice %arg2[%add3A_170] : memref<25600000xf32, #tpu.memory_space<hbm>> -> memref<32000xf32, #tpu.memory_space<hbm>>
    %dma_start3A_172 = tpu.memref_slice %arg2[%add3A_170] : memref<25600000xf32, #tpu.memory_space<hbm>> -> memref<32000xf32, #tpu.memory_space<hbm>>
    tpu.enqueue_dma source(%dma_start3A_172 : memref<32000xf32, #tpu.memory_space<hbm>>) target(%arg4 : memref<32000xf32, #tpu.memory_space<vmem>>) target_semaphore(%arg9 : memref<!tpu.dma_semaphore, #tpu.memory_space<semaphore_mem>>)
    %dma_wait3A_173 = tpu.memref_slice %arg2[%add3A_138] : memref<25600000xf32, #tpu.memory_space<hbm>> -> memref<32000xf32, #tpu.memory_space<hbm>>
    %dma_wait3A_174 = tpu.memref_slice %arg2[%add3A_138] : memref<25600000xf32, #tpu.memory_space<hbm>> -> memref<32000xf32, #tpu.memory_space<hbm>>
    tpu.wait_dma2 semaphore(%arg10 : memref<!tpu.dma_semaphore, #tpu.memory_space<semaphore_mem>>) src(%dma_wait3A_174 : memref<32000xf32, #tpu.memory_space<hbm>>) dst(%arg5 : memref<32000xf32, #tpu.memory_space<vmem>>)
    %dma_wait3A_175 = tpu.memref_slice %arg3[%add3A_150] : memref<12800000xf32, #tpu.memory_space<hbm>> -> memref<16000xf32, #tpu.memory_space<hbm>>
    %dma_wait3A_176 = tpu.memref_slice %arg3[%add3A_150] : memref<12800000xf32, #tpu.memory_space<hbm>> -> memref<16000xf32, #tpu.memory_space<hbm>>
    tpu.wait_dma2 semaphore(%arg12 : memref<!tpu.dma_semaphore, #tpu.memory_space<semaphore_mem>>) src(%arg7 : memref<16000xf32, #tpu.memory_space<vmem>>) dst(%dma_wait3A_176 : memref<16000xf32, #tpu.memory_space<hbm>>)
    %parallel_loop3A_177 = arith.constant 0 : i32
    %parallel_loop3A_178 = arith.constant 1000 : i32
    %parallel_loop3A_179 = arith.constant 1 : i32
    %parallel_loop3A_180 = scf.for %parallel_loop3A_405 = %parallel_loop3A_177 to %parallel_loop3A_178 step %parallel_loop3A_179 iter_args(%parallel_loop3A_406 = %mul3A_7) -> (vector<16xi32>)  : i32 {
      %parallel_loop3A_407 = tpu.vector_load_idx %arg5[%parallel_loop3A_406] : memref<32000xf32, #tpu.memory_space<vmem>>[vector<16xi32>], vector<16xf32>,
      %parallel_loop3A_408 = arith.constant 16 : i32
      %parallel_loop3A_409 = arith.muli %parallel_loop3A_405, %parallel_loop3A_408 : i32
      %parallel_loop3A_410 = arith.index_cast %parallel_loop3A_409 : i32 to index
      %parallel_loop3A_411 = tpu.vector_load %arg7[%parallel_loop3A_410] {strides = array<i32>} : memref<16000xf32, #tpu.memory_space<vmem>>, vector<16xf32>,
      tpu.vector_store %arg7[%parallel_loop3A_410], %parallel_loop3A_407 {strides = array<i32>} : memref<16000xf32, #tpu.memory_space<vmem>>, vector<16xf32>,
      %parallel_loop3A_412 = arith.constant 32 : i32
      %parallel_loop3A_413 = vector.broadcast %parallel_loop3A_412 : i32 to vector<16xi32>
      %parallel_loop3A_414 = arith.addi %parallel_loop3A_406, %parallel_loop3A_413 : vector<16xi32>
      scf.yield %parallel_loop3A_414 : vector<16xi32>
    } {sc.loop_unroll_factor = 8 : i64, sc.parallel_access}
    %add3A_181 = arith.constant 160000 : i32
    %add3A_182 = arith.addi %mul3A_4, %add3A_181 : i32
    %dma_start3A_183 = tpu.memref_slice %arg3[%add3A_182] : memref<12800000xf32, #tpu.memory_space<hbm>> -> memref<16000xf32, #tpu.memory_space<hbm>>
    %dma_start3A_184 = tpu.memref_slice %arg3[%add3A_182] : memref<12800000xf32, #tpu.memory_space<hbm>> -> memref<16000xf32, #tpu.memory_space<hbm>>
    tpu.enqueue_dma source(%arg7 : memref<16000xf32, #tpu.memory_space<vmem>>) target(%dma_start3A_184 : memref<16000xf32, #tpu.memory_space<hbm>>) target_semaphore(%arg12 : memref<!tpu.dma_semaphore, #tpu.memory_space<semaphore_mem>>)
    %add3A_185 = arith.constant 416000 : i32
    %add3A_186 = arith.addi %mul3A_2, %add3A_185 : i32
    %dma_start3A_187 = tpu.memref_slice %arg2[%add3A_186] : memref<25600000xf32, #tpu.memory_space<hbm>> -> memref<32000xf32, #tpu.memory_space<hbm>>
    %dma_start3A_188 = tpu.memref_slice %arg2[%add3A_186] : memref<25600000xf32, #tpu.memory_space<hbm>> -> memref<32000xf32, #tpu.memory_space<hbm>>
    tpu.enqueue_dma source(%dma_start3A_188 : memref<32000xf32, #tpu.memory_space<hbm>>) target(%arg5 : memref<32000xf32, #tpu.memory_space<vmem>>) target_semaphore(%arg10 : memref<!tpu.dma_semaphore, #tpu.memory_space<semaphore_mem>>)
    %dma_wait3A_189 = tpu.memref_slice %arg2[%add3A_154] : memref<25600000xf32, #tpu.memory_space<hbm>> -> memref<32000xf32, #tpu.memory_space<hbm>>
    %dma_wait3A_190 = tpu.memref_slice %arg2[%add3A_154] : memref<25600000xf32, #tpu.memory_space<hbm>> -> memref<32000xf32, #tpu.memory_space<hbm>>
    tpu.wait_dma2 semaphore(%arg11 : memref<!tpu.dma_semaphore, #tpu.memory_space<semaphore_mem>>) src(%dma_wait3A_190 : memref<32000xf32, #tpu.memory_space<hbm>>) dst(%arg6 : memref<32000xf32, #tpu.memory_space<vmem>>)
    %dma_wait3A_191 = tpu.memref_slice %arg3[%add3A_166] : memref<12800000xf32, #tpu.memory_space<hbm>> -> memref<16000xf32, #tpu.memory_space<hbm>>
    %dma_wait3A_192 = tpu.memref_slice %arg3[%add3A_166] : memref<12800000xf32, #tpu.memory_space<hbm>> -> memref<16000xf32, #tpu.memory_space<hbm>>
    tpu.wait_dma2 semaphore(%arg13 : memref<!tpu.dma_semaphore, #tpu.memory_space<semaphore_mem>>) src(%arg8 : memref<16000xf32, #tpu.memory_space<vmem>>) dst(%dma_wait3A_192 : memref<16000xf32, #tpu.memory_space<hbm>>)
    %parallel_loop3A_193 = arith.constant 0 : i32
    %parallel_loop3A_194 = arith.constant 1000 : i32
    %parallel_loop3A_195 = arith.constant 1 : i32
    %parallel_loop3A_196 = scf.for %parallel_loop3A_405 = %parallel_loop3A_193 to %parallel_loop3A_194 step %parallel_loop3A_195 iter_args(%parallel_loop3A_406 = %mul3A_7) -> (vector<16xi32>)  : i32 {
      %parallel_loop3A_407 = tpu.vector_load_idx %arg6[%parallel_loop3A_406] : memref<32000xf32, #tpu.memory_space<vmem>>[vector<16xi32>], vector<16xf32>,
      %parallel_loop3A_408 = arith.constant 16 : i32
      %parallel_loop3A_409 = arith.muli %parallel_loop3A_405, %parallel_loop3A_408 : i32
      %parallel_loop3A_410 = arith.index_cast %parallel_loop3A_409 : i32 to index
      %parallel_loop3A_411 = tpu.vector_load %arg8[%parallel_loop3A_410] {strides = array<i32>} : memref<16000xf32, #tpu.memory_space<vmem>>, vector<16xf32>,
      tpu.vector_store %arg8[%parallel_loop3A_410], %parallel_loop3A_407 {strides = array<i32>} : memref<16000xf32, #tpu.memory_space<vmem>>, vector<16xf32>,
      %parallel_loop3A_412 = arith.constant 32 : i32
      %parallel_loop3A_413 = vector.broadcast %parallel_loop3A_412 : i32 to vector<16xi32>
      %parallel_loop3A_414 = arith.addi %parallel_loop3A_406, %parallel_loop3A_413 : vector<16xi32>
      scf.yield %parallel_loop3A_414 : vector<16xi32>
    } {sc.loop_unroll_factor = 8 : i64, sc.parallel_access}
    %add3A_197 = arith.constant 176000 : i32
    %add3A_198 = arith.addi %mul3A_4, %add3A_197 : i32
    %dma_start3A_199 = tpu.memref_slice %arg3[%add3A_198] : memref<12800000xf32, #tpu.memory_space<hbm>> -> memref<16000xf32, #tpu.memory_space<hbm>>
    %dma_start3A_200 = tpu.memref_slice %arg3[%add3A_198] : memref<12800000xf32, #tpu.memory_space<hbm>> -> memref<16000xf32, #tpu.memory_space<hbm>>
    tpu.enqueue_dma source(%arg8 : memref<16000xf32, #tpu.memory_space<vmem>>) target(%dma_start3A_200 : memref<16000xf32, #tpu.memory_space<hbm>>) target_semaphore(%arg13 : memref<!tpu.dma_semaphore, #tpu.memory_space<semaphore_mem>>)
    %add3A_201 = arith.constant 448000 : i32
    %add3A_202 = arith.addi %mul3A_2, %add3A_201 : i32
    %dma_start3A_203 = tpu.memref_slice %arg2[%add3A_202] : memref<25600000xf32, #tpu.memory_space<hbm>> -> memref<32000xf32, #tpu.memory_space<hbm>>
    %dma_start3A_204 = tpu.memref_slice %arg2[%add3A_202] : memref<25600000xf32, #tpu.memory_space<hbm>> -> memref<32000xf32, #tpu.memory_space<hbm>>
    tpu.enqueue_dma source(%dma_start3A_204 : memref<32000xf32, #tpu.memory_space<hbm>>) target(%arg6 : memref<32000xf32, #tpu.memory_space<vmem>>) target_semaphore(%arg11 : memref<!tpu.dma_semaphore, #tpu.memory_space<semaphore_mem>>)
    %dma_wait3A_205 = tpu.memref_slice %arg2[%add3A_170] : memref<25600000xf32, #tpu.memory_space<hbm>> -> memref<32000xf32, #tpu.memory_space<hbm>>
    %dma_wait3A_206 = tpu.memref_slice %arg2[%add3A_170] : memref<25600000xf32, #tpu.memory_space<hbm>> -> memref<32000xf32, #tpu.memory_space<hbm>>
    tpu.wait_dma2 semaphore(%arg9 : memref<!tpu.dma_semaphore, #tpu.memory_space<semaphore_mem>>) src(%dma_wait3A_206 : memref<32000xf32, #tpu.memory_space<hbm>>) dst(%arg4 : memref<32000xf32, #tpu.memory_space<vmem>>)
    %dma_wait3A_207 = tpu.memref_slice %arg3[%add3A_182] : memref<12800000xf32, #tpu.memory_space<hbm>> -> memref<16000xf32, #tpu.memory_space<hbm>>
    %dma_wait3A_208 = tpu.memref_slice %arg3[%add3A_182] : memref<12800000xf32, #tpu.memory_space<hbm>> -> memref<16000xf32, #tpu.memory_space<hbm>>
    tpu.wait_dma2 semaphore(%arg12 : memref<!tpu.dma_semaphore, #tpu.memory_space<semaphore_mem>>) src(%arg7 : memref<16000xf32, #tpu.memory_space<vmem>>) dst(%dma_wait3A_208 : memref<16000xf32, #tpu.memory_space<hbm>>)
    %parallel_loop3A_209 = arith.constant 0 : i32
    %parallel_loop3A_210 = arith.constant 1000 : i32
    %parallel_loop3A_211 = arith.constant 1 : i32
    %parallel_loop3A_212 = scf.for %parallel_loop3A_405 = %parallel_loop3A_209 to %parallel_loop3A_210 step %parallel_loop3A_211 iter_args(%parallel_loop3A_406 = %mul3A_7) -> (vector<16xi32>)  : i32 {
      %parallel_loop3A_407 = tpu.vector_load_idx %arg4[%parallel_loop3A_406] : memref<32000xf32, #tpu.memory_space<vmem>>[vector<16xi32>], vector<16xf32>,
      %parallel_loop3A_408 = arith.constant 16 : i32
      %parallel_loop3A_409 = arith.muli %parallel_loop3A_405, %parallel_loop3A_408 : i32
      %parallel_loop3A_410 = arith.index_cast %parallel_loop3A_409 : i32 to index
      %parallel_loop3A_411 = tpu.vector_load %arg7[%parallel_loop3A_410] {strides = array<i32>} : memref<16000xf32, #tpu.memory_space<vmem>>, vector<16xf32>,
      tpu.vector_store %arg7[%parallel_loop3A_410], %parallel_loop3A_407 {strides = array<i32>} : memref<16000xf32, #tpu.memory_space<vmem>>, vector<16xf32>,
      %parallel_loop3A_412 = arith.constant 32 : i32
      %parallel_loop3A_413 = vector.broadcast %parallel_loop3A_412 : i32 to vector<16xi32>
      %parallel_loop3A_414 = arith.addi %parallel_loop3A_406, %parallel_loop3A_413 : vector<16xi32>
      scf.yield %parallel_loop3A_414 : vector<16xi32>
    } {sc.loop_unroll_factor = 8 : i64, sc.parallel_access}
    %add3A_213 = arith.constant 192000 : i32
    %add3A_214 = arith.addi %mul3A_4, %add3A_213 : i32
    %dma_start3A_215 = tpu.memref_slice %arg3[%add3A_214] : memref<12800000xf32, #tpu.memory_space<hbm>> -> memref<16000xf32, #tpu.memory_space<hbm>>
    %dma_start3A_216 = tpu.memref_slice %arg3[%add3A_214] : memref<12800000xf32, #tpu.memory_space<hbm>> -> memref<16000xf32, #tpu.memory_space<hbm>>
    tpu.enqueue_dma source(%arg7 : memref<16000xf32, #tpu.memory_space<vmem>>) target(%dma_start3A_216 : memref<16000xf32, #tpu.memory_space<hbm>>) target_semaphore(%arg12 : memref<!tpu.dma_semaphore, #tpu.memory_space<semaphore_mem>>)
    %add3A_217 = arith.constant 480000 : i32
    %add3A_218 = arith.addi %mul3A_2, %add3A_217 : i32
    %dma_start3A_219 = tpu.memref_slice %arg2[%add3A_218] : memref<25600000xf32, #tpu.memory_space<hbm>> -> memref<32000xf32, #tpu.memory_space<hbm>>
    %dma_start3A_220 = tpu.memref_slice %arg2[%add3A_218] : memref<25600000xf32, #tpu.memory_space<hbm>> -> memref<32000xf32, #tpu.memory_space<hbm>>
    tpu.enqueue_dma source(%dma_start3A_220 : memref<32000xf32, #tpu.memory_space<hbm>>) target(%arg4 : memref<32000xf32, #tpu.memory_space<vmem>>) target_semaphore(%arg9 : memref<!tpu.dma_semaphore, #tpu.memory_space<semaphore_mem>>)
    %dma_wait3A_221 = tpu.memref_slice %arg2[%add3A_186] : memref<25600000xf32, #tpu.memory_space<hbm>> -> memref<32000xf32, #tpu.memory_space<hbm>>
    %dma_wait3A_222 = tpu.memref_slice %arg2[%add3A_186] : memref<25600000xf32, #tpu.memory_space<hbm>> -> memref<32000xf32, #tpu.memory_space<hbm>>
    tpu.wait_dma2 semaphore(%arg10 : memref<!tpu.dma_semaphore, #tpu.memory_space<semaphore_mem>>) src(%dma_wait3A_222 : memref<32000xf32, #tpu.memory_space<hbm>>) dst(%arg5 : memref<32000xf32, #tpu.memory_space<vmem>>)
    %dma_wait3A_223 = tpu.memref_slice %arg3[%add3A_198] : memref<12800000xf32, #tpu.memory_space<hbm>> -> memref<16000xf32, #tpu.memory_space<hbm>>
    %dma_wait3A_224 = tpu.memref_slice %arg3[%add3A_198] : memref<12800000xf32, #tpu.memory_space<hbm>> -> memref<16000xf32, #tpu.memory_space<hbm>>
    tpu.wait_dma2 semaphore(%arg13 : memref<!tpu.dma_semaphore, #tpu.memory_space<semaphore_mem>>) src(%arg8 : memref<16000xf32, #tpu.memory_space<vmem>>) dst(%dma_wait3A_224 : memref<16000xf32, #tpu.memory_space<hbm>>)
    %parallel_loop3A_225 = arith.constant 0 : i32
    %parallel_loop3A_226 = arith.constant 1000 : i32
    %parallel_loop3A_227 = arith.constant 1 : i32
    %parallel_loop3A_228 = scf.for %parallel_loop3A_405 = %parallel_loop3A_225 to %parallel_loop3A_226 step %parallel_loop3A_227 iter_args(%parallel_loop3A_406 = %mul3A_7) -> (vector<16xi32>)  : i32 {
      %parallel_loop3A_407 = tpu.vector_load_idx %arg5[%parallel_loop3A_406] : memref<32000xf32, #tpu.memory_space<vmem>>[vector<16xi32>], vector<16xf32>,
      %parallel_loop3A_408 = arith.constant 16 : i32
      %parallel_loop3A_409 = arith.muli %parallel_loop3A_405, %parallel_loop3A_408 : i32
      %parallel_loop3A_410 = arith.index_cast %parallel_loop3A_409 : i32 to index
      %parallel_loop3A_411 = tpu.vector_load %arg8[%parallel_loop3A_410] {strides = array<i32>} : memref<16000xf32, #tpu.memory_space<vmem>>, vector<16xf32>,
      tpu.vector_store %arg8[%parallel_loop3A_410], %parallel_loop3A_407 {strides = array<i32>} : memref<16000xf32, #tpu.memory_space<vmem>>, vector<16xf32>,
      %parallel_loop3A_412 = arith.constant 32 : i32
      %parallel_loop3A_413 = vector.broadcast %parallel_loop3A_412 : i32 to vector<16xi32>
      %parallel_loop3A_414 = arith.addi %parallel_loop3A_406, %parallel_loop3A_413 : vector<16xi32>
      scf.yield %parallel_loop3A_414 : vector<16xi32>
    } {sc.loop_unroll_factor = 8 : i64, sc.parallel_access}
    %add3A_229 = arith.constant 208000 : i32
    %add3A_230 = arith.addi %mul3A_4, %add3A_229 : i32
    %dma_start3A_231 = tpu.memref_slice %arg3[%add3A_230] : memref<12800000xf32, #tpu.memory_space<hbm>> -> memref<16000xf32, #tpu.memory_space<hbm>>
    %dma_start3A_232 = tpu.memref_slice %arg3[%add3A_230] : memref<12800000xf32, #tpu.memory_space<hbm>> -> memref<16000xf32, #tpu.memory_space<hbm>>
    tpu.enqueue_dma source(%arg8 : memref<16000xf32, #tpu.memory_space<vmem>>) target(%dma_start3A_232 : memref<16000xf32, #tpu.memory_space<hbm>>) target_semaphore(%arg13 : memref<!tpu.dma_semaphore, #tpu.memory_space<semaphore_mem>>)
    %add3A_233 = arith.constant 512000 : i32
    %add3A_234 = arith.addi %mul3A_2, %add3A_233 : i32
    %dma_start3A_235 = tpu.memref_slice %arg2[%add3A_234] : memref<25600000xf32, #tpu.memory_space<hbm>> -> memref<32000xf32, #tpu.memory_space<hbm>>
    %dma_start3A_236 = tpu.memref_slice %arg2[%add3A_234] : memref<25600000xf32, #tpu.memory_space<hbm>> -> memref<32000xf32, #tpu.memory_space<hbm>>
    tpu.enqueue_dma source(%dma_start3A_236 : memref<32000xf32, #tpu.memory_space<hbm>>) target(%arg5 : memref<32000xf32, #tpu.memory_space<vmem>>) target_semaphore(%arg10 : memref<!tpu.dma_semaphore, #tpu.memory_space<semaphore_mem>>)
    %dma_wait3A_237 = tpu.memref_slice %arg2[%add3A_202] : memref<25600000xf32, #tpu.memory_space<hbm>> -> memref<32000xf32, #tpu.memory_space<hbm>>
    %dma_wait3A_238 = tpu.memref_slice %arg2[%add3A_202] : memref<25600000xf32, #tpu.memory_space<hbm>> -> memref<32000xf32, #tpu.memory_space<hbm>>
    tpu.wait_dma2 semaphore(%arg11 : memref<!tpu.dma_semaphore, #tpu.memory_space<semaphore_mem>>) src(%dma_wait3A_238 : memref<32000xf32, #tpu.memory_space<hbm>>) dst(%arg6 : memref<32000xf32, #tpu.memory_space<vmem>>)
    %dma_wait3A_239 = tpu.memref_slice %arg3[%add3A_214] : memref<12800000xf32, #tpu.memory_space<hbm>> -> memref<16000xf32, #tpu.memory_space<hbm>>
    %dma_wait3A_240 = tpu.memref_slice %arg3[%add3A_214] : memref<12800000xf32, #tpu.memory_space<hbm>> -> memref<16000xf32, #tpu.memory_space<hbm>>
    tpu.wait_dma2 semaphore(%arg12 : memref<!tpu.dma_semaphore, #tpu.memory_space<semaphore_mem>>) src(%arg7 : memref<16000xf32, #tpu.memory_space<vmem>>) dst(%dma_wait3A_240 : memref<16000xf32, #tpu.memory_space<hbm>>)
    %parallel_loop3A_241 = arith.constant 0 : i32
    %parallel_loop3A_242 = arith.constant 1000 : i32
    %parallel_loop3A_243 = arith.constant 1 : i32
    %parallel_loop3A_244 = scf.for %parallel_loop3A_405 = %parallel_loop3A_241 to %parallel_loop3A_242 step %parallel_loop3A_243 iter_args(%parallel_loop3A_406 = %mul3A_7) -> (vector<16xi32>)  : i32 {
      %parallel_loop3A_407 = tpu.vector_load_idx %arg6[%parallel_loop3A_406] : memref<32000xf32, #tpu.memory_space<vmem>>[vector<16xi32>], vector<16xf32>,
      %parallel_loop3A_408 = arith.constant 16 : i32
      %parallel_loop3A_409 = arith.muli %parallel_loop3A_405, %parallel_loop3A_408 : i32
      %parallel_loop3A_410 = arith.index_cast %parallel_loop3A_409 : i32 to index
      %parallel_loop3A_411 = tpu.vector_load %arg7[%parallel_loop3A_410] {strides = array<i32>} : memref<16000xf32, #tpu.memory_space<vmem>>, vector<16xf32>,
      tpu.vector_store %arg7[%parallel_loop3A_410], %parallel_loop3A_407 {strides = array<i32>} : memref<16000xf32, #tpu.memory_space<vmem>>, vector<16xf32>,
      %parallel_loop3A_412 = arith.constant 32 : i32
      %parallel_loop3A_413 = vector.broadcast %parallel_loop3A_412 : i32 to vector<16xi32>
      %parallel_loop3A_414 = arith.addi %parallel_loop3A_406, %parallel_loop3A_413 : vector<16xi32>
      scf.yield %parallel_loop3A_414 : vector<16xi32>
    } {sc.loop_unroll_factor = 8 : i64, sc.parallel_access}
    %add3A_245 = arith.constant 224000 : i32
    %add3A_246 = arith.addi %mul3A_4, %add3A_245 : i32
    %dma_start3A_247 = tpu.memref_slice %arg3[%add3A_246] : memref<12800000xf32, #tpu.memory_space<hbm>> -> memref<16000xf32, #tpu.memory_space<hbm>>
    %dma_start3A_248 = tpu.memref_slice %arg3[%add3A_246] : memref<12800000xf32, #tpu.memory_space<hbm>> -> memref<16000xf32, #tpu.memory_space<hbm>>
    tpu.enqueue_dma source(%arg7 : memref<16000xf32, #tpu.memory_space<vmem>>) target(%dma_start3A_248 : memref<16000xf32, #tpu.memory_space<hbm>>) target_semaphore(%arg12 : memref<!tpu.dma_semaphore, #tpu.memory_space<semaphore_mem>>)
    %add3A_249 = arith.constant 544000 : i32
    %add3A_250 = arith.addi %mul3A_2, %add3A_249 : i32
    %dma_start3A_251 = tpu.memref_slice %arg2[%add3A_250] : memref<25600000xf32, #tpu.memory_space<hbm>> -> memref<32000xf32, #tpu.memory_space<hbm>>
    %dma_start3A_252 = tpu.memref_slice %arg2[%add3A_250] : memref<25600000xf32, #tpu.memory_space<hbm>> -> memref<32000xf32, #tpu.memory_space<hbm>>
    tpu.enqueue_dma source(%dma_start3A_252 : memref<32000xf32, #tpu.memory_space<hbm>>) target(%arg6 : memref<32000xf32, #tpu.memory_space<vmem>>) target_semaphore(%arg11 : memref<!tpu.dma_semaphore, #tpu.memory_space<semaphore_mem>>)
    %dma_wait3A_253 = tpu.memref_slice %arg2[%add3A_218] : memref<25600000xf32, #tpu.memory_space<hbm>> -> memref<32000xf32, #tpu.memory_space<hbm>>
    %dma_wait3A_254 = tpu.memref_slice %arg2[%add3A_218] : memref<25600000xf32, #tpu.memory_space<hbm>> -> memref<32000xf32, #tpu.memory_space<hbm>>
    tpu.wait_dma2 semaphore(%arg9 : memref<!tpu.dma_semaphore, #tpu.memory_space<semaphore_mem>>) src(%dma_wait3A_254 : memref<32000xf32, #tpu.memory_space<hbm>>) dst(%arg4 : memref<32000xf32, #tpu.memory_space<vmem>>)
    %dma_wait3A_255 = tpu.memref_slice %arg3[%add3A_230] : memref<12800000xf32, #tpu.memory_space<hbm>> -> memref<16000xf32, #tpu.memory_space<hbm>>
    %dma_wait3A_256 = tpu.memref_slice %arg3[%add3A_230] : memref<12800000xf32, #tpu.memory_space<hbm>> -> memref<16000xf32, #tpu.memory_space<hbm>>
    tpu.wait_dma2 semaphore(%arg13 : memref<!tpu.dma_semaphore, #tpu.memory_space<semaphore_mem>>) src(%arg8 : memref<16000xf32, #tpu.memory_space<vmem>>) dst(%dma_wait3A_256 : memref<16000xf32, #tpu.memory_space<hbm>>)
    %parallel_loop3A_257 = arith.constant 0 : i32
    %parallel_loop3A_258 = arith.constant 1000 : i32
    %parallel_loop3A_259 = arith.constant 1 : i32
    %parallel_loop3A_260 = scf.for %parallel_loop3A_405 = %parallel_loop3A_257 to %parallel_loop3A_258 step %parallel_loop3A_259 iter_args(%parallel_loop3A_406 = %mul3A_7) -> (vector<16xi32>)  : i32 {
      %parallel_loop3A_407 = tpu.vector_load_idx %arg4[%parallel_loop3A_406] : memref<32000xf32, #tpu.memory_space<vmem>>[vector<16xi32>], vector<16xf32>,
      %parallel_loop3A_408 = arith.constant 16 : i32
      %parallel_loop3A_409 = arith.muli %parallel_loop3A_405, %parallel_loop3A_408 : i32
      %parallel_loop3A_410 = arith.index_cast %parallel_loop3A_409 : i32 to index
      %parallel_loop3A_411 = tpu.vector_load %arg8[%parallel_loop3A_410] {strides = array<i32>} : memref<16000xf32, #tpu.memory_space<vmem>>, vector<16xf32>,
      tpu.vector_store %arg8[%parallel_loop3A_410], %parallel_loop3A_407 {strides = array<i32>} : memref<16000xf32, #tpu.memory_space<vmem>>, vector<16xf32>,
      %parallel_loop3A_412 = arith.constant 32 : i32
      %parallel_loop3A_413 = vector.broadcast %parallel_loop3A_412 : i32 to vector<16xi32>
      %parallel_loop3A_414 = arith.addi %parallel_loop3A_406, %parallel_loop3A_413 : vector<16xi32>
      scf.yield %parallel_loop3A_414 : vector<16xi32>
    } {sc.loop_unroll_factor = 8 : i64, sc.parallel_access}
    %add3A_261 = arith.constant 240000 : i32
    %add3A_262 = arith.addi %mul3A_4, %add3A_261 : i32
    %dma_start3A_263 = tpu.memref_slice %arg3[%add3A_262] : memref<12800000xf32, #tpu.memory_space<hbm>> -> memref<16000xf32, #tpu.memory_space<hbm>>
    %dma_start3A_264 = tpu.memref_slice %arg3[%add3A_262] : memref<12800000xf32, #tpu.memory_space<hbm>> -> memref<16000xf32, #tpu.memory_space<hbm>>
    tpu.enqueue_dma source(%arg8 : memref<16000xf32, #tpu.memory_space<vmem>>) target(%dma_start3A_264 : memref<16000xf32, #tpu.memory_space<hbm>>) target_semaphore(%arg13 : memref<!tpu.dma_semaphore, #tpu.memory_space<semaphore_mem>>)
    %add3A_265 = arith.constant 576000 : i32
    %add3A_266 = arith.addi %mul3A_2, %add3A_265 : i32
    %dma_start3A_267 = tpu.memref_slice %arg2[%add3A_266] : memref<25600000xf32, #tpu.memory_space<hbm>> -> memref<32000xf32, #tpu.memory_space<hbm>>
    %dma_start3A_268 = tpu.memref_slice %arg2[%add3A_266] : memref<25600000xf32, #tpu.memory_space<hbm>> -> memref<32000xf32, #tpu.memory_space<hbm>>
    tpu.enqueue_dma source(%dma_start3A_268 : memref<32000xf32, #tpu.memory_space<hbm>>) target(%arg4 : memref<32000xf32, #tpu.memory_space<vmem>>) target_semaphore(%arg9 : memref<!tpu.dma_semaphore, #tpu.memory_space<semaphore_mem>>)
    %dma_wait3A_269 = tpu.memref_slice %arg2[%add3A_234] : memref<25600000xf32, #tpu.memory_space<hbm>> -> memref<32000xf32, #tpu.memory_space<hbm>>
    %dma_wait3A_270 = tpu.memref_slice %arg2[%add3A_234] : memref<25600000xf32, #tpu.memory_space<hbm>> -> memref<32000xf32, #tpu.memory_space<hbm>>
    tpu.wait_dma2 semaphore(%arg10 : memref<!tpu.dma_semaphore, #tpu.memory_space<semaphore_mem>>) src(%dma_wait3A_270 : memref<32000xf32, #tpu.memory_space<hbm>>) dst(%arg5 : memref<32000xf32, #tpu.memory_space<vmem>>)
    %dma_wait3A_271 = tpu.memref_slice %arg3[%add3A_246] : memref<12800000xf32, #tpu.memory_space<hbm>> -> memref<16000xf32, #tpu.memory_space<hbm>>
    %dma_wait3A_272 = tpu.memref_slice %arg3[%add3A_246] : memref<12800000xf32, #tpu.memory_space<hbm>> -> memref<16000xf32, #tpu.memory_space<hbm>>
    tpu.wait_dma2 semaphore(%arg12 : memref<!tpu.dma_semaphore, #tpu.memory_space<semaphore_mem>>) src(%arg7 : memref<16000xf32, #tpu.memory_space<vmem>>) dst(%dma_wait3A_272 : memref<16000xf32, #tpu.memory_space<hbm>>)
    %parallel_loop3A_273 = arith.constant 0 : i32
    %parallel_loop3A_274 = arith.constant 1000 : i32
    %parallel_loop3A_275 = arith.constant 1 : i32
    %parallel_loop3A_276 = scf.for %parallel_loop3A_405 = %parallel_loop3A_273 to %parallel_loop3A_274 step %parallel_loop3A_275 iter_args(%parallel_loop3A_406 = %mul3A_7) -> (vector<16xi32>)  : i32 {
      %parallel_loop3A_407 = tpu.vector_load_idx %arg5[%parallel_loop3A_406] : memref<32000xf32, #tpu.memory_space<vmem>>[vector<16xi32>], vector<16xf32>,
      %parallel_loop3A_408 = arith.constant 16 : i32
      %parallel_loop3A_409 = arith.muli %parallel_loop3A_405, %parallel_loop3A_408 : i32
      %parallel_loop3A_410 = arith.index_cast %parallel_loop3A_409 : i32 to index
      %parallel_loop3A_411 = tpu.vector_load %arg7[%parallel_loop3A_410] {strides = array<i32>} : memref<16000xf32, #tpu.memory_space<vmem>>, vector<16xf32>,
      tpu.vector_store %arg7[%parallel_loop3A_410], %parallel_loop3A_407 {strides = array<i32>} : memref<16000xf32, #tpu.memory_space<vmem>>, vector<16xf32>,
      %parallel_loop3A_412 = arith.constant 32 : i32
      %parallel_loop3A_413 = vector.broadcast %parallel_loop3A_412 : i32 to vector<16xi32>
      %parallel_loop3A_414 = arith.addi %parallel_loop3A_406, %parallel_loop3A_413 : vector<16xi32>
      scf.yield %parallel_loop3A_414 : vector<16xi32>
    } {sc.loop_unroll_factor = 8 : i64, sc.parallel_access}
    %add3A_277 = arith.constant 256000 : i32
    %add3A_278 = arith.addi %mul3A_4, %add3A_277 : i32
    %dma_start3A_279 = tpu.memref_slice %arg3[%add3A_278] : memref<12800000xf32, #tpu.memory_space<hbm>> -> memref<16000xf32, #tpu.memory_space<hbm>>
    %dma_start3A_280 = tpu.memref_slice %arg3[%add3A_278] : memref<12800000xf32, #tpu.memory_space<hbm>> -> memref<16000xf32, #tpu.memory_space<hbm>>
    tpu.enqueue_dma source(%arg7 : memref<16000xf32, #tpu.memory_space<vmem>>) target(%dma_start3A_280 : memref<16000xf32, #tpu.memory_space<hbm>>) target_semaphore(%arg12 : memref<!tpu.dma_semaphore, #tpu.memory_space<semaphore_mem>>)
    %add3A_281 = arith.constant 608000 : i32
    %add3A_282 = arith.addi %mul3A_2, %add3A_281 : i32
    %dma_start3A_283 = tpu.memref_slice %arg2[%add3A_282] : memref<25600000xf32, #tpu.memory_space<hbm>> -> memref<32000xf32, #tpu.memory_space<hbm>>
    %dma_start3A_284 = tpu.memref_slice %arg2[%add3A_282] : memref<25600000xf32, #tpu.memory_space<hbm>> -> memref<32000xf32, #tpu.memory_space<hbm>>
    tpu.enqueue_dma source(%dma_start3A_284 : memref<32000xf32, #tpu.memory_space<hbm>>) target(%arg5 : memref<32000xf32, #tpu.memory_space<vmem>>) target_semaphore(%arg10 : memref<!tpu.dma_semaphore, #tpu.memory_space<semaphore_mem>>)
    %dma_wait3A_285 = tpu.memref_slice %arg2[%add3A_250] : memref<25600000xf32, #tpu.memory_space<hbm>> -> memref<32000xf32, #tpu.memory_space<hbm>>
    %dma_wait3A_286 = tpu.memref_slice %arg2[%add3A_250] : memref<25600000xf32, #tpu.memory_space<hbm>> -> memref<32000xf32, #tpu.memory_space<hbm>>
    tpu.wait_dma2 semaphore(%arg11 : memref<!tpu.dma_semaphore, #tpu.memory_space<semaphore_mem>>) src(%dma_wait3A_286 : memref<32000xf32, #tpu.memory_space<hbm>>) dst(%arg6 : memref<32000xf32, #tpu.memory_space<vmem>>)
    %dma_wait3A_287 = tpu.memref_slice %arg3[%add3A_262] : memref<12800000xf32, #tpu.memory_space<hbm>> -> memref<16000xf32, #tpu.memory_space<hbm>>
    %dma_wait3A_288 = tpu.memref_slice %arg3[%add3A_262] : memref<12800000xf32, #tpu.memory_space<hbm>> -> memref<16000xf32, #tpu.memory_space<hbm>>
    tpu.wait_dma2 semaphore(%arg13 : memref<!tpu.dma_semaphore, #tpu.memory_space<semaphore_mem>>) src(%arg8 : memref<16000xf32, #tpu.memory_space<vmem>>) dst(%dma_wait3A_288 : memref<16000xf32, #tpu.memory_space<hbm>>)
    %parallel_loop3A_289 = arith.constant 0 : i32
    %parallel_loop3A_290 = arith.constant 1000 : i32
    %parallel_loop3A_291 = arith.constant 1 : i32
    %parallel_loop3A_292 = scf.for %parallel_loop3A_405 = %parallel_loop3A_289 to %parallel_loop3A_290 step %parallel_loop3A_291 iter_args(%parallel_loop3A_406 = %mul3A_7) -> (vector<16xi32>)  : i32 {
      %parallel_loop3A_407 = tpu.vector_load_idx %arg6[%parallel_loop3A_406] : memref<32000xf32, #tpu.memory_space<vmem>>[vector<16xi32>], vector<16xf32>,
      %parallel_loop3A_408 = arith.constant 16 : i32
      %parallel_loop3A_409 = arith.muli %parallel_loop3A_405, %parallel_loop3A_408 : i32
      %parallel_loop3A_410 = arith.index_cast %parallel_loop3A_409 : i32 to index
      %parallel_loop3A_411 = tpu.vector_load %arg8[%parallel_loop3A_410] {strides = array<i32>} : memref<16000xf32, #tpu.memory_space<vmem>>, vector<16xf32>,
      tpu.vector_store %arg8[%parallel_loop3A_410], %parallel_loop3A_407 {strides = array<i32>} : memref<16000xf32, #tpu.memory_space<vmem>>, vector<16xf32>,
      %parallel_loop3A_412 = arith.constant 32 : i32
      %parallel_loop3A_413 = vector.broadcast %parallel_loop3A_412 : i32 to vector<16xi32>
      %parallel_loop3A_414 = arith.addi %parallel_loop3A_406, %parallel_loop3A_413 : vector<16xi32>
      scf.yield %parallel_loop3A_414 : vector<16xi32>
    } {sc.loop_unroll_factor = 8 : i64, sc.parallel_access}
    %add3A_293 = arith.constant 272000 : i32
    %add3A_294 = arith.addi %mul3A_4, %add3A_293 : i32
    %dma_start3A_295 = tpu.memref_slice %arg3[%add3A_294] : memref<12800000xf32, #tpu.memory_space<hbm>> -> memref<16000xf32, #tpu.memory_space<hbm>>
    %dma_start3A_296 = tpu.memref_slice %arg3[%add3A_294] : memref<12800000xf32, #tpu.memory_space<hbm>> -> memref<16000xf32, #tpu.memory_space<hbm>>
    tpu.enqueue_dma source(%arg8 : memref<16000xf32, #tpu.memory_space<vmem>>) target(%dma_start3A_296 : memref<16000xf32, #tpu.memory_space<hbm>>) target_semaphore(%arg13 : memref<!tpu.dma_semaphore, #tpu.memory_space<semaphore_mem>>)
    %add3A_297 = arith.constant 640000 : i32
    %add3A_298 = arith.addi %mul3A_2, %add3A_297 : i32
    %dma_start3A_299 = tpu.memref_slice %arg2[%add3A_298] : memref<25600000xf32, #tpu.memory_space<hbm>> -> memref<32000xf32, #tpu.memory_space<hbm>>
    %dma_start3A_300 = tpu.memref_slice %arg2[%add3A_298] : memref<25600000xf32, #tpu.memory_space<hbm>> -> memref<32000xf32, #tpu.memory_space<hbm>>
    tpu.enqueue_dma source(%dma_start3A_300 : memref<32000xf32, #tpu.memory_space<hbm>>) target(%arg6 : memref<32000xf32, #tpu.memory_space<vmem>>) target_semaphore(%arg11 : memref<!tpu.dma_semaphore, #tpu.memory_space<semaphore_mem>>)
    %dma_wait3A_301 = tpu.memref_slice %arg2[%add3A_266] : memref<25600000xf32, #tpu.memory_space<hbm>> -> memref<32000xf32, #tpu.memory_space<hbm>>
    %dma_wait3A_302 = tpu.memref_slice %arg2[%add3A_266] : memref<25600000xf32, #tpu.memory_space<hbm>> -> memref<32000xf32, #tpu.memory_space<hbm>>
    tpu.wait_dma2 semaphore(%arg9 : memref<!tpu.dma_semaphore, #tpu.memory_space<semaphore_mem>>) src(%dma_wait3A_302 : memref<32000xf32, #tpu.memory_space<hbm>>) dst(%arg4 : memref<32000xf32, #tpu.memory_space<vmem>>)
    %dma_wait3A_303 = tpu.memref_slice %arg3[%add3A_278] : memref<12800000xf32, #tpu.memory_space<hbm>> -> memref<16000xf32, #tpu.memory_space<hbm>>
    %dma_wait3A_304 = tpu.memref_slice %arg3[%add3A_278] : memref<12800000xf32, #tpu.memory_space<hbm>> -> memref<16000xf32, #tpu.memory_space<hbm>>
    tpu.wait_dma2 semaphore(%arg12 : memref<!tpu.dma_semaphore, #tpu.memory_space<semaphore_mem>>) src(%arg7 : memref<16000xf32, #tpu.memory_space<vmem>>) dst(%dma_wait3A_304 : memref<16000xf32, #tpu.memory_space<hbm>>)
    %parallel_loop3A_305 = arith.constant 0 : i32
    %parallel_loop3A_306 = arith.constant 1000 : i32
    %parallel_loop3A_307 = arith.constant 1 : i32
    %parallel_loop3A_308 = scf.for %parallel_loop3A_405 = %parallel_loop3A_305 to %parallel_loop3A_306 step %parallel_loop3A_307 iter_args(%parallel_loop3A_406 = %mul3A_7) -> (vector<16xi32>)  : i32 {
      %parallel_loop3A_407 = tpu.vector_load_idx %arg4[%parallel_loop3A_406] : memref<32000xf32, #tpu.memory_space<vmem>>[vector<16xi32>], vector<16xf32>,
      %parallel_loop3A_408 = arith.constant 16 : i32
      %parallel_loop3A_409 = arith.muli %parallel_loop3A_405, %parallel_loop3A_408 : i32
      %parallel_loop3A_410 = arith.index_cast %parallel_loop3A_409 : i32 to index
      %parallel_loop3A_411 = tpu.vector_load %arg7[%parallel_loop3A_410] {strides = array<i32>} : memref<16000xf32, #tpu.memory_space<vmem>>, vector<16xf32>,
      tpu.vector_store %arg7[%parallel_loop3A_410], %parallel_loop3A_407 {strides = array<i32>} : memref<16000xf32, #tpu.memory_space<vmem>>, vector<16xf32>,
      %parallel_loop3A_412 = arith.constant 32 : i32
      %parallel_loop3A_413 = vector.broadcast %parallel_loop3A_412 : i32 to vector<16xi32>
      %parallel_loop3A_414 = arith.addi %parallel_loop3A_406, %parallel_loop3A_413 : vector<16xi32>
      scf.yield %parallel_loop3A_414 : vector<16xi32>
    } {sc.loop_unroll_factor = 8 : i64, sc.parallel_access}
    %add3A_309 = arith.constant 288000 : i32
    %add3A_310 = arith.addi %mul3A_4, %add3A_309 : i32
    %dma_start3A_311 = tpu.memref_slice %arg3[%add3A_310] : memref<12800000xf32, #tpu.memory_space<hbm>> -> memref<16000xf32, #tpu.memory_space<hbm>>
    %dma_start3A_312 = tpu.memref_slice %arg3[%add3A_310] : memref<12800000xf32, #tpu.memory_space<hbm>> -> memref<16000xf32, #tpu.memory_space<hbm>>
    tpu.enqueue_dma source(%arg7 : memref<16000xf32, #tpu.memory_space<vmem>>) target(%dma_start3A_312 : memref<16000xf32, #tpu.memory_space<hbm>>) target_semaphore(%arg12 : memref<!tpu.dma_semaphore, #tpu.memory_space<semaphore_mem>>)
    %add3A_313 = arith.constant 672000 : i32
    %add3A_314 = arith.addi %mul3A_2, %add3A_313 : i32
    %dma_start3A_315 = tpu.memref_slice %arg2[%add3A_314] : memref<25600000xf32, #tpu.memory_space<hbm>> -> memref<32000xf32, #tpu.memory_space<hbm>>
    %dma_start3A_316 = tpu.memref_slice %arg2[%add3A_314] : memref<25600000xf32, #tpu.memory_space<hbm>> -> memref<32000xf32, #tpu.memory_space<hbm>>
    tpu.enqueue_dma source(%dma_start3A_316 : memref<32000xf32, #tpu.memory_space<hbm>>) target(%arg4 : memref<32000xf32, #tpu.memory_space<vmem>>) target_semaphore(%arg9 : memref<!tpu.dma_semaphore, #tpu.memory_space<semaphore_mem>>)
    %dma_wait3A_317 = tpu.memref_slice %arg2[%add3A_282] : memref<25600000xf32, #tpu.memory_space<hbm>> -> memref<32000xf32, #tpu.memory_space<hbm>>
    %dma_wait3A_318 = tpu.memref_slice %arg2[%add3A_282] : memref<25600000xf32, #tpu.memory_space<hbm>> -> memref<32000xf32, #tpu.memory_space<hbm>>
    tpu.wait_dma2 semaphore(%arg10 : memref<!tpu.dma_semaphore, #tpu.memory_space<semaphore_mem>>) src(%dma_wait3A_318 : memref<32000xf32, #tpu.memory_space<hbm>>) dst(%arg5 : memref<32000xf32, #tpu.memory_space<vmem>>)
    %dma_wait3A_319 = tpu.memref_slice %arg3[%add3A_294] : memref<12800000xf32, #tpu.memory_space<hbm>> -> memref<16000xf32, #tpu.memory_space<hbm>>
    %dma_wait3A_320 = tpu.memref_slice %arg3[%add3A_294] : memref<12800000xf32, #tpu.memory_space<hbm>> -> memref<16000xf32, #tpu.memory_space<hbm>>
    tpu.wait_dma2 semaphore(%arg13 : memref<!tpu.dma_semaphore, #tpu.memory_space<semaphore_mem>>) src(%arg8 : memref<16000xf32, #tpu.memory_space<vmem>>) dst(%dma_wait3A_320 : memref<16000xf32, #tpu.memory_space<hbm>>)
    %parallel_loop3A_321 = arith.constant 0 : i32
    %parallel_loop3A_322 = arith.constant 1000 : i32
    %parallel_loop3A_323 = arith.constant 1 : i32
    %parallel_loop3A_324 = scf.for %parallel_loop3A_405 = %parallel_loop3A_321 to %parallel_loop3A_322 step %parallel_loop3A_323 iter_args(%parallel_loop3A_406 = %mul3A_7) -> (vector<16xi32>)  : i32 {
      %parallel_loop3A_407 = tpu.vector_load_idx %arg5[%parallel_loop3A_406] : memref<32000xf32, #tpu.memory_space<vmem>>[vector<16xi32>], vector<16xf32>,
      %parallel_loop3A_408 = arith.constant 16 : i32
      %parallel_loop3A_409 = arith.muli %parallel_loop3A_405, %parallel_loop3A_408 : i32
      %parallel_loop3A_410 = arith.index_cast %parallel_loop3A_409 : i32 to index
      %parallel_loop3A_411 = tpu.vector_load %arg8[%parallel_loop3A_410] {strides = array<i32>} : memref<16000xf32, #tpu.memory_space<vmem>>, vector<16xf32>,
      tpu.vector_store %arg8[%parallel_loop3A_410], %parallel_loop3A_407 {strides = array<i32>} : memref<16000xf32, #tpu.memory_space<vmem>>, vector<16xf32>,
      %parallel_loop3A_412 = arith.constant 32 : i32
      %parallel_loop3A_413 = vector.broadcast %parallel_loop3A_412 : i32 to vector<16xi32>
      %parallel_loop3A_414 = arith.addi %parallel_loop3A_406, %parallel_loop3A_413 : vector<16xi32>
      scf.yield %parallel_loop3A_414 : vector<16xi32>
    } {sc.loop_unroll_factor = 8 : i64, sc.parallel_access}
    %add3A_325 = arith.constant 304000 : i32
    %add3A_326 = arith.addi %mul3A_4, %add3A_325 : i32
    %dma_start3A_327 = tpu.memref_slice %arg3[%add3A_326] : memref<12800000xf32, #tpu.memory_space<hbm>> -> memref<16000xf32, #tpu.memory_space<hbm>>
    %dma_start3A_328 = tpu.memref_slice %arg3[%add3A_326] : memref<12800000xf32, #tpu.memory_space<hbm>> -> memref<16000xf32, #tpu.memory_space<hbm>>
    tpu.enqueue_dma source(%arg8 : memref<16000xf32, #tpu.memory_space<vmem>>) target(%dma_start3A_328 : memref<16000xf32, #tpu.memory_space<hbm>>) target_semaphore(%arg13 : memref<!tpu.dma_semaphore, #tpu.memory_space<semaphore_mem>>)
    %add3A_329 = arith.constant 704000 : i32
    %add3A_330 = arith.addi %mul3A_2, %add3A_329 : i32
    %dma_start3A_331 = tpu.memref_slice %arg2[%add3A_330] : memref<25600000xf32, #tpu.memory_space<hbm>> -> memref<32000xf32, #tpu.memory_space<hbm>>
    %dma_start3A_332 = tpu.memref_slice %arg2[%add3A_330] : memref<25600000xf32, #tpu.memory_space<hbm>> -> memref<32000xf32, #tpu.memory_space<hbm>>
    tpu.enqueue_dma source(%dma_start3A_332 : memref<32000xf32, #tpu.memory_space<hbm>>) target(%arg5 : memref<32000xf32, #tpu.memory_space<vmem>>) target_semaphore(%arg10 : memref<!tpu.dma_semaphore, #tpu.memory_space<semaphore_mem>>)
    %dma_wait3A_333 = tpu.memref_slice %arg2[%add3A_298] : memref<25600000xf32, #tpu.memory_space<hbm>> -> memref<32000xf32, #tpu.memory_space<hbm>>
    %dma_wait3A_334 = tpu.memref_slice %arg2[%add3A_298] : memref<25600000xf32, #tpu.memory_space<hbm>> -> memref<32000xf32, #tpu.memory_space<hbm>>
    tpu.wait_dma2 semaphore(%arg11 : memref<!tpu.dma_semaphore, #tpu.memory_space<semaphore_mem>>) src(%dma_wait3A_334 : memref<32000xf32, #tpu.memory_space<hbm>>) dst(%arg6 : memref<32000xf32, #tpu.memory_space<vmem>>)
    %dma_wait3A_335 = tpu.memref_slice %arg3[%add3A_310] : memref<12800000xf32, #tpu.memory_space<hbm>> -> memref<16000xf32, #tpu.memory_space<hbm>>
    %dma_wait3A_336 = tpu.memref_slice %arg3[%add3A_310] : memref<12800000xf32, #tpu.memory_space<hbm>> -> memref<16000xf32, #tpu.memory_space<hbm>>
    tpu.wait_dma2 semaphore(%arg12 : memref<!tpu.dma_semaphore, #tpu.memory_space<semaphore_mem>>) src(%arg7 : memref<16000xf32, #tpu.memory_space<vmem>>) dst(%dma_wait3A_336 : memref<16000xf32, #tpu.memory_space<hbm>>)
    %parallel_loop3A_337 = arith.constant 0 : i32
    %parallel_loop3A_338 = arith.constant 1000 : i32
    %parallel_loop3A_339 = arith.constant 1 : i32
    %parallel_loop3A_340 = scf.for %parallel_loop3A_405 = %parallel_loop3A_337 to %parallel_loop3A_338 step %parallel_loop3A_339 iter_args(%parallel_loop3A_406 = %mul3A_7) -> (vector<16xi32>)  : i32 {
      %parallel_loop3A_407 = tpu.vector_load_idx %arg6[%parallel_loop3A_406] : memref<32000xf32, #tpu.memory_space<vmem>>[vector<16xi32>], vector<16xf32>,
      %parallel_loop3A_408 = arith.constant 16 : i32
      %parallel_loop3A_409 = arith.muli %parallel_loop3A_405, %parallel_loop3A_408 : i32
      %parallel_loop3A_410 = arith.index_cast %parallel_loop3A_409 : i32 to index
      %parallel_loop3A_411 = tpu.vector_load %arg7[%parallel_loop3A_410] {strides = array<i32>} : memref<16000xf32, #tpu.memory_space<vmem>>, vector<16xf32>,
      tpu.vector_store %arg7[%parallel_loop3A_410], %parallel_loop3A_407 {strides = array<i32>} : memref<16000xf32, #tpu.memory_space<vmem>>, vector<16xf32>,
      %parallel_loop3A_412 = arith.constant 32 : i32
      %parallel_loop3A_413 = vector.broadcast %parallel_loop3A_412 : i32 to vector<16xi32>
      %parallel_loop3A_414 = arith.addi %parallel_loop3A_406, %parallel_loop3A_413 : vector<16xi32>
      scf.yield %parallel_loop3A_414 : vector<16xi32>
    } {sc.loop_unroll_factor = 8 : i64, sc.parallel_access}
    %add3A_341 = arith.constant 320000 : i32
    %add3A_342 = arith.addi %mul3A_4, %add3A_341 : i32
    %dma_start3A_343 = tpu.memref_slice %arg3[%add3A_342] : memref<12800000xf32, #tpu.memory_space<hbm>> -> memref<16000xf32, #tpu.memory_space<hbm>>
    %dma_start3A_344 = tpu.memref_slice %arg3[%add3A_342] : memref<12800000xf32, #tpu.memory_space<hbm>> -> memref<16000xf32, #tpu.memory_space<hbm>>
    tpu.enqueue_dma source(%arg7 : memref<16000xf32, #tpu.memory_space<vmem>>) target(%dma_start3A_344 : memref<16000xf32, #tpu.memory_space<hbm>>) target_semaphore(%arg12 : memref<!tpu.dma_semaphore, #tpu.memory_space<semaphore_mem>>)
    %add3A_345 = arith.constant 736000 : i32
    %add3A_346 = arith.addi %mul3A_2, %add3A_345 : i32
    %dma_start3A_347 = tpu.memref_slice %arg2[%add3A_346] : memref<25600000xf32, #tpu.memory_space<hbm>> -> memref<32000xf32, #tpu.memory_space<hbm>>
    %dma_start3A_348 = tpu.memref_slice %arg2[%add3A_346] : memref<25600000xf32, #tpu.memory_space<hbm>> -> memref<32000xf32, #tpu.memory_space<hbm>>
    tpu.enqueue_dma source(%dma_start3A_348 : memref<32000xf32, #tpu.memory_space<hbm>>) target(%arg6 : memref<32000xf32, #tpu.memory_space<vmem>>) target_semaphore(%arg11 : memref<!tpu.dma_semaphore, #tpu.memory_space<semaphore_mem>>)
    %dma_wait3A_349 = tpu.memref_slice %arg2[%add3A_314] : memref<25600000xf32, #tpu.memory_space<hbm>> -> memref<32000xf32, #tpu.memory_space<hbm>>
    %dma_wait3A_350 = tpu.memref_slice %arg2[%add3A_314] : memref<25600000xf32, #tpu.memory_space<hbm>> -> memref<32000xf32, #tpu.memory_space<hbm>>
    tpu.wait_dma2 semaphore(%arg9 : memref<!tpu.dma_semaphore, #tpu.memory_space<semaphore_mem>>) src(%dma_wait3A_350 : memref<32000xf32, #tpu.memory_space<hbm>>) dst(%arg4 : memref<32000xf32, #tpu.memory_space<vmem>>)
    %dma_wait3A_351 = tpu.memref_slice %arg3[%add3A_326] : memref<12800000xf32, #tpu.memory_space<hbm>> -> memref<16000xf32, #tpu.memory_space<hbm>>
    %dma_wait3A_352 = tpu.memref_slice %arg3[%add3A_326] : memref<12800000xf32, #tpu.memory_space<hbm>> -> memref<16000xf32, #tpu.memory_space<hbm>>
    tpu.wait_dma2 semaphore(%arg13 : memref<!tpu.dma_semaphore, #tpu.memory_space<semaphore_mem>>) src(%arg8 : memref<16000xf32, #tpu.memory_space<vmem>>) dst(%dma_wait3A_352 : memref<16000xf32, #tpu.memory_space<hbm>>)
    %parallel_loop3A_353 = arith.constant 0 : i32
    %parallel_loop3A_354 = arith.constant 1000 : i32
    %parallel_loop3A_355 = arith.constant 1 : i32
    %parallel_loop3A_356 = scf.for %parallel_loop3A_405 = %parallel_loop3A_353 to %parallel_loop3A_354 step %parallel_loop3A_355 iter_args(%parallel_loop3A_406 = %mul3A_7) -> (vector<16xi32>)  : i32 {
      %parallel_loop3A_407 = tpu.vector_load_idx %arg4[%parallel_loop3A_406] : memref<32000xf32, #tpu.memory_space<vmem>>[vector<16xi32>], vector<16xf32>,
      %parallel_loop3A_408 = arith.constant 16 : i32
      %parallel_loop3A_409 = arith.muli %parallel_loop3A_405, %parallel_loop3A_408 : i32
      %parallel_loop3A_410 = arith.index_cast %parallel_loop3A_409 : i32 to index
      %parallel_loop3A_411 = tpu.vector_load %arg8[%parallel_loop3A_410] {strides = array<i32>} : memref<16000xf32, #tpu.memory_space<vmem>>, vector<16xf32>,
      tpu.vector_store %arg8[%parallel_loop3A_410], %parallel_loop3A_407 {strides = array<i32>} : memref<16000xf32, #tpu.memory_space<vmem>>, vector<16xf32>,
      %parallel_loop3A_412 = arith.constant 32 : i32
      %parallel_loop3A_413 = vector.broadcast %parallel_loop3A_412 : i32 to vector<16xi32>
      %parallel_loop3A_414 = arith.addi %parallel_loop3A_406, %parallel_loop3A_413 : vector<16xi32>
      scf.yield %parallel_loop3A_414 : vector<16xi32>
    } {sc.loop_unroll_factor = 8 : i64, sc.parallel_access}
    %add3A_357 = arith.constant 336000 : i32
    %add3A_358 = arith.addi %mul3A_4, %add3A_357 : i32
    %dma_start3A_359 = tpu.memref_slice %arg3[%add3A_358] : memref<12800000xf32, #tpu.memory_space<hbm>> -> memref<16000xf32, #tpu.memory_space<hbm>>
    %dma_start3A_360 = tpu.memref_slice %arg3[%add3A_358] : memref<12800000xf32, #tpu.memory_space<hbm>> -> memref<16000xf32, #tpu.memory_space<hbm>>
    tpu.enqueue_dma source(%arg8 : memref<16000xf32, #tpu.memory_space<vmem>>) target(%dma_start3A_360 : memref<16000xf32, #tpu.memory_space<hbm>>) target_semaphore(%arg13 : memref<!tpu.dma_semaphore, #tpu.memory_space<semaphore_mem>>)
    %add3A_361 = arith.constant 768000 : i32
    %add3A_362 = arith.addi %mul3A_2, %add3A_361 : i32
    %dma_start3A_363 = tpu.memref_slice %arg2[%add3A_362] : memref<25600000xf32, #tpu.memory_space<hbm>> -> memref<32000xf32, #tpu.memory_space<hbm>>
    %dma_start3A_364 = tpu.memref_slice %arg2[%add3A_362] : memref<25600000xf32, #tpu.memory_space<hbm>> -> memref<32000xf32, #tpu.memory_space<hbm>>
    tpu.enqueue_dma source(%dma_start3A_364 : memref<32000xf32, #tpu.memory_space<hbm>>) target(%arg4 : memref<32000xf32, #tpu.memory_space<vmem>>) target_semaphore(%arg9 : memref<!tpu.dma_semaphore, #tpu.memory_space<semaphore_mem>>)
    %dma_wait3A_365 = tpu.memref_slice %arg2[%add3A_330] : memref<25600000xf32, #tpu.memory_space<hbm>> -> memref<32000xf32, #tpu.memory_space<hbm>>
    %dma_wait3A_366 = tpu.memref_slice %arg2[%add3A_330] : memref<25600000xf32, #tpu.memory_space<hbm>> -> memref<32000xf32, #tpu.memory_space<hbm>>
    tpu.wait_dma2 semaphore(%arg10 : memref<!tpu.dma_semaphore, #tpu.memory_space<semaphore_mem>>) src(%dma_wait3A_366 : memref<32000xf32, #tpu.memory_space<hbm>>) dst(%arg5 : memref<32000xf32, #tpu.memory_space<vmem>>)
    %dma_wait3A_367 = tpu.memref_slice %arg3[%add3A_342] : memref<12800000xf32, #tpu.memory_space<hbm>> -> memref<16000xf32, #tpu.memory_space<hbm>>
    %dma_wait3A_368 = tpu.memref_slice %arg3[%add3A_342] : memref<12800000xf32, #tpu.memory_space<hbm>> -> memref<16000xf32, #tpu.memory_space<hbm>>
    tpu.wait_dma2 semaphore(%arg12 : memref<!tpu.dma_semaphore, #tpu.memory_space<semaphore_mem>>) src(%arg7 : memref<16000xf32, #tpu.memory_space<vmem>>) dst(%dma_wait3A_368 : memref<16000xf32, #tpu.memory_space<hbm>>)
    %parallel_loop3A_369 = arith.constant 0 : i32
    %parallel_loop3A_370 = arith.constant 1000 : i32
    %parallel_loop3A_371 = arith.constant 1 : i32
    %parallel_loop3A_372 = scf.for %parallel_loop3A_405 = %parallel_loop3A_369 to %parallel_loop3A_370 step %parallel_loop3A_371 iter_args(%parallel_loop3A_406 = %mul3A_7) -> (vector<16xi32>)  : i32 {
      %parallel_loop3A_407 = tpu.vector_load_idx %arg5[%parallel_loop3A_406] : memref<32000xf32, #tpu.memory_space<vmem>>[vector<16xi32>], vector<16xf32>,
      %parallel_loop3A_408 = arith.constant 16 : i32
      %parallel_loop3A_409 = arith.muli %parallel_loop3A_405, %parallel_loop3A_408 : i32
      %parallel_loop3A_410 = arith.index_cast %parallel_loop3A_409 : i32 to index
      %parallel_loop3A_411 = tpu.vector_load %arg7[%parallel_loop3A_410] {strides = array<i32>} : memref<16000xf32, #tpu.memory_space<vmem>>, vector<16xf32>,
      tpu.vector_store %arg7[%parallel_loop3A_410], %parallel_loop3A_407 {strides = array<i32>} : memref<16000xf32, #tpu.memory_space<vmem>>, vector<16xf32>,
      %parallel_loop3A_412 = arith.constant 32 : i32
      %parallel_loop3A_413 = vector.broadcast %parallel_loop3A_412 : i32 to vector<16xi32>
      %parallel_loop3A_414 = arith.addi %parallel_loop3A_406, %parallel_loop3A_413 : vector<16xi32>
      scf.yield %parallel_loop3A_414 : vector<16xi32>
    } {sc.loop_unroll_factor = 8 : i64, sc.parallel_access}
    %add3A_373 = arith.constant 352000 : i32
    %add3A_374 = arith.addi %mul3A_4, %add3A_373 : i32
    %dma_start3A_375 = tpu.memref_slice %arg3[%add3A_374] : memref<12800000xf32, #tpu.memory_space<hbm>> -> memref<16000xf32, #tpu.memory_space<hbm>>
    %dma_start3A_376 = tpu.memref_slice %arg3[%add3A_374] : memref<12800000xf32, #tpu.memory_space<hbm>> -> memref<16000xf32, #tpu.memory_space<hbm>>
    tpu.enqueue_dma source(%arg7 : memref<16000xf32, #tpu.memory_space<vmem>>) target(%dma_start3A_376 : memref<16000xf32, #tpu.memory_space<hbm>>) target_semaphore(%arg12 : memref<!tpu.dma_semaphore, #tpu.memory_space<semaphore_mem>>)
    %dma_wait3A_377 = tpu.memref_slice %arg2[%add3A_346] : memref<25600000xf32, #tpu.memory_space<hbm>> -> memref<32000xf32, #tpu.memory_space<hbm>>
    %dma_wait3A_378 = tpu.memref_slice %arg2[%add3A_346] : memref<25600000xf32, #tpu.memory_space<hbm>> -> memref<32000xf32, #tpu.memory_space<hbm>>
    tpu.wait_dma2 semaphore(%arg11 : memref<!tpu.dma_semaphore, #tpu.memory_space<semaphore_mem>>) src(%dma_wait3A_378 : memref<32000xf32, #tpu.memory_space<hbm>>) dst(%arg6 : memref<32000xf32, #tpu.memory_space<vmem>>)
    %dma_wait3A_379 = tpu.memref_slice %arg3[%add3A_358] : memref<12800000xf32, #tpu.memory_space<hbm>> -> memref<16000xf32, #tpu.memory_space<hbm>>
    %dma_wait3A_380 = tpu.memref_slice %arg3[%add3A_358] : memref<12800000xf32, #tpu.memory_space<hbm>> -> memref<16000xf32, #tpu.memory_space<hbm>>
    tpu.wait_dma2 semaphore(%arg13 : memref<!tpu.dma_semaphore, #tpu.memory_space<semaphore_mem>>) src(%arg8 : memref<16000xf32, #tpu.memory_space<vmem>>) dst(%dma_wait3A_380 : memref<16000xf32, #tpu.memory_space<hbm>>)
    %parallel_loop3A_381 = arith.constant 0 : i32
    %parallel_loop3A_382 = arith.constant 1000 : i32
    %parallel_loop3A_383 = arith.constant 1 : i32
    %parallel_loop3A_384 = scf.for %parallel_loop3A_405 = %parallel_loop3A_381 to %parallel_loop3A_382 step %parallel_loop3A_383 iter_args(%parallel_loop3A_406 = %mul3A_7) -> (vector<16xi32>)  : i32 {
      %parallel_loop3A_407 = tpu.vector_load_idx %arg6[%parallel_loop3A_406] : memref<32000xf32, #tpu.memory_space<vmem>>[vector<16xi32>], vector<16xf32>,
      %parallel_loop3A_408 = arith.constant 16 : i32
      %parallel_loop3A_409 = arith.muli %parallel_loop3A_405, %parallel_loop3A_408 : i32
      %parallel_loop3A_410 = arith.index_cast %parallel_loop3A_409 : i32 to index
      %parallel_loop3A_411 = tpu.vector_load %arg8[%parallel_loop3A_410] {strides = array<i32>} : memref<16000xf32, #tpu.memory_space<vmem>>, vector<16xf32>,
      tpu.vector_store %arg8[%parallel_loop3A_410], %parallel_loop3A_407 {strides = array<i32>} : memref<16000xf32, #tpu.memory_space<vmem>>, vector<16xf32>,
      %parallel_loop3A_412 = arith.constant 32 : i32
      %parallel_loop3A_413 = vector.broadcast %parallel_loop3A_412 : i32 to vector<16xi32>
      %parallel_loop3A_414 = arith.addi %parallel_loop3A_406, %parallel_loop3A_413 : vector<16xi32>
      scf.yield %parallel_loop3A_414 : vector<16xi32>
    } {sc.loop_unroll_factor = 8 : i64, sc.parallel_access}
    %add3A_385 = arith.constant 368000 : i32
    %add3A_386 = arith.addi %mul3A_4, %add3A_385 : i32
    %dma_start3A_387 = tpu.memref_slice %arg3[%add3A_386] : memref<12800000xf32, #tpu.memory_space<hbm>> -> memref<16000xf32, #tpu.memory_space<hbm>>
    %dma_start3A_388 = tpu.memref_slice %arg3[%add3A_386] : memref<12800000xf32, #tpu.memory_space<hbm>> -> memref<16000xf32, #tpu.memory_space<hbm>>
    tpu.enqueue_dma source(%arg8 : memref<16000xf32, #tpu.memory_space<vmem>>) target(%dma_start3A_388 : memref<16000xf32, #tpu.memory_space<hbm>>) target_semaphore(%arg13 : memref<!tpu.dma_semaphore, #tpu.memory_space<semaphore_mem>>)
    %dma_wait3A_389 = tpu.memref_slice %arg2[%add3A_362] : memref<25600000xf32, #tpu.memory_space<hbm>> -> memref<32000xf32, #tpu.memory_space<hbm>>
    %dma_wait3A_390 = tpu.memref_slice %arg2[%add3A_362] : memref<25600000xf32, #tpu.memory_space<hbm>> -> memref<32000xf32, #tpu.memory_space<hbm>>
    tpu.wait_dma2 semaphore(%arg9 : memref<!tpu.dma_semaphore, #tpu.memory_space<semaphore_mem>>) src(%dma_wait3A_390 : memref<32000xf32, #tpu.memory_space<hbm>>) dst(%arg4 : memref<32000xf32, #tpu.memory_space<vmem>>)
    %dma_wait3A_391 = tpu.memref_slice %arg3[%add3A_374] : memref<12800000xf32, #tpu.memory_space<hbm>> -> memref<16000xf32, #tpu.memory_space<hbm>>
    %dma_wait3A_392 = tpu.memref_slice %arg3[%add3A_374] : memref<12800000xf32, #tpu.memory_space<hbm>> -> memref<16000xf32, #tpu.memory_space<hbm>>
    tpu.wait_dma2 semaphore(%arg12 : memref<!tpu.dma_semaphore, #tpu.memory_space<semaphore_mem>>) src(%arg7 : memref<16000xf32, #tpu.memory_space<vmem>>) dst(%dma_wait3A_392 : memref<16000xf32, #tpu.memory_space<hbm>>)
    %parallel_loop3A_393 = arith.constant 0 : i32
    %parallel_loop3A_394 = arith.constant 1000 : i32
    %parallel_loop3A_395 = arith.constant 1 : i32
    %parallel_loop3A_396 = scf.for %parallel_loop3A_405 = %parallel_loop3A_393 to %parallel_loop3A_394 step %parallel_loop3A_395 iter_args(%parallel_loop3A_406 = %mul3A_7) -> (vector<16xi32>)  : i32 {
      %parallel_loop3A_407 = tpu.vector_load_idx %arg4[%parallel_loop3A_406] : memref<32000xf32, #tpu.memory_space<vmem>>[vector<16xi32>], vector<16xf32>,
      %parallel_loop3A_408 = arith.constant 16 : i32
      %parallel_loop3A_409 = arith.muli %parallel_loop3A_405, %parallel_loop3A_408 : i32
      %parallel_loop3A_410 = arith.index_cast %parallel_loop3A_409 : i32 to index
      %parallel_loop3A_411 = tpu.vector_load %arg7[%parallel_loop3A_410] {strides = array<i32>} : memref<16000xf32, #tpu.memory_space<vmem>>, vector<16xf32>,
      tpu.vector_store %arg7[%parallel_loop3A_410], %parallel_loop3A_407 {strides = array<i32>} : memref<16000xf32, #tpu.memory_space<vmem>>, vector<16xf32>,
      %parallel_loop3A_412 = arith.constant 32 : i32
      %parallel_loop3A_413 = vector.broadcast %parallel_loop3A_412 : i32 to vector<16xi32>
      %parallel_loop3A_414 = arith.addi %parallel_loop3A_406, %parallel_loop3A_413 : vector<16xi32>
      scf.yield %parallel_loop3A_414 : vector<16xi32>
    } {sc.loop_unroll_factor = 8 : i64, sc.parallel_access}
    %add3A_397 = arith.constant 384000 : i32
    %add3A_398 = arith.addi %mul3A_4, %add3A_397 : i32
    %dma_start3A_399 = tpu.memref_slice %arg3[%add3A_398] : memref<12800000xf32, #tpu.memory_space<hbm>> -> memref<16000xf32, #tpu.memory_space<hbm>>
    %dma_start3A_400 = tpu.memref_slice %arg3[%add3A_398] : memref<12800000xf32, #tpu.memory_space<hbm>> -> memref<16000xf32, #tpu.memory_space<hbm>>
    tpu.enqueue_dma source(%arg7 : memref<16000xf32, #tpu.memory_space<vmem>>) target(%dma_start3A_400 : memref<16000xf32, #tpu.memory_space<hbm>>) target_semaphore(%arg12 : memref<!tpu.dma_semaphore, #tpu.memory_space<semaphore_mem>>)
    %dma_wait3A_401 = tpu.memref_slice %arg3[%add3A_398] : memref<12800000xf32, #tpu.memory_space<hbm>> -> memref<16000xf32, #tpu.memory_space<hbm>>
    %dma_wait3A_402 = tpu.memref_slice %arg3[%add3A_398] : memref<12800000xf32, #tpu.memory_space<hbm>> -> memref<16000xf32, #tpu.memory_space<hbm>>
    tpu.wait_dma2 semaphore(%arg12 : memref<!tpu.dma_semaphore, #tpu.memory_space<semaphore_mem>>) src(%arg7 : memref<16000xf32, #tpu.memory_space<vmem>>) dst(%dma_wait3A_402 : memref<16000xf32, #tpu.memory_space<hbm>>)
    %dma_wait3A_403 = tpu.memref_slice %arg3[%add3A_386] : memref<12800000xf32, #tpu.memory_space<hbm>> -> memref<16000xf32, #tpu.memory_space<hbm>>
    %dma_wait3A_404 = tpu.memref_slice %arg3[%add3A_386] : memref<12800000xf32, #tpu.memory_space<hbm>> -> memref<16000xf32, #tpu.memory_space<hbm>>
    tpu.wait_dma2 semaphore(%arg13 : memref<!tpu.dma_semaphore, #tpu.memory_space<semaphore_mem>>) src(%arg8 : memref<16000xf32, #tpu.memory_space<vmem>>) dst(%dma_wait3A_404 : memref<16000xf32, #tpu.memory_space<hbm>>)
    return
  }
}

</mosaic_0001>

<sc_bundles>
// kernel: kernel.3.cloned.1.call-start
scs
__scs_entry_jumppad:
0x0: {  	(pc) =	sbr.rel $0x88, $3  }
0x1: {  	(tag) =	ssettag $0x0;
	lr =	simm.s32 $0x1  }
0x2: {  	[smem:$0x3FA0] =	sst lr;
	_ =	strace $0xD0000000  }
0x3: {  	_ = 	snop  }
0x4: {  	_ = 	snop  }
0x5: {  	_ = 	snop  }
0x6: {  	_ = 	snop  }
0x7: {  	_ = 	snop  }
__scs_overlays_trampoline_lowered:
0x8: {  	[smem:$0x3FAF] =	sst s0  }
0x9: {  	[smem:$0x3FB0] =	sst s1  }
0xa: {  	[smem:$0x3FB1] =	sst s2  }
0xb: {  	[smem:$0x3FB2] =	sst s3  }
0xc: {  	[smem:$0x3FB3] =	sst s4  }
0xd: {  	[smem:$0x3FB4] =	sst s5  }
0xe: {  	[smem:$0x3FB5] =	sst s6  }
0xf: {  	[smem:$0x3FB6] =	sst s7  }
0x10: {  	[smem:$0x3FB7] =	sst s8  }
0x11: {  	[smem:$0x3FB8] =	sst s9;
	s0 =	simm.s32 @!p0 $0x0  }
0x12: {  	s1 =	sld [smem:$0x3F9E];
	s0 =	simm.s32 @p0 $0x1  }
0x13: {  	[smem:$0x3FB9] =	sst s0;
	s0 =	simm.s32 @!p1 $0x0  }
0x14: {  	s2 =	sld [smem:$0x3F9D];
	s0 =	simm.s32 @p1 $0x1  }
0x15: {  	[smem:$0x3FBA] =	sst s0;
	s0 =	simm.s32 @!p2 $0x0  }
0x16: {  	s3 =	sld [smem:$0x3FDB];
	s0 =	simm.s32 @p2 $0x1  }
0x17: {  	s4 =	simm.s32 $0x1BF5;
	[smem:$0x3FBC] =	sst s0  }
0x18: {  	s0 =	sld [smem:$0x3F9F];
	_ =	swait.ge [sflag:s4], $0x0  }
0x19: {  	s7 =	sld [smem:$0x3FA0]  }
0x1a: {  	s8 =	sadd.s32 $0xFFFFE003, lr  }
0x1b: {  	s9 =	sadd.s32 $0xFFFFFEF7, lr;
	s5 =	simm.s32 $0xFFFFFFFF;
	p2 =	slt.u32 s8, $0xFFFFF086  }
0x1c: {  	p1 =	slt.u32 s9, $0xF7A;
	s5 =	simm.s32 @!p2 $0x0  }
0x1d: {  	s5 =	simm.s32 @p1 $0x1;
	p0 =	seq.s32 s7, s2  }
0x1e: {  	s7 =	smul.u32 @!p0 $0xF7A, s2;
	p2 =	seq.s32 @!p0 s5, $0x0  }
0x1f: {  	s9 =	smul.u32 $0xF7A, s1;
	s8 =	simm.s32 @!p0 $0x1BF5;
	p2 =	por !p2, p0  }
0x20: {  	[sflag:s8] =	ssyncset.s32 @!p0 $0xFFFFF086;
	s6 =	sadd.s32 @!p0 s3, s7;
	s7 =	simm.s32 @!p0 $0x108  }
0x21: {  	s3 =	sadd.s32 s3, s9;
	s6 =	sadd.s32 @!p0 $0x88, s6;
	s7 =	simm.s32 @p2 $0x1082  }
0x22: {  	[simem:s7], [sflag:s8] =	dma.local @!p0 [hbm:s6], $0xF7A  }
0x23: {  	s9 =	sor.u32 $0xD0000000, s2;
	s6 =	simm.s32 $0x108;
	_ =	swait.ge @!p0 [sflag:s8], $0x0  }
0x24: {  	s3 =	sadd.s32 $0x88, s3;
	s6 =	simm.s32 @!p1 $0x1082;
	[sflag:s4] =	ssyncset.s32 $0xFFFFF086  }
0x25: {  	[simem:s6], [sflag:s4] =	dma.local [hbm:s3], $0xF7A  }
0x26: {  	[smem:$0x3FA0] =	sst s1;
	(tag) =	ssettag s2;
	_ =	strace s9  }
0x27: {  	s1 =	sld [smem:$0x3FB0]  }
0x28: {  	s2 =	sld [smem:$0x3FB1]  }
0x29: {  	s4 =	sld [smem:$0x3FB3]  }
0x2a: {  	p0 =	seq.s32 s5, $0x0;
	s5 =	sld [smem:$0x3FB4]  }
0x2b: {  	s6 =	sld [smem:$0x3FB5]  }
0x2c: {  	s7 =	sld [smem:$0x3FB6]  }
0x2d: {  	s3 =	simm.s32 $0x108;
	s8 =	sld [smem:$0x3FB7]  }
0x2e: {  	s3 =	simm.s32 @!p0 $0x1082;
	s9 =	sld [smem:$0x3FB8]  }
0x2f: {  	lr =	sadd.s32 s0, s3;
	s0 =	sld [smem:$0x3FAF]  }
0x30: {  	s3 =	sld [smem:$0x3FB2]  }
0x31: {  	[smem:$0x3FBB] =	sst s10  }
0x32: {  	s10 =	sld [smem:$0x3FB9];
	_ =	sdelay $0x3  }
0x33: {  	p0 =	seq.s32 s10, $0x1;
	s10 =	sld [smem:$0x3FBB];
	_ =	sdelay $0x3  }
0x34: {  	[smem:$0x3FBB] =	sst s10  }
0x35: {  	s10 =	sld [smem:$0x3FBA];
	_ =	sdelay $0x3  }
0x36: {  	p1 =	seq.s32 s10, $0x1;
	s10 =	sld [smem:$0x3FBB];
	_ =	sdelay $0x3  }
0x37: {  	[smem:$0x3FBB] =	sst s10  }
0x38: {  	s10 =	sld [smem:$0x3FBC]  }
0x39: {  	_ = 	snop;
	(pc) =	sbr.ind lr, $3  }
0x3a: {  	_ = 	snop  }
0x3b: {  	_ = 	snop  }
0x3c: {  	p2 =	seq.s32 s10, $0x1;
	s10 =	sld [smem:$0x3FBB]  }
0x3d: {  	_ =	shalt  }
0x3e: {  	_ =	shalt  }
0x3f: {  	_ =	shalt  }
0x40: {  	_ =	shalt  }
0x41: {  	_ =	shalt  }
0x42: {  	_ =	shalt  }
0x43: {  	_ =	shalt  }
0x44: {  	_ =	shalt  }
0x45: {  	_ =	shalt  }
0x46: {  	_ =	shalt  }
0x47: {  	_ =	shalt  }
0x48: {  	_ =	shalt  }
0x49: {  	_ =	shalt  }
0x4a: {  	_ =	shalt  }
0x4b: {  	_ =	shalt  }
0x4c: {  	_ =	shalt  }
0x4d: {  	_ =	shalt  }
0x4e: {  	_ =	shalt  }
0x4f: {  	_ =	shalt  }
0x50: {  	_ =	shalt  }
0x51: {  	_ =	shalt  }
0x52: {  	_ =	shalt  }
0x53: {  	_ =	shalt  }
0x54: {  	_ =	shalt  }
0x55: {  	_ =	shalt  }
0x56: {  	_ =	shalt  }
0x57: {  	_ =	shalt  }
0x58: {  	_ =	shalt  }
0x59: {  	_ =	shalt  }
0x5a: {  	_ =	shalt  }
0x5b: {  	_ =	shalt  }
0x5c: {  	_ =	shalt  }
0x5d: {  	_ =	shalt  }
0x5e: {  	_ =	shalt  }
0x5f: {  	_ =	shalt  }
0x60: {  	_ =	shalt  }
0x61: {  	_ =	shalt  }
0x62: {  	_ =	shalt  }
0x63: {  	_ =	shalt  }
0x64: {  	_ =	shalt  }
0x65: {  	_ =	shalt  }
0x66: {  	_ =	shalt  }
0x67: {  	_ =	shalt  }
0x68: {  	_ =	shalt  }
0x69: {  	_ =	shalt  }
0x6a: {  	_ =	shalt  }
0x6b: {  	_ =	shalt  }
0x6c: {  	_ =	shalt  }
0x6d: {  	_ =	shalt  }
0x6e: {  	_ =	shalt  }
0x6f: {  	_ =	shalt  }
0x70: {  	_ =	shalt  }
0x71: {  	_ =	shalt  }
0x72: {  	_ =	shalt  }
0x73: {  	_ =	shalt  }
0x74: {  	_ =	shalt  }
0x75: {  	_ =	shalt  }
0x76: {  	_ =	shalt  }
0x77: {  	_ =	shalt  }
0x78: {  	_ =	shalt  }
0x79: {  	_ =	shalt  }
0x7a: {  	_ =	shalt  }
0x7b: {  	_ =	shalt  }
0x7c: {  	_ =	shalt  }
0x7d: {  	_ =	shalt  }
0x7e: {  	_ =	shalt  }
0x7f: {  	_ =	shalt  }
0x80: {  	_ =	shalt  }
0x81: {  	_ =	shalt  }
0x82: {  	_ =	shalt  }
0x83: {  	_ =	shalt  }
0x84: {  	_ =	shalt  }
0x85: {  	_ =	shalt  }
0x86: {  	_ =	shalt  }
0x87: {  	_ =	shalt  }
.Lfunc_end0:
.L_simem_size_0:
called_computation.1_lowered:
.L_overlay_start_0:
0x88: {  	s2 =	sld [smem:$0x3FD9]  }
0x89: {  	s3 =	sld [smem:$0x3FFE];
	_ =	sdelay $0x1  }
0x8a: {  	s1 =	srdreg.scid  }
0x8b: {  	s0 =	sand.u32 $0x1, s1  }
0x8c: {  	s17 =	sshll.u32 s0, $0xA;
	s2 =	sadd.s32 s3, s2  }
0x8d: {  	s2 =	sadd.s32 s2, s17  }
0x8e: {  	[smem:$0x3FC7] =	sst s2  }
0x8f: {  	_ = 	snop  }
0x90: {  	s2 =	sld [smem:$0x3FD0];
	(tm) =	ssettm $0x1  }
0x91: {  	s18 =	sld [smem:$0x3FFB];
	_ =	sdelay $0x3  }
0x92: {  	_ =	strace s18  }
0x93: {  	s3 =	sld [smem:$0x3FFC];
	_ =	sdelay $0x3  }
0x94: {  	_ =	strace s3  }
0x95: {  	s3 =	sld [smem:$0x3FFD];
	_ =	sdelay $0x3  }
0x96: {  	_ =	strace s3  }
0x97: {  	_ =	strace $0x8FFFFFFF  }
0x98: {  	s19 =	sld [smem:$0x3FDB];
	_ =	sdelay $0x1  }
0x99: {  	s4 =	simm.s32 $_scs_section_size  }
0x9a: {  	s5 =	simm.s32 $_size__tile_overlayer_lowered;
	s6 =	simm.s32 $_tile_overlayer_lowered  }
0x9b: {  	s22 =	simm.s32 $0x1BFF;
	s21 =	sshll.u32 s6, $0x1;
	s3 =	sadd.s32 s4, s19  }
0x9c: {  	s7 =	simm.s32 $0x0;
	s20 =	sshll.u32 s5, $0x1;
	s5 =	sadd.s32 s21, s3  }
0x9d: {  	[timem:s7], [sflag:s22] =	dma.local [hbm:s5], s20  }
0x9e: {  	_ =	swait.ge [sflag:s22], s20  }
0x9f: {  	s4 =	ssub.s32 $0x0, s20;
	[sflag:s22] =	ssyncset.done $0x0  }
0xa0: {  	[sflag:s22] =	ssyncadd.s32 s4;
	_ =	sdelay $0x1  }
0xa1: {  	s23 =	simm.s32 $0x1B8B  }
0xa2: {  	_ =	swait.ge [sflag:s23], $0x1  }
0xa3: {  	[sflag:s23] =	ssyncset.done $0x0  }
0xa4: {  	s25 =	simm.s32 $0x1B8E;
	s24 =	sld [smem:$0x3FFE];
	[sflag:s23] =	ssyncadd.s32 $0xFFFFFFFF  }
0xa5: {  	s26 =	simm.s32 $execute0_lowered;
	[smem:$0x3FD2] =	sst s25  }
0xa6: {  	s5 =	sshll.u32 s26, $0x1;
	_ =	strace $0x80000049;
	[dreg:$0x1] =	wrdreg $0xFFFFFFFF  }
0xa7: {  	s28 =	simm.s32 $_size_execute0_lowered;
	s3 =	sadd.s32 s3, s5;
	[dreg:$0x0] =	wrdreg $0x0  }
0xa8: {  	s5 =	sshll.u32 s28, $0x1;
	[dreg:$0x2] =	wrdreg s3  }
0xa9: {  	[dreg:$0x3] =	wrdreg s5  }
0xaa: {  	[dreg:$0x4] =	wrdreg $0xC0  }
0xab: {  	_ =	task [dreg:s7], $0x5FFFF  }
0xac: {  	[dreg:$0x1] =	wrdreg $0xFFFFFFFF  }
0xad: {  	[dreg:$0x0] =	wrdreg $0x60  }
0xae: {  	[dreg:$0x2] =	wrdreg s24  }
0xaf: {  	[dreg:$0x3] =	wrdreg s2  }
0xb0: {  	[dreg:$0x4] =	wrdreg $0x9  }
0xb1: {  	_ =	task.clear_ibuf [dreg:s7], $0x5FFFF;
	_ =	strace $0x90000049  }
0xb2: {  	s29 =	simm.s32 $0x9;
	_ =	strace $0x8000004B  }
0xb3: {  	_ =	swait.ge [sflag:s29], $0x1  }
0xb4: {  	[sflag:s29] =	ssyncadd.s32 $0xFFFFFFFF  }
0xb5: {  	_ =	strace $0x9000004B  }
0xb6: {  	_ =	sfence  }
0xb7: {  	s30 =	sld [smem:$0x0];
	_ =	sdelay $0x2  }
0xb8: {  	s31 =	sshll.u32 s1, $0xD;
	s1 =	sshrl.u32 s1, $0x2  }
0xb9: {  	s3 =	sand.u32 $0x4000, s31;
	s1 =	sadd.s32 s1, s30  }
0xba: {  	s0 =	sor.u32 s3, s0;
	s1 =	sshll.u32 s1, $0x11  }
0xbb: {  	s0 =	sor.u32 s1, s0  }
0xbc: {  	s0 =	sadd.s32 $0x8F2B, s0  }
0xbd: {  	[sflag:s0] =	ssyncadd.remote.s32 $0x1  }
0xbe: {  	_ =	sfence.sel $0xFFFF  }
0xbf: {  	[dreg:$0x0] =	wrdreg $0xFFFFFFFF;
	(pc) =	sbr.abs _section_cstart, $3  }
0xc0: {  	[dreg:$0x1] =	wrdreg $0xFFFFFFFF  }
0xc1: {  	_ =	task.clear_ibuf [dreg:s7], $0x2FFFF;
	_ =	strace $0x9FFFFFFF  }
0xc2: {  	(tm) =	ssettm $0x7FFFFFFF  }
0xc3: {  	_ =	shalt  }
tec
execute0_lowered:
.L_overlay_start_1:
0x0: {  	(tag) =	ssettag $0x1  }
0x1: {  	s0 =	srdreg.scid;
	s2 =	stileid.u32  }
0x2: {  	s0 =	sand.u32 $0x1, s0;
	s2 =	sshll.u32 s2, $0x1  }
0x3: {  	s4 =	sor.u32 s0, s2  }
0x4: {  	s1 =	rddreg [dreg:$0x0];
	s0 =	ssub.s32 $0x2, s0;
	s5 =	smul.u32 $0xC3500, s4  }
0x5: {  	s3 =	rddreg [dreg:$0x1];
	s17 =	sshrl.u32 s0, $0x1  }
0x6: {  	s2 =	simm.s32 $0x0;
	s0 =	ssub.s32 s0, s17;
	s5 =	sshrl.u32 s5, $0x3  }
0x7: {  	[smem:$0x7FF] =	sst s2;
	s0 =	smax.u32 s0, $0x1;
	s1 =	sadd.s32 s5, s1  }
0x8: {  	_ =	strace $0x8000004A;
	[dreg:$0x1c] =	wrdreg s0;
	s18 =	sadd.s32 $0x800, s1  }
0x9: {  	s19 =	sadd.s32 $0x17A0, s1;
	[dreg:$0x3] =	wrdreg s18  }
0xa: {  	s20 =	sadd.s32 $0x2740, s1;
	[dreg:$0x4] =	wrdreg s19  }
0xb: {  	s21 =	sadd.s32 $0x36E0, s1;
	[dreg:$0x5] =	wrdreg s20  }
0xc: {  	s22 =	sadd.s32 $0x4680, s1;
	[dreg:$0x6] =	wrdreg s21  }
0xd: {  	s23 =	sadd.s32 $0x5620, s1;
	[dreg:$0x7] =	wrdreg s22  }
0xe: {  	s4 =	smul.u32 $0x61A80, s4;
	s24 =	sadd.s32 $0x65C0, s1;
	[dreg:$0x8] =	wrdreg s23  }
0xf: {  	s25 =	sadd.s32 $0x7560, s1;
	[dreg:$0x9] =	wrdreg s24  }
0x10: {  	s4 =	sshrl.u32 s4, $0x3;
	s26 =	sadd.s32 $0x8500, s1;
	[dreg:$0xa] =	wrdreg s25  }
0x11: {  	s6 =	sadd.s32 s3, s4;
	s4 =	sadd.s32 $0x94A0, s1;
	[dreg:$0xb] =	wrdreg s26  }
0x12: {  	s5 =	sadd.s32 $0xA440, s1;
	[dreg:$0xc] =	wrdreg s4  }
0x13: {  	s7 =	sadd.s32 $0xB3E0, s1;
	[dreg:$0xd] =	wrdreg s5  }
0x14: {  	s8 =	sadd.s32 $0xC380, s1;
	[dreg:$0xe] =	wrdreg s7  }
0x15: {  	s9 =	sadd.s32 $0xD320, s1;
	[dreg:$0xf] =	wrdreg s8  }
0x16: {  	s10 =	sadd.s32 $0xE2C0, s1;
	[dreg:$0x10] =	wrdreg s9  }
0x17: {  	s11 =	sadd.s32 $0xF260, s1;
	[dreg:$0x11] =	wrdreg s10  }
0x18: {  	s28 =	simm.s32 $0x1;
	s12 =	sadd.s32 $0x10200, s1;
	[dreg:$0x12] =	wrdreg s11  }
0x19: {  	s29 =	simm.s32 $0x17700;
	s13 =	sadd.s32 $0x111A0, s1;
	[dreg:$0x13] =	wrdreg s12  }
0x1a: {  	s30 =	simm.s32 $0x2;
	s14 =	sadd.s32 $0x12140, s1;
	[dreg:$0x14] =	wrdreg s13  }
0x1b: {  	s31 =	simm.s32 $0x1B580;
	s15 =	sadd.s32 $0x130E0, s1;
	[dreg:$0x15] =	wrdreg s14  }
0x1c: {  	s0 =	simm.s32 $0x4;
	s16 =	sadd.s32 $0x14080, s1;
	[dreg:$0x16] =	wrdreg s15  }
0x1d: {  	s3 =	simm.s32 $0x5;
	s17 =	sadd.s32 $0x15020, s1;
	[dreg:$0x17] =	wrdreg s16  }
0x1e: {  	[dreg:$0x18] =	wrdreg s17;
	s18 =	sadd.s32 $0x15FC0, s1;
	s19 =	sadd.s32 $0x16F60, s1  }
0x1f: {  	s1 =	sadd.s32 $0x17F00, s1;
	s20 =	sadd.s32 $0x7D0, s6;
	[dreg:$0x19] =	wrdreg s18  }
0x20: {  	s21 =	sadd.s32 $0xFA0, s6;
	s22 =	sadd.s32 $0x1770, s6;
	[dreg:$0x1a] =	wrdreg s19  }
0x21: {  	s23 =	sadd.s32 $0x1F40, s6;
	s24 =	sadd.s32 $0x2710, s6;
	[dreg:$0x1b] =	wrdreg s1  }
0x22: {  	s25 =	sadd.s32 $0x2EE0, s6;
	s26 =	sadd.s32 $0x36B0, s6;
	[dreg:$0x1d] =	wrdreg s20  }
0x23: {  	s8 =	sadd.s32 $0x3E80, s6;
	s9 =	sadd.s32 $0x4650, s6;
	[dreg:$0x1e] =	wrdreg s21  }
0x24: {  	s10 =	sadd.s32 $0x4E20, s6;
	s11 =	sadd.s32 $0x55F0, s6;
	[dreg:$0x1f] =	wrdreg s22  }
0x25: {  	s12 =	sadd.s32 $0x5DC0, s6;
	s13 =	sadd.s32 $0x6590, s6;
	[smem:$0x7FA] =	sst s23  }
0x26: {  	s14 =	sadd.s32 $0x6D60, s6;
	s15 =	sadd.s32 $0x7530, s6;
	[smem:$0x7FB] =	sst s24  }
0x27: {  	s16 =	sadd.s32 $0x7D00, s6;
	s17 =	sadd.s32 $0x84D0, s6;
	[smem:$0x7FC] =	sst s25  }
0x28: {  	s4 =	simm.s32 $0x0;
	[smem:$0x7FD] =	sst s26;
	s18 =	sadd.s32 $0x8CA0, s6  }
0x29: {  	s19 =	sadd.s32 $0x9470, s6;
	s20 =	sadd.s32 $0x9C40, s6;
	s21 =	sadd.s32 $0xA410, s6  }
0x2a: {  	v0 =	vlaneseq.u32;
	s22 =	sadd.s32 $0xABE0, s6;
	s23 =	sadd.s32 $0xB3B0, s6;
	s24 =	sadd.s32 $0xBB80, s6  }
0x2b: {  	v0 =	vmul.u32 $0x2, v0;
	s25 =	simm.s32 $0x7D00;
	s26 =	simm.s32 $0xFA00;
	s1 =	simm.s32 $0x3  }
.LBB2_1:
0x2c: {  	s5 =	rddreg [dreg:$0x3]  }
0x2d: {  	[tilespmem:s2], [sflag:$0x1] =	stream.linear.gather [hbm4b:s5+s2], $0x7D00, $0x38;
	[tilespmem:$0x1F400] =	vst v63  }
0x2e: {  	s7 =	rddreg [dreg:$0x4]  }
0x2f: {  	[tilespmem:s25], [sflag:$0x2] =	stream.linear.gather [hbm4b:s7+s2], $0x7D00, $0x38;
	[tilespmem:$0x1F400] =	vst v63  }
0x30: {  	s7 =	rddreg [dreg:$0x5]  }
0x31: {  	v4 =	vadd.s32 $0xE0, v0;
	[tilespmem:s26], [sflag:$0x3] =	stream.linear.gather [hbm4b:s7+s2], $0x7D00, $0x38;
	[tilespmem:$0x1F400] =	vst v63  }
0x32: {  	v5 =	vadd.s32 $0x20, v0;
	_ =	swait.ge [sflag:s28], $0x7D00  }
0x33: {  	v6 =	vadd.s32 $0x40, v0;
	[sflag:s28] =	ssyncset.done $0x0  }
0x34: {  	v8 =	vadd.s32 $0x60, v0;
	[sflag:s28] =	ssyncadd.s32 $0xFFFF8300  }
0x35: {  	v9 =	vadd.s32 $0x80, v0;
	v14 =	vld.idx.msk [tilespmem:v0+s2+$0x0], $0xffff  }
0x36: {  	v10 =	vadd.s32 $0xA0, v0;
	v1 =	vld.idx.msk [tilespmem:v4+s2+$0x0], $0xffff  }
0x37: {  	v11 =	vadd.s32 $0xC0, v0;
	v2 =	vld.idx.msk [tilespmem:v5+s2+$0x0], $0xffff  }
0x38: {  	v3 =	vadd.s32 $0x100, v0;
	v17 =	vld.idx.msk [tilespmem:v6+s2+$0x0], $0xffff  }
0x39: {  	v13 =	vadd.s32 $0xE0, v3;
	v19 =	vld.idx.msk [tilespmem:v8+s2+$0x0], $0xffff  }
0x3a: {  	v12 =	vadd.s32 $0x20, v3;
	v22 =	vld.idx.msk [tilespmem:v9+s2+$0x0], $0xffff  }
0x3b: {  	s5 =	simm.s32 $0x17740;
	v7 =	vadd.s32 $0x40, v3;
	v20 =	vld.idx.msk [tilespmem:v10+s2+$0x0], $0xffff  }
0x3c: {  	v24 =	vadd.s32 $0x60, v3;
	v18 =	vld.idx.msk [tilespmem:v11+s2+$0x0], $0xffff;
	[tilespmem:s5+$0x30] =	vst v1  }
0x3d: {  	v21 =	vadd.s32 $0x80, v3;
	v15 =	vld.idx.msk [tilespmem:v3+s2+$0x0], $0xffff;
	[tilespmem:s5+$0xFFFFFFD0] =	vst v2;
	v2 =	vadd.s32 $0xA0, v3  }
0x3e: {  	v16 =	vld.idx.msk [tilespmem:v13+s2+$0x0], $0xffff;
	[tilespmem:s5+$0xFFFFFFE0] =	vst v17;
	v1 =	vadd.s32 $0xC0, v3;
	v23 =	vmov v2  }
0x3f: {  	v17 =	vld.idx.msk [tilespmem:v12+s2+$0x0], $0xffff;
	[tilespmem:s5+$0x0] =	vst v22;
	v22 =	vmov v1  }
0x40: {  	v25 =	vadd.s32 $0x100, v3;
	s7 =	simm.s32 $0x8;
	[tilespmem:s5+$0xFFFFFFF0] =	vst v19;
	v19 =	vld.idx.msk [tilespmem:v7+s2+$0x0], $0xffff  }
.LBB2_2:
0x41: {  	v26 =	vadd.s32 $0x20, v25;
	v27 =	vadd.s32 $0x40, v25;
	v28 =	vadd.s32 $0xE0, v25;
	s7 =	sadd.s32 $0x8, s7;
	v29 =	vld.idx.msk [tilespmem:v24+s2+$0x0], $0xffff;
	[tilespmem:s5+$0x10] =	vst v20  }
0x42: {  	v24 =	vadd.s32 $0x60, v25;
	v30 =	vadd.s32 $0xA0, v25;
	p0 =	slt.u32 s7, $0x3E0;
	v31 =	vld.idx.msk [tilespmem:v21+s2+$0x0], $0xffff;
	v21 =	vadd.s32 $0x80, v25;
	[tilespmem:s5+$0x20] =	vst v18  }
0x43: {  	v32 =	vadd.s32 $0xC0, v25;
	v20 =	vld.idx.msk [tilespmem:v23+s2+$0x0], $0xffff;
	[tilespmem:s5+$0xFFFFFFC0] =	vst v14;
	s5 =	sadd.s32 $0x80, s5;
	v23 =	vmov v30;
	v14 =	vmov v15  }
.Ltmp0:
0x44: {  	v18 =	vld.idx.msk [tilespmem:v22+s2+$0x0], $0xffff;
	[tilespmem:s5+$0x30] =	vst v16;
	v22 =	vmov v32;
	(pc) =	sbr.rel @p0 .LBB2_2-.Ltmp0, $4  }
0x45: {  	v15 =	vld.idx.msk [tilespmem:v25+s2+$0x0], $0xffff;
	[tilespmem:s5+$0xFFFFFFD0] =	vst v17  }
0x46: {  	v16 =	vld.idx.msk [tilespmem:v28+s2+$0x0], $0xffff;
	[tilespmem:s5+$0xFFFFFFE0] =	vst v19  }
0x47: {  	v17 =	vld.idx.msk [tilespmem:v26+s2+$0x0], $0xffff;
	[tilespmem:s5+$0xFFFFFFF0] =	vst v29  }
0x48: {  	v25 =	vadd.s32 $0x100, v25;
	v19 =	vld.idx.msk [tilespmem:v27+s2+$0x0], $0xffff;
	[tilespmem:s5+$0x0] =	vst v31  }
0x49: {  	_ =	sdelay $0x1  }
0x4a: {  	[tilespmem:s5+$0x10] =	vst v20  }
0x4b: {  	[tilespmem:s5+$0x20] =	vst v18  }
0x4c: {  	v20 =	vld.idx.msk [tilespmem:v24+s2+$0x0], $0xffff;
	[tilespmem:s5+$0xFFFFFFC0] =	vst v14;
	s7 =	sadd.s32 $0x80, s5  }
0x4d: {  	v18 =	vld.idx.msk [tilespmem:v21+s2+$0x0], $0xffff;
	[tilespmem:s7+$0xFFFFFFC0] =	vst v15  }
0x4e: {  	v14 =	vld.idx.msk [tilespmem:v23+s2+$0x0], $0xffff;
	[tilespmem:s7+$0x30] =	vst v16  }
0x4f: {  	v16 =	vld.idx.msk [tilespmem:v22+s2+$0x0], $0xffff;
	[tilespmem:s7+$0xFFFFFFD0] =	vst v17  }
0x50: {  	[tilespmem:s7+$0xFFFFFFE0] =	vst v19  }
0x51: {  	[tilespmem:s7+$0xFFFFFFF0] =	vst v20  }
0x52: {  	[tilespmem:s7+$0x0] =	vst v18  }
0x53: {  	[tilespmem:s7+$0x10] =	vst v14  }
0x54: {  	[tilespmem:s7+$0x20] =	vst v16  }
0x55: {  	[hbm4b:s6+s2] =	stream.linear.scatter [tilespmem:s29], [sflag:$0x4], $0x3E80, $0x38;
	[tilespmem:$0x1F400] =	vst v63  }
0x56: {  	s5 =	rddreg [dreg:$0x6]  }
0x57: {  	[tilespmem:s2], [sflag:$0x1] =	stream.linear.gather [hbm4b:s5+s2], $0x7D00, $0x38;
	[tilespmem:$0x1F400] =	vst v63  }
0x58: {  	_ =	swait.ge [sflag:s30], $0x7D00  }
0x59: {  	[sflag:s30] =	ssyncset.done $0x0  }
0x5a: {  	[sflag:s30] =	ssyncadd.s32 $0xFFFF8300  }
0x5b: {  	v14 =	vld.idx.msk [tilespmem:v0+s25+$0x0], $0xffff  }
0x5c: {  	v15 =	vld.idx.msk [tilespmem:v4+s25+$0x0], $0xffff  }
0x5d: {  	v16 =	vld.idx.msk [tilespmem:v5+s25+$0x0], $0xffff  }
0x5e: {  	v20 =	vld.idx.msk [tilespmem:v8+s25+$0x0], $0xffff  }
0x5f: {  	v18 =	vld.idx.msk [tilespmem:v6+s25+$0x0], $0xffff  }
0x60: {  	v21 =	vld.idx.msk [tilespmem:v9+s25+$0x0], $0xffff  }
0x61: {  	s5 =	simm.s32 $0x1B5C0;
	v22 =	vld.idx.msk [tilespmem:v10+s25+$0x0], $0xffff  }
0x62: {  	v24 =	vadd.s32 $0x60, v3;
	v19 =	vld.idx.msk [tilespmem:v11+s25+$0x0], $0xffff;
	[tilespmem:s5+$0x30] =	vst v15  }
0x63: {  	v17 =	vld.idx.msk [tilespmem:v13+s25+$0x0], $0xffff;
	[tilespmem:s5+$0xFFFFFFF0] =	vst v20;
	v20 =	vadd.s32 $0x80, v3  }
0x64: {  	v23 =	vmov v2;
	v15 =	vld.idx.msk [tilespmem:v3+s25+$0x0], $0xffff;
	[tilespmem:s5+$0xFFFFFFD0] =	vst v16  }
0x65: {  	v16 =	vld.idx.msk [tilespmem:v12+s25+$0x0], $0xffff;
	[tilespmem:s5+$0x0] =	vst v21;
	v21 =	vmov v1  }
0x66: {  	v25 =	vadd.s32 $0x100, v3;
	s7 =	simm.s32 $0x8;
	[tilespmem:s5+$0xFFFFFFE0] =	vst v18;
	v18 =	vld.idx.msk [tilespmem:v7+s25+$0x0], $0xffff  }
.LBB2_4:
0x67: {  	v26 =	vadd.s32 $0x20, v25;
	v27 =	vadd.s32 $0x40, v25;
	v28 =	vadd.s32 $0xE0, v25;
	s7 =	sadd.s32 $0x8, s7;
	v29 =	vld.idx.msk [tilespmem:v24+s25+$0x0], $0xffff;
	[tilespmem:s5+$0x10] =	vst v22  }
0x68: {  	v24 =	vadd.s32 $0x60, v25;
	v30 =	vadd.s32 $0xA0, v25;
	p0 =	slt.u32 s7, $0x3E0;
	v31 =	vld.idx.msk [tilespmem:v20+s25+$0x0], $0xffff;
	v20 =	vadd.s32 $0x80, v25;
	[tilespmem:s5+$0x20] =	vst v19  }
0x69: {  	v32 =	vadd.s32 $0xC0, v25;
	v22 =	vld.idx.msk [tilespmem:v23+s25+$0x0], $0xffff;
	[tilespmem:s5+$0xFFFFFFC0] =	vst v14;
	s5 =	sadd.s32 $0x80, s5;
	v23 =	vmov v30;
	v14 =	vmov v15  }
.Ltmp1:
0x6a: {  	v19 =	vld.idx.msk [tilespmem:v21+s25+$0x0], $0xffff;
	[tilespmem:s5+$0x30] =	vst v17;
	v21 =	vmov v32;
	(pc) =	sbr.rel @p0 .LBB2_4-.Ltmp1, $4  }
0x6b: {  	v15 =	vld.idx.msk [tilespmem:v25+s25+$0x0], $0xffff;
	[tilespmem:s5+$0xFFFFFFD0] =	vst v16  }
0x6c: {  	v17 =	vld.idx.msk [tilespmem:v28+s25+$0x0], $0xffff;
	[tilespmem:s5+$0xFFFFFFE0] =	vst v18  }
0x6d: {  	v16 =	vld.idx.msk [tilespmem:v26+s25+$0x0], $0xffff;
	[tilespmem:s5+$0xFFFFFFF0] =	vst v29  }
0x6e: {  	v25 =	vadd.s32 $0x100, v25;
	v18 =	vld.idx.msk [tilespmem:v27+s25+$0x0], $0xffff;
	[tilespmem:s5+$0x0] =	vst v31  }
0x6f: {  	_ =	sdelay $0x1  }
0x70: {  	[tilespmem:s5+$0x10] =	vst v22  }
0x71: {  	[tilespmem:s5+$0x20] =	vst v19  }
0x72: {  	v22 =	vld.idx.msk [tilespmem:v24+s25+$0x0], $0xffff;
	[tilespmem:s5+$0xFFFFFFC0] =	vst v14;
	s7 =	sadd.s32 $0x80, s5  }
0x73: {  	v19 =	vld.idx.msk [tilespmem:v20+s25+$0x0], $0xffff;
	[tilespmem:s7+$0xFFFFFFC0] =	vst v15  }
0x74: {  	v14 =	vld.idx.msk [tilespmem:v23+s25+$0x0], $0xffff;
	[tilespmem:s7+$0x30] =	vst v17  }
0x75: {  	v17 =	vld.idx.msk [tilespmem:v21+s25+$0x0], $0xffff;
	[tilespmem:s7+$0xFFFFFFD0] =	vst v16  }
0x76: {  	[tilespmem:s7+$0xFFFFFFE0] =	vst v18  }
0x77: {  	[tilespmem:s7+$0xFFFFFFF0] =	vst v22  }
0x78: {  	[tilespmem:s7+$0x0] =	vst v19  }
0x79: {  	[tilespmem:s7+$0x10] =	vst v14  }
0x7a: {  	[tilespmem:s7+$0x20] =	vst v17  }
0x7b: {  	s5 =	rddreg [dreg:$0x1d]  }
0x7c: {  	[hbm4b:s5+s2] =	stream.linear.scatter [tilespmem:s31], [sflag:$0x5], $0x3E80, $0x38;
	[tilespmem:$0x1F400] =	vst v63  }
0x7d: {  	s7 =	rddreg [dreg:$0x7]  }
0x7e: {  	[tilespmem:s25], [sflag:$0x2] =	stream.linear.gather [hbm4b:s7+s2], $0x7D00, $0x38;
	[tilespmem:$0x1F400] =	vst v63  }
0x7f: {  	_ =	swait.ge [sflag:s1], $0x7D00  }
0x80: {  	[sflag:s1] =	ssyncset.done $0x0  }
0x81: {  	[sflag:s1] =	ssyncadd.s32 $0xFFFF8300  }
0x82: {  	_ =	swait.ge [sflag:s0], $0x3E80  }
0x83: {  	[sflag:s0] =	ssyncset.done $0x0  }
0x84: {  	[sflag:s0] =	ssyncadd.s32 $0xFFFFC180  }
0x85: {  	v14 =	vld.idx.msk [tilespmem:v0+s26+$0x0], $0xffff  }
0x86: {  	v15 =	vld.idx.msk [tilespmem:v4+s26+$0x0], $0xffff  }
0x87: {  	v16 =	vld.idx.msk [tilespmem:v5+s26+$0x0], $0xffff  }
0x88: {  	v20 =	vld.idx.msk [tilespmem:v8+s26+$0x0], $0xffff  }
0x89: {  	v18 =	vld.idx.msk [tilespmem:v6+s26+$0x0], $0xffff  }
0x8a: {  	v21 =	vld.idx.msk [tilespmem:v9+s26+$0x0], $0xffff  }
0x8b: {  	s5 =	simm.s32 $0x17740;
	v22 =	vld.idx.msk [tilespmem:v10+s26+$0x0], $0xffff  }
0x8c: {  	v24 =	vadd.s32 $0x60, v3;
	v19 =	vld.idx.msk [tilespmem:v11+s26+$0x0], $0xffff;
	[tilespmem:s5+$0x30] =	vst v15  }
0x8d: {  	v17 =	vld.idx.msk [tilespmem:v13+s26+$0x0], $0xffff;
	[tilespmem:s5+$0xFFFFFFF0] =	vst v20;
	v20 =	vadd.s32 $0x80, v3  }
0x8e: {  	v23 =	vmov v2;
	v15 =	vld.idx.msk [tilespmem:v3+s26+$0x0], $0xffff;
	[tilespmem:s5+$0xFFFFFFD0] =	vst v16  }
0x8f: {  	v16 =	vld.idx.msk [tilespmem:v12+s26+$0x0], $0xffff;
	[tilespmem:s5+$0x0] =	vst v21;
	v21 =	vmov v1  }
0x90: {  	v25 =	vadd.s32 $0x100, v3;
	s7 =	simm.s32 $0x8;
	[tilespmem:s5+$0xFFFFFFE0] =	vst v18;
	v18 =	vld.idx.msk [tilespmem:v7+s26+$0x0], $0xffff  }
.LBB2_6:
0x91: {  	v26 =	vadd.s32 $0x20, v25;
	v27 =	vadd.s32 $0x40, v25;
	v28 =	vadd.s32 $0xE0, v25;
	s7 =	sadd.s32 $0x8, s7;
	v29 =	vld.idx.msk [tilespmem:v24+s26+$0x0], $0xffff;
	[tilespmem:s5+$0x10] =	vst v22  }
0x92: {  	v24 =	vadd.s32 $0x60, v25;
	v30 =	vadd.s32 $0xA0, v25;
	p0 =	slt.u32 s7, $0x3E0;
	v31 =	vld.idx.msk [tilespmem:v20+s26+$0x0], $0xffff;
	v20 =	vadd.s32 $0x80, v25;
	[tilespmem:s5+$0x20] =	vst v19  }
0x93: {  	v32 =	vadd.s32 $0xC0, v25;
	v22 =	vld.idx.msk [tilespmem:v23+s26+$0x0], $0xffff;
	[tilespmem:s5+$0xFFFFFFC0] =	vst v14;
	s5 =	sadd.s32 $0x80, s5;
	v23 =	vmov v30;
	v14 =	vmov v15  }
.Ltmp2:
0x94: {  	v19 =	vld.idx.msk [tilespmem:v21+s26+$0x0], $0xffff;
	[tilespmem:s5+$0x30] =	vst v17;
	v21 =	vmov v32;
	(pc) =	sbr.rel @p0 .LBB2_6-.Ltmp2, $4  }
0x95: {  	v15 =	vld.idx.msk [tilespmem:v25+s26+$0x0], $0xffff;
	[tilespmem:s5+$0xFFFFFFD0] =	vst v16  }
0x96: {  	v17 =	vld.idx.msk [tilespmem:v28+s26+$0x0], $0xffff;
	[tilespmem:s5+$0xFFFFFFE0] =	vst v18  }
0x97: {  	v16 =	vld.idx.msk [tilespmem:v26+s26+$0x0], $0xffff;
	[tilespmem:s5+$0xFFFFFFF0] =	vst v29  }
0x98: {  	v25 =	vadd.s32 $0x100, v25;
	v18 =	vld.idx.msk [tilespmem:v27+s26+$0x0], $0xffff;
	[tilespmem:s5+$0x0] =	vst v31  }
0x99: {  	_ =	sdelay $0x1  }
0x9a: {  	[tilespmem:s5+$0x10] =	vst v22  }
0x9b: {  	[tilespmem:s5+$0x20] =	vst v19  }
0x9c: {  	v22 =	vld.idx.msk [tilespmem:v24+s26+$0x0], $0xffff;
	[tilespmem:s5+$0xFFFFFFC0] =	vst v14;
	s7 =	sadd.s32 $0x80, s5  }
0x9d: {  	v19 =	vld.idx.msk [tilespmem:v20+s26+$0x0], $0xffff;
	[tilespmem:s7+$0xFFFFFFC0] =	vst v15  }
0x9e: {  	v14 =	vld.idx.msk [tilespmem:v23+s26+$0x0], $0xffff;
	[tilespmem:s7+$0x30] =	vst v17  }
0x9f: {  	v17 =	vld.idx.msk [tilespmem:v21+s26+$0x0], $0xffff;
	[tilespmem:s7+$0xFFFFFFD0] =	vst v16  }
0xa0: {  	[tilespmem:s7+$0xFFFFFFE0] =	vst v18  }
0xa1: {  	[tilespmem:s7+$0xFFFFFFF0] =	vst v22  }
0xa2: {  	[tilespmem:s7+$0x0] =	vst v19  }
0xa3: {  	[tilespmem:s7+$0x10] =	vst v14  }
0xa4: {  	[tilespmem:s7+$0x20] =	vst v17  }
0xa5: {  	s5 =	rddreg [dreg:$0x1e]  }
0xa6: {  	[hbm4b:s5+s2] =	stream.linear.scatter [tilespmem:s29], [sflag:$0x4], $0x3E80, $0x38;
	[tilespmem:$0x1F400] =	vst v63  }
0xa7: {  	s7 =	rddreg [dreg:$0x8]  }
0xa8: {  	[tilespmem:s26], [sflag:$0x3] =	stream.linear.gather [hbm4b:s7+s2], $0x7D00, $0x38;
	[tilespmem:$0x1F400] =	vst v63  }
0xa9: {  	_ =	swait.ge [sflag:s28], $0x7D00  }
0xaa: {  	[sflag:s28] =	ssyncset.done $0x0  }
0xab: {  	[sflag:s28] =	ssyncadd.s32 $0xFFFF8300  }
0xac: {  	_ =	swait.ge [sflag:s3], $0x3E80  }
0xad: {  	[sflag:s3] =	ssyncset.done $0x0  }
0xae: {  	[sflag:s3] =	ssyncadd.s32 $0xFFFFC180  }
0xaf: {  	v14 =	vld.idx.msk [tilespmem:v0+s2+$0x0], $0xffff  }
0xb0: {  	v15 =	vld.idx.msk [tilespmem:v4+s2+$0x0], $0xffff  }
0xb1: {  	v16 =	vld.idx.msk [tilespmem:v5+s2+$0x0], $0xffff  }
0xb2: {  	v20 =	vld.idx.msk [tilespmem:v8+s2+$0x0], $0xffff  }
0xb3: {  	v18 =	vld.idx.msk [tilespmem:v6+s2+$0x0], $0xffff  }
0xb4: {  	v21 =	vld.idx.msk [tilespmem:v9+s2+$0x0], $0xffff  }
0xb5: {  	s5 =	simm.s32 $0x1B5C0;
	v22 =	vld.idx.msk [tilespmem:v10+s2+$0x0], $0xffff  }
0xb6: {  	v24 =	vadd.s32 $0x60, v3;
	v19 =	vld.idx.msk [tilespmem:v11+s2+$0x0], $0xffff;
	[tilespmem:s5+$0x30] =	vst v15  }
0xb7: {  	v17 =	vld.idx.msk [tilespmem:v13+s2+$0x0], $0xffff;
	[tilespmem:s5+$0xFFFFFFF0] =	vst v20;
	v20 =	vadd.s32 $0x80, v3  }
0xb8: {  	v23 =	vmov v2;
	v15 =	vld.idx.msk [tilespmem:v3+s2+$0x0], $0xffff;
	[tilespmem:s5+$0xFFFFFFD0] =	vst v16  }
0xb9: {  	v16 =	vld.idx.msk [tilespmem:v12+s2+$0x0], $0xffff;
	[tilespmem:s5+$0x0] =	vst v21;
	v21 =	vmov v1  }
0xba: {  	v25 =	vadd.s32 $0x100, v3;
	s7 =	simm.s32 $0x8;
	[tilespmem:s5+$0xFFFFFFE0] =	vst v18;
	v18 =	vld.idx.msk [tilespmem:v7+s2+$0x0], $0xffff  }
.LBB2_8:
0xbb: {  	v26 =	vadd.s32 $0x20, v25;
	v27 =	vadd.s32 $0x40, v25;
	v28 =	vadd.s32 $0xE0, v25;
	s7 =	sadd.s32 $0x8, s7;
	v29 =	vld.idx.msk [tilespmem:v24+s2+$0x0], $0xffff;
	[tilespmem:s5+$0x10] =	vst v22  }
0xbc: {  	v24 =	vadd.s32 $0x60, v25;
	v30 =	vadd.s32 $0xA0, v25;
	p0 =	slt.u32 s7, $0x3E0;
	v31 =	vld.idx.msk [tilespmem:v20+s2+$0x0], $0xffff;
	v20 =	vadd.s32 $0x80, v25;
	[tilespmem:s5+$0x20] =	vst v19  }
0xbd: {  	v32 =	vadd.s32 $0xC0, v25;
	v22 =	vld.idx.msk [tilespmem:v23+s2+$0x0], $0xffff;
	[tilespmem:s5+$0xFFFFFFC0] =	vst v14;
	s5 =	sadd.s32 $0x80, s5;
	v23 =	vmov v30;
	v14 =	vmov v15  }
.Ltmp3:
0xbe: {  	v19 =	vld.idx.msk [tilespmem:v21+s2+$0x0], $0xffff;
	[tilespmem:s5+$0x30] =	vst v17;
	v21 =	vmov v32;
	(pc) =	sbr.rel @p0 .LBB2_8-.Ltmp3, $4  }
0xbf: {  	v15 =	vld.idx.msk [tilespmem:v25+s2+$0x0], $0xffff;
	[tilespmem:s5+$0xFFFFFFD0] =	vst v16  }
0xc0: {  	v17 =	vld.idx.msk [tilespmem:v28+s2+$0x0], $0xffff;
	[tilespmem:s5+$0xFFFFFFE0] =	vst v18  }
0xc1: {  	v16 =	vld.idx.msk [tilespmem:v26+s2+$0x0], $0xffff;
	[tilespmem:s5+$0xFFFFFFF0] =	vst v29  }
0xc2: {  	v25 =	vadd.s32 $0x100, v25;
	v18 =	vld.idx.msk [tilespmem:v27+s2+$0x0], $0xffff;
	[tilespmem:s5+$0x0] =	vst v31  }
0xc3: {  	_ =	sdelay $0x1  }
0xc4: {  	[tilespmem:s5+$0x10] =	vst v22  }
0xc5: {  	[tilespmem:s5+$0x20] =	vst v19  }
0xc6: {  	v22 =	vld.idx.msk [tilespmem:v24+s2+$0x0], $0xffff;
	[tilespmem:s5+$0xFFFFFFC0] =	vst v14;
	s7 =	sadd.s32 $0x80, s5  }
0xc7: {  	v19 =	vld.idx.msk [tilespmem:v20+s2+$0x0], $0xffff;
	[tilespmem:s7+$0xFFFFFFC0] =	vst v15  }
0xc8: {  	v14 =	vld.idx.msk [tilespmem:v23+s2+$0x0], $0xffff;
	[tilespmem:s7+$0x30] =	vst v17  }
0xc9: {  	v17 =	vld.idx.msk [tilespmem:v21+s2+$0x0], $0xffff;
	[tilespmem:s7+$0xFFFFFFD0] =	vst v16  }
0xca: {  	[tilespmem:s7+$0xFFFFFFE0] =	vst v18  }
0xcb: {  	[tilespmem:s7+$0xFFFFFFF0] =	vst v22  }
0xcc: {  	[tilespmem:s7+$0x0] =	vst v19  }
0xcd: {  	[tilespmem:s7+$0x10] =	vst v14  }
0xce: {  	[tilespmem:s7+$0x20] =	vst v17  }
0xcf: {  	s5 =	rddreg [dreg:$0x1f]  }
0xd0: {  	[hbm4b:s5+s2] =	stream.linear.scatter [tilespmem:s31], [sflag:$0x5], $0x3E80, $0x38;
	[tilespmem:$0x1F400] =	vst v63  }
0xd1: {  	s7 =	rddreg [dreg:$0x9]  }
0xd2: {  	[tilespmem:s2], [sflag:$0x1] =	stream.linear.gather [hbm4b:s7+s2], $0x7D00, $0x38;
	[tilespmem:$0x1F400] =	vst v63  }
0xd3: {  	_ =	swait.ge [sflag:s30], $0x7D00  }
0xd4: {  	[sflag:s30] =	ssyncset.done $0x0  }
0xd5: {  	[sflag:s30] =	ssyncadd.s32 $0xFFFF8300  }
0xd6: {  	_ =	swait.ge [sflag:s0], $0x3E80  }
0xd7: {  	[sflag:s0] =	ssyncset.done $0x0  }
0xd8: {  	[sflag:s0] =	ssyncadd.s32 $0xFFFFC180  }
0xd9: {  	v14 =	vld.idx.msk [tilespmem:v0+s25+$0x0], $0xffff  }
0xda: {  	v15 =	vld.idx.msk [tilespmem:v4+s25+$0x0], $0xffff  }
0xdb: {  	v16 =	vld.idx.msk [tilespmem:v5+s25+$0x0], $0xffff  }
0xdc: {  	v20 =	vld.idx.msk [tilespmem:v8+s25+$0x0], $0xffff  }
0xdd: {  	v18 =	vld.idx.msk [tilespmem:v6+s25+$0x0], $0xffff  }
0xde: {  	v21 =	vld.idx.msk [tilespmem:v9+s25+$0x0], $0xffff  }
0xdf: {  	s5 =	simm.s32 $0x17740;
	v22 =	vld.idx.msk [tilespmem:v10+s25+$0x0], $0xffff  }
0xe0: {  	v24 =	vadd.s32 $0x60, v3;
	v19 =	vld.idx.msk [tilespmem:v11+s25+$0x0], $0xffff;
	[tilespmem:s5+$0x30] =	vst v15  }
0xe1: {  	v17 =	vld.idx.msk [tilespmem:v13+s25+$0x0], $0xffff;
	[tilespmem:s5+$0xFFFFFFF0] =	vst v20;
	v20 =	vadd.s32 $0x80, v3  }
0xe2: {  	v23 =	vmov v2;
	v15 =	vld.idx.msk [tilespmem:v3+s25+$0x0], $0xffff;
	[tilespmem:s5+$0xFFFFFFD0] =	vst v16  }
0xe3: {  	v16 =	vld.idx.msk [tilespmem:v12+s25+$0x0], $0xffff;
	[tilespmem:s5+$0x0] =	vst v21;
	v21 =	vmov v1  }
0xe4: {  	v25 =	vadd.s32 $0x100, v3;
	s7 =	simm.s32 $0x8;
	[tilespmem:s5+$0xFFFFFFE0] =	vst v18;
	v18 =	vld.idx.msk [tilespmem:v7+s25+$0x0], $0xffff  }
.LBB2_10:
0xe5: {  	v26 =	vadd.s32 $0x20, v25;
	v27 =	vadd.s32 $0x40, v25;
	v28 =	vadd.s32 $0xE0, v25;
	s7 =	sadd.s32 $0x8, s7;
	v29 =	vld.idx.msk [tilespmem:v24+s25+$0x0], $0xffff;
	[tilespmem:s5+$0x10] =	vst v22  }
0xe6: {  	v24 =	vadd.s32 $0x60, v25;
	v30 =	vadd.s32 $0xA0, v25;
	p0 =	slt.u32 s7, $0x3E0;
	v31 =	vld.idx.msk [tilespmem:v20+s25+$0x0], $0xffff;
	v20 =	vadd.s32 $0x80, v25;
	[tilespmem:s5+$0x20] =	vst v19  }
0xe7: {  	v32 =	vadd.s32 $0xC0, v25;
	v22 =	vld.idx.msk [tilespmem:v23+s25+$0x0], $0xffff;
	[tilespmem:s5+$0xFFFFFFC0] =	vst v14;
	s5 =	sadd.s32 $0x80, s5;
	v23 =	vmov v30;
	v14 =	vmov v15  }
.Ltmp4:
0xe8: {  	v19 =	vld.idx.msk [tilespmem:v21+s25+$0x0], $0xffff;
	[tilespmem:s5+$0x30] =	vst v17;
	v21 =	vmov v32;
	(pc) =	sbr.rel @p0 .LBB2_10-.Ltmp4, $4  }
0xe9: {  	v15 =	vld.idx.msk [tilespmem:v25+s25+$0x0], $0xffff;
	[tilespmem:s5+$0xFFFFFFD0] =	vst v16  }
0xea: {  	v17 =	vld.idx.msk [tilespmem:v28+s25+$0x0], $0xffff;
	[tilespmem:s5+$0xFFFFFFE0] =	vst v18  }
0xeb: {  	v16 =	vld.idx.msk [tilespmem:v26+s25+$0x0], $0xffff;
	[tilespmem:s5+$0xFFFFFFF0] =	vst v29  }
0xec: {  	v25 =	vadd.s32 $0x100, v25;
	v18 =	vld.idx.msk [tilespmem:v27+s25+$0x0], $0xffff;
	[tilespmem:s5+$0x0] =	vst v31  }
0xed: {  	_ =	sdelay $0x1  }
0xee: {  	[tilespmem:s5+$0x10] =	vst v22  }
0xef: {  	[tilespmem:s5+$0x20] =	vst v19  }
0xf0: {  	v22 =	vld.idx.msk [tilespmem:v24+s25+$0x0], $0xffff;
	[tilespmem:s5+$0xFFFFFFC0] =	vst v14;
	s7 =	sadd.s32 $0x80, s5  }
0xf1: {  	v19 =	vld.idx.msk [tilespmem:v20+s25+$0x0], $0xffff;
	[tilespmem:s7+$0xFFFFFFC0] =	vst v15  }
0xf2: {  	v14 =	vld.idx.msk [tilespmem:v23+s25+$0x0], $0xffff;
	[tilespmem:s7+$0x30] =	vst v17  }
0xf3: {  	v17 =	vld.idx.msk [tilespmem:v21+s25+$0x0], $0xffff;
	[tilespmem:s7+$0xFFFFFFD0] =	vst v16  }
0xf4: {  	[tilespmem:s7+$0xFFFFFFE0] =	vst v18  }
0xf5: {  	[tilespmem:s7+$0xFFFFFFF0] =	vst v22  }
0xf6: {  	[tilespmem:s7+$0x0] =	vst v19  }
0xf7: {  	[tilespmem:s7+$0x10] =	vst v14  }
0xf8: {  	[tilespmem:s7+$0x20] =	vst v17  }
0xf9: {  	s5 =	sld [smem:$0x7FA];
	_ =	sdelay $0x2  }
0xfa: {  	[hbm4b:s5+s2] =	stream.linear.scatter [tilespmem:s29], [sflag:$0x4], $0x3E80, $0x38;
	[tilespmem:$0x1F400] =	vst v63  }
0xfb: {  	s7 =	rddreg [dreg:$0xa]  }
0xfc: {  	[tilespmem:s25], [sflag:$0x2] =	stream.linear.gather [hbm4b:s7+s2], $0x7D00, $0x38;
	[tilespmem:$0x1F400] =	vst v63  }
0xfd: {  	_ =	swait.ge [sflag:s1], $0x7D00  }
0xfe: {  	[sflag:s1] =	ssyncset.done $0x0  }
0xff: {  	[sflag:s1] =	ssyncadd.s32 $0xFFFF8300  }
0x100: {  	_ =	swait.ge [sflag:s3], $0x3E80  }
0x101: {  	[sflag:s3] =	ssyncset.done $0x0  }
0x102: {  	[sflag:s3] =	ssyncadd.s32 $0xFFFFC180  }
0x103: {  	v14 =	vld.idx.msk [tilespmem:v0+s26+$0x0], $0xffff  }
0x104: {  	v15 =	vld.idx.msk [tilespmem:v4+s26+$0x0], $0xffff  }
0x105: {  	v16 =	vld.idx.msk [tilespmem:v5+s26+$0x0], $0xffff  }
0x106: {  	v20 =	vld.idx.msk [tilespmem:v8+s26+$0x0], $0xffff  }
0x107: {  	v18 =	vld.idx.msk [tilespmem:v6+s26+$0x0], $0xffff  }
0x108: {  	v21 =	vld.idx.msk [tilespmem:v9+s26+$0x0], $0xffff  }
0x109: {  	s5 =	simm.s32 $0x1B5C0;
	v22 =	vld.idx.msk [tilespmem:v10+s26+$0x0], $0xffff  }
0x10a: {  	v24 =	vadd.s32 $0x60, v3;
	v19 =	vld.idx.msk [tilespmem:v11+s26+$0x0], $0xffff;
	[tilespmem:s5+$0x30] =	vst v15  }
0x10b: {  	v17 =	vld.idx.msk [tilespmem:v13+s26+$0x0], $0xffff;
	[tilespmem:s5+$0xFFFFFFF0] =	vst v20;
	v20 =	vadd.s32 $0x80, v3  }
0x10c: {  	v23 =	vmov v2;
	v15 =	vld.idx.msk [tilespmem:v3+s26+$0x0], $0xffff;
	[tilespmem:s5+$0xFFFFFFD0] =	vst v16  }
0x10d: {  	v16 =	vld.idx.msk [tilespmem:v12+s26+$0x0], $0xffff;
	[tilespmem:s5+$0x0] =	vst v21;
	v21 =	vmov v1  }
0x10e: {  	v25 =	vadd.s32 $0x100, v3;
	s7 =	simm.s32 $0x8;
	[tilespmem:s5+$0xFFFFFFE0] =	vst v18;
	v18 =	vld.idx.msk [tilespmem:v7+s26+$0x0], $0xffff  }
.LBB2_12:
0x10f: {  	v26 =	vadd.s32 $0x20, v25;
	v27 =	vadd.s32 $0x40, v25;
	v28 =	vadd.s32 $0xE0, v25;
	s7 =	sadd.s32 $0x8, s7;
	v29 =	vld.idx.msk [tilespmem:v24+s26+$0x0], $0xffff;
	[tilespmem:s5+$0x10] =	vst v22  }
0x110: {  	v24 =	vadd.s32 $0x60, v25;
	v30 =	vadd.s32 $0xA0, v25;
	p0 =	slt.u32 s7, $0x3E0;
	v31 =	vld.idx.msk [tilespmem:v20+s26+$0x0], $0xffff;
	v20 =	vadd.s32 $0x80, v25;
	[tilespmem:s5+$0x20] =	vst v19  }
0x111: {  	v32 =	vadd.s32 $0xC0, v25;
	v22 =	vld.idx.msk [tilespmem:v23+s26+$0x0], $0xffff;
	[tilespmem:s5+$0xFFFFFFC0] =	vst v14;
	s5 =	sadd.s32 $0x80, s5;
	v23 =	vmov v30;
	v14 =	vmov v15  }
.Ltmp5:
0x112: {  	v19 =	vld.idx.msk [tilespmem:v21+s26+$0x0], $0xffff;
	[tilespmem:s5+$0x30] =	vst v17;
	v21 =	vmov v32;
	(pc) =	sbr.rel @p0 .LBB2_12-.Ltmp5, $4  }
0x113: {  	v15 =	vld.idx.msk [tilespmem:v25+s26+$0x0], $0xffff;
	[tilespmem:s5+$0xFFFFFFD0] =	vst v16  }
0x114: {  	v17 =	vld.idx.msk [tilespmem:v28+s26+$0x0], $0xffff;
	[tilespmem:s5+$0xFFFFFFE0] =	vst v18  }
0x115: {  	v16 =	vld.idx.msk [tilespmem:v26+s26+$0x0], $0xffff;
	[tilespmem:s5+$0xFFFFFFF0] =	vst v29  }
0x116: {  	v25 =	vadd.s32 $0x100, v25;
	v18 =	vld.idx.msk [tilespmem:v27+s26+$0x0], $0xffff;
	[tilespmem:s5+$0x0] =	vst v31  }
0x117: {  	_ =	sdelay $0x1  }
0x118: {  	[tilespmem:s5+$0x10] =	vst v22  }
0x119: {  	[tilespmem:s5+$0x20] =	vst v19  }
0x11a: {  	v22 =	vld.idx.msk [tilespmem:v24+s26+$0x0], $0xffff;
	[tilespmem:s5+$0xFFFFFFC0] =	vst v14;
	s7 =	sadd.s32 $0x80, s5  }
0x11b: {  	v19 =	vld.idx.msk [tilespmem:v20+s26+$0x0], $0xffff;
	[tilespmem:s7+$0xFFFFFFC0] =	vst v15  }
0x11c: {  	v14 =	vld.idx.msk [tilespmem:v23+s26+$0x0], $0xffff;
	[tilespmem:s7+$0x30] =	vst v17  }
0x11d: {  	v17 =	vld.idx.msk [tilespmem:v21+s26+$0x0], $0xffff;
	[tilespmem:s7+$0xFFFFFFD0] =	vst v16  }
0x11e: {  	[tilespmem:s7+$0xFFFFFFE0] =	vst v18  }
0x11f: {  	[tilespmem:s7+$0xFFFFFFF0] =	vst v22  }
0x120: {  	[tilespmem:s7+$0x0] =	vst v19  }
0x121: {  	[tilespmem:s7+$0x10] =	vst v14  }
0x122: {  	[tilespmem:s7+$0x20] =	vst v17  }
0x123: {  	s5 =	sld [smem:$0x7FB];
	_ =	sdelay $0x2  }
0x124: {  	[hbm4b:s5+s2] =	stream.linear.scatter [tilespmem:s31], [sflag:$0x5], $0x3E80, $0x38;
	[tilespmem:$0x1F400] =	vst v63  }
0x125: {  	s7 =	rddreg [dreg:$0xb]  }
0x126: {  	[tilespmem:s26], [sflag:$0x3] =	stream.linear.gather [hbm4b:s7+s2], $0x7D00, $0x38;
	[tilespmem:$0x1F400] =	vst v63  }
0x127: {  	_ =	swait.ge [sflag:s28], $0x7D00  }
0x128: {  	[sflag:s28] =	ssyncset.done $0x0  }
0x129: {  	[sflag:s28] =	ssyncadd.s32 $0xFFFF8300  }
0x12a: {  	_ =	swait.ge [sflag:s0], $0x3E80  }
0x12b: {  	[sflag:s0] =	ssyncset.done $0x0  }
0x12c: {  	[sflag:s0] =	ssyncadd.s32 $0xFFFFC180  }
0x12d: {  	v14 =	vld.idx.msk [tilespmem:v0+s2+$0x0], $0xffff  }
0x12e: {  	v15 =	vld.idx.msk [tilespmem:v4+s2+$0x0], $0xffff  }
0x12f: {  	v16 =	vld.idx.msk [tilespmem:v5+s2+$0x0], $0xffff  }
0x130: {  	v20 =	vld.idx.msk [tilespmem:v8+s2+$0x0], $0xffff  }
0x131: {  	v18 =	vld.idx.msk [tilespmem:v6+s2+$0x0], $0xffff  }
0x132: {  	v21 =	vld.idx.msk [tilespmem:v9+s2+$0x0], $0xffff  }
0x133: {  	s5 =	simm.s32 $0x17740;
	v22 =	vld.idx.msk [tilespmem:v10+s2+$0x0], $0xffff  }
0x134: {  	v24 =	vadd.s32 $0x60, v3;
	v19 =	vld.idx.msk [tilespmem:v11+s2+$0x0], $0xffff;
	[tilespmem:s5+$0x30] =	vst v15  }
0x135: {  	v17 =	vld.idx.msk [tilespmem:v13+s2+$0x0], $0xffff;
	[tilespmem:s5+$0xFFFFFFF0] =	vst v20;
	v20 =	vadd.s32 $0x80, v3  }
0x136: {  	v23 =	vmov v2;
	v15 =	vld.idx.msk [tilespmem:v3+s2+$0x0], $0xffff;
	[tilespmem:s5+$0xFFFFFFD0] =	vst v16  }
0x137: {  	v16 =	vld.idx.msk [tilespmem:v12+s2+$0x0], $0xffff;
	[tilespmem:s5+$0x0] =	vst v21;
	v21 =	vmov v1  }
0x138: {  	v25 =	vadd.s32 $0x100, v3;
	s7 =	simm.s32 $0x8;
	[tilespmem:s5+$0xFFFFFFE0] =	vst v18;
	v18 =	vld.idx.msk [tilespmem:v7+s2+$0x0], $0xffff  }
.LBB2_14:
0x139: {  	v26 =	vadd.s32 $0x20, v25;
	v27 =	vadd.s32 $0x40, v25;
	v28 =	vadd.s32 $0xE0, v25;
	s7 =	sadd.s32 $0x8, s7;
	v29 =	vld.idx.msk [tilespmem:v24+s2+$0x0], $0xffff;
	[tilespmem:s5+$0x10] =	vst v22  }
0x13a: {  	v24 =	vadd.s32 $0x60, v25;
	v30 =	vadd.s32 $0xA0, v25;
	p0 =	slt.u32 s7, $0x3E0;
	v31 =	vld.idx.msk [tilespmem:v20+s2+$0x0], $0xffff;
	v20 =	vadd.s32 $0x80, v25;
	[tilespmem:s5+$0x20] =	vst v19  }
0x13b: {  	v32 =	vadd.s32 $0xC0, v25;
	v22 =	vld.idx.msk [tilespmem:v23+s2+$0x0], $0xffff;
	[tilespmem:s5+$0xFFFFFFC0] =	vst v14;
	s5 =	sadd.s32 $0x80, s5;
	v23 =	vmov v30;
	v14 =	vmov v15  }
.Ltmp6:
0x13c: {  	v19 =	vld.idx.msk [tilespmem:v21+s2+$0x0], $0xffff;
	[tilespmem:s5+$0x30] =	vst v17;
	v21 =	vmov v32;
	(pc) =	sbr.rel @p0 .LBB2_14-.Ltmp6, $4  }
0x13d: {  	v15 =	vld.idx.msk [tilespmem:v25+s2+$0x0], $0xffff;
	[tilespmem:s5+$0xFFFFFFD0] =	vst v16  }
0x13e: {  	v17 =	vld.idx.msk [tilespmem:v28+s2+$0x0], $0xffff;
	[tilespmem:s5+$0xFFFFFFE0] =	vst v18  }
0x13f: {  	v16 =	vld.idx.msk [tilespmem:v26+s2+$0x0], $0xffff;
	[tilespmem:s5+$0xFFFFFFF0] =	vst v29  }
0x140: {  	v25 =	vadd.s32 $0x100, v25;
	v18 =	vld.idx.msk [tilespmem:v27+s2+$0x0], $0xffff;
	[tilespmem:s5+$0x0] =	vst v31  }
0x141: {  	_ =	sdelay $0x1  }
0x142: {  	[tilespmem:s5+$0x10] =	vst v22  }
0x143: {  	[tilespmem:s5+$0x20] =	vst v19  }
0x144: {  	v22 =	vld.idx.msk [tilespmem:v24+s2+$0x0], $0xffff;
	[tilespmem:s5+$0xFFFFFFC0] =	vst v14;
	s7 =	sadd.s32 $0x80, s5  }
0x145: {  	v19 =	vld.idx.msk [tilespmem:v20+s2+$0x0], $0xffff;
	[tilespmem:s7+$0xFFFFFFC0] =	vst v15  }
0x146: {  	v14 =	vld.idx.msk [tilespmem:v23+s2+$0x0], $0xffff;
	[tilespmem:s7+$0x30] =	vst v17  }
0x147: {  	v17 =	vld.idx.msk [tilespmem:v21+s2+$0x0], $0xffff;
	[tilespmem:s7+$0xFFFFFFD0] =	vst v16  }
0x148: {  	[tilespmem:s7+$0xFFFFFFE0] =	vst v18  }
0x149: {  	[tilespmem:s7+$0xFFFFFFF0] =	vst v22  }
0x14a: {  	[tilespmem:s7+$0x0] =	vst v19  }
0x14b: {  	[tilespmem:s7+$0x10] =	vst v14  }
0x14c: {  	[tilespmem:s7+$0x20] =	vst v17  }
0x14d: {  	s5 =	sld [smem:$0x7FC];
	_ =	sdelay $0x2  }
0x14e: {  	[hbm4b:s5+s2] =	stream.linear.scatter [tilespmem:s29], [sflag:$0x4], $0x3E80, $0x38;
	[tilespmem:$0x1F400] =	vst v63  }
0x14f: {  	s7 =	rddreg [dreg:$0xc]  }
0x150: {  	[tilespmem:s2], [sflag:$0x1] =	stream.linear.gather [hbm4b:s7+s2], $0x7D00, $0x38;
	[tilespmem:$0x1F400] =	vst v63  }
0x151: {  	_ =	swait.ge [sflag:s30], $0x7D00  }
0x152: {  	[sflag:s30] =	ssyncset.done $0x0  }
0x153: {  	[sflag:s30] =	ssyncadd.s32 $0xFFFF8300  }
0x154: {  	_ =	swait.ge [sflag:s3], $0x3E80  }
0x155: {  	[sflag:s3] =	ssyncset.done $0x0  }
0x156: {  	[sflag:s3] =	ssyncadd.s32 $0xFFFFC180  }
0x157: {  	v14 =	vld.idx.msk [tilespmem:v0+s25+$0x0], $0xffff  }
0x158: {  	v15 =	vld.idx.msk [tilespmem:v4+s25+$0x0], $0xffff  }
0x159: {  	v16 =	vld.idx.msk [tilespmem:v5+s25+$0x0], $0xffff  }
0x15a: {  	v20 =	vld.idx.msk [tilespmem:v8+s25+$0x0], $0xffff  }
0x15b: {  	v18 =	vld.idx.msk [tilespmem:v6+s25+$0x0], $0xffff  }
0x15c: {  	v21 =	vld.idx.msk [tilespmem:v9+s25+$0x0], $0xffff  }
0x15d: {  	s5 =	simm.s32 $0x1B5C0;
	v22 =	vld.idx.msk [tilespmem:v10+s25+$0x0], $0xffff  }
0x15e: {  	v24 =	vadd.s32 $0x60, v3;
	v19 =	vld.idx.msk [tilespmem:v11+s25+$0x0], $0xffff;
	[tilespmem:s5+$0x30] =	vst v15  }
0x15f: {  	v17 =	vld.idx.msk [tilespmem:v13+s25+$0x0], $0xffff;
	[tilespmem:s5+$0xFFFFFFF0] =	vst v20;
	v20 =	vadd.s32 $0x80, v3  }
0x160: {  	v23 =	vmov v2;
	v15 =	vld.idx.msk [tilespmem:v3+s25+$0x0], $0xffff;
	[tilespmem:s5+$0xFFFFFFD0] =	vst v16  }
0x161: {  	v16 =	vld.idx.msk [tilespmem:v12+s25+$0x0], $0xffff;
	[tilespmem:s5+$0x0] =	vst v21;
	v21 =	vmov v1  }
0x162: {  	v25 =	vadd.s32 $0x100, v3;
	s7 =	simm.s32 $0x8;
	[tilespmem:s5+$0xFFFFFFE0] =	vst v18;
	v18 =	vld.idx.msk [tilespmem:v7+s25+$0x0], $0xffff  }
.LBB2_16:
0x163: {  	v26 =	vadd.s32 $0x20, v25;
	v27 =	vadd.s32 $0x40, v25;
	v28 =	vadd.s32 $0xE0, v25;
	s7 =	sadd.s32 $0x8, s7;
	v29 =	vld.idx.msk [tilespmem:v24+s25+$0x0], $0xffff;
	[tilespmem:s5+$0x10] =	vst v22  }
0x164: {  	v24 =	vadd.s32 $0x60, v25;
	v30 =	vadd.s32 $0xA0, v25;
	p0 =	slt.u32 s7, $0x3E0;
	v31 =	vld.idx.msk [tilespmem:v20+s25+$0x0], $0xffff;
	v20 =	vadd.s32 $0x80, v25;
	[tilespmem:s5+$0x20] =	vst v19  }
0x165: {  	v32 =	vadd.s32 $0xC0, v25;
	v22 =	vld.idx.msk [tilespmem:v23+s25+$0x0], $0xffff;
	[tilespmem:s5+$0xFFFFFFC0] =	vst v14;
	s5 =	sadd.s32 $0x80, s5;
	v23 =	vmov v30;
	v14 =	vmov v15  }
.Ltmp7:
0x166: {  	v19 =	vld.idx.msk [tilespmem:v21+s25+$0x0], $0xffff;
	[tilespmem:s5+$0x30] =	vst v17;
	v21 =	vmov v32;
	(pc) =	sbr.rel @p0 .LBB2_16-.Ltmp7, $4  }
0x167: {  	v15 =	vld.idx.msk [tilespmem:v25+s25+$0x0], $0xffff;
	[tilespmem:s5+$0xFFFFFFD0] =	vst v16  }
0x168: {  	v17 =	vld.idx.msk [tilespmem:v28+s25+$0x0], $0xffff;
	[tilespmem:s5+$0xFFFFFFE0] =	vst v18  }
0x169: {  	v16 =	vld.idx.msk [tilespmem:v26+s25+$0x0], $0xffff;
	[tilespmem:s5+$0xFFFFFFF0] =	vst v29  }
0x16a: {  	v25 =	vadd.s32 $0x100, v25;
	v18 =	vld.idx.msk [tilespmem:v27+s25+$0x0], $0xffff;
	[tilespmem:s5+$0x0] =	vst v31  }
0x16b: {  	_ =	sdelay $0x1  }
0x16c: {  	[tilespmem:s5+$0x10] =	vst v22  }
0x16d: {  	[tilespmem:s5+$0x20] =	vst v19  }
0x16e: {  	v22 =	vld.idx.msk [tilespmem:v24+s25+$0x0], $0xffff;
	[tilespmem:s5+$0xFFFFFFC0] =	vst v14;
	s7 =	sadd.s32 $0x80, s5  }
0x16f: {  	v19 =	vld.idx.msk [tilespmem:v20+s25+$0x0], $0xffff;
	[tilespmem:s7+$0xFFFFFFC0] =	vst v15  }
0x170: {  	v14 =	vld.idx.msk [tilespmem:v23+s25+$0x0], $0xffff;
	[tilespmem:s7+$0x30] =	vst v17  }
0x171: {  	v17 =	vld.idx.msk [tilespmem:v21+s25+$0x0], $0xffff;
	[tilespmem:s7+$0xFFFFFFD0] =	vst v16  }
0x172: {  	[tilespmem:s7+$0xFFFFFFE0] =	vst v18  }
0x173: {  	[tilespmem:s7+$0xFFFFFFF0] =	vst v22  }
0x174: {  	[tilespmem:s7+$0x0] =	vst v19  }
0x175: {  	[tilespmem:s7+$0x10] =	vst v14  }
0x176: {  	[tilespmem:s7+$0x20] =	vst v17  }
0x177: {  	s5 =	sld [smem:$0x7FD];
	_ =	sdelay $0x2  }
0x178: {  	[hbm4b:s5+s2] =	stream.linear.scatter [tilespmem:s31], [sflag:$0x5], $0x3E80, $0x38;
	[tilespmem:$0x1F400] =	vst v63  }
0x179: {  	s7 =	rddreg [dreg:$0xd]  }
0x17a: {  	[tilespmem:s25], [sflag:$0x2] =	stream.linear.gather [hbm4b:s7+s2], $0x7D00, $0x38;
	[tilespmem:$0x1F400] =	vst v63  }
0x17b: {  	_ =	swait.ge [sflag:s1], $0x7D00  }
0x17c: {  	[sflag:s1] =	ssyncset.done $0x0  }
0x17d: {  	[sflag:s1] =	ssyncadd.s32 $0xFFFF8300  }
0x17e: {  	_ =	swait.ge [sflag:s0], $0x3E80  }
0x17f: {  	[sflag:s0] =	ssyncset.done $0x0  }
0x180: {  	[sflag:s0] =	ssyncadd.s32 $0xFFFFC180  }
0x181: {  	v14 =	vld.idx.msk [tilespmem:v0+s26+$0x0], $0xffff  }
0x182: {  	v15 =	vld.idx.msk [tilespmem:v4+s26+$0x0], $0xffff  }
0x183: {  	v16 =	vld.idx.msk [tilespmem:v5+s26+$0x0], $0xffff  }
0x184: {  	v20 =	vld.idx.msk [tilespmem:v8+s26+$0x0], $0xffff  }
0x185: {  	v18 =	vld.idx.msk [tilespmem:v6+s26+$0x0], $0xffff  }
0x186: {  	v21 =	vld.idx.msk [tilespmem:v9+s26+$0x0], $0xffff  }
0x187: {  	s5 =	simm.s32 $0x17740;
	v22 =	vld.idx.msk [tilespmem:v10+s26+$0x0], $0xffff  }
0x188: {  	v24 =	vadd.s32 $0x60, v3;
	v19 =	vld.idx.msk [tilespmem:v11+s26+$0x0], $0xffff;
	[tilespmem:s5+$0x30] =	vst v15  }
0x189: {  	v17 =	vld.idx.msk [tilespmem:v13+s26+$0x0], $0xffff;
	[tilespmem:s5+$0xFFFFFFF0] =	vst v20;
	v20 =	vadd.s32 $0x80, v3  }
0x18a: {  	v23 =	vmov v2;
	v15 =	vld.idx.msk [tilespmem:v3+s26+$0x0], $0xffff;
	[tilespmem:s5+$0xFFFFFFD0] =	vst v16  }
0x18b: {  	v16 =	vld.idx.msk [tilespmem:v12+s26+$0x0], $0xffff;
	[tilespmem:s5+$0x0] =	vst v21;
	v21 =	vmov v1  }
0x18c: {  	v25 =	vadd.s32 $0x100, v3;
	s7 =	simm.s32 $0x8;
	[tilespmem:s5+$0xFFFFFFE0] =	vst v18;
	v18 =	vld.idx.msk [tilespmem:v7+s26+$0x0], $0xffff  }
.LBB2_18:
0x18d: {  	v26 =	vadd.s32 $0x20, v25;
	v27 =	vadd.s32 $0x40, v25;
	v28 =	vadd.s32 $0xE0, v25;
	s7 =	sadd.s32 $0x8, s7;
	v29 =	vld.idx.msk [tilespmem:v24+s26+$0x0], $0xffff;
	[tilespmem:s5+$0x10] =	vst v22  }
0x18e: {  	v24 =	vadd.s32 $0x60, v25;
	v30 =	vadd.s32 $0xA0, v25;
	p0 =	slt.u32 s7, $0x3E0;
	v31 =	vld.idx.msk [tilespmem:v20+s26+$0x0], $0xffff;
	v20 =	vadd.s32 $0x80, v25;
	[tilespmem:s5+$0x20] =	vst v19  }
0x18f: {  	v32 =	vadd.s32 $0xC0, v25;
	v22 =	vld.idx.msk [tilespmem:v23+s26+$0x0], $0xffff;
	[tilespmem:s5+$0xFFFFFFC0] =	vst v14;
	s5 =	sadd.s32 $0x80, s5;
	v23 =	vmov v30;
	v14 =	vmov v15  }
.Ltmp8:
0x190: {  	v19 =	vld.idx.msk [tilespmem:v21+s26+$0x0], $0xffff;
	[tilespmem:s5+$0x30] =	vst v17;
	v21 =	vmov v32;
	(pc) =	sbr.rel @p0 .LBB2_18-.Ltmp8, $4  }
0x191: {  	v15 =	vld.idx.msk [tilespmem:v25+s26+$0x0], $0xffff;
	[tilespmem:s5+$0xFFFFFFD0] =	vst v16  }
0x192: {  	v17 =	vld.idx.msk [tilespmem:v28+s26+$0x0], $0xffff;
	[tilespmem:s5+$0xFFFFFFE0] =	vst v18  }
0x193: {  	v16 =	vld.idx.msk [tilespmem:v26+s26+$0x0], $0xffff;
	[tilespmem:s5+$0xFFFFFFF0] =	vst v29  }
0x194: {  	v25 =	vadd.s32 $0x100, v25;
	v18 =	vld.idx.msk [tilespmem:v27+s26+$0x0], $0xffff;
	[tilespmem:s5+$0x0] =	vst v31  }
0x195: {  	_ =	sdelay $0x1  }
0x196: {  	[tilespmem:s5+$0x10] =	vst v22  }
0x197: {  	[tilespmem:s5+$0x20] =	vst v19  }
0x198: {  	v22 =	vld.idx.msk [tilespmem:v24+s26+$0x0], $0xffff;
	[tilespmem:s5+$0xFFFFFFC0] =	vst v14;
	s7 =	sadd.s32 $0x80, s5  }
0x199: {  	v19 =	vld.idx.msk [tilespmem:v20+s26+$0x0], $0xffff;
	[tilespmem:s7+$0xFFFFFFC0] =	vst v15  }
0x19a: {  	v14 =	vld.idx.msk [tilespmem:v23+s26+$0x0], $0xffff;
	[tilespmem:s7+$0x30] =	vst v17  }
0x19b: {  	v17 =	vld.idx.msk [tilespmem:v21+s26+$0x0], $0xffff;
	[tilespmem:s7+$0xFFFFFFD0] =	vst v16  }
0x19c: {  	[tilespmem:s7+$0xFFFFFFE0] =	vst v18  }
0x19d: {  	[tilespmem:s7+$0xFFFFFFF0] =	vst v22  }
0x19e: {  	[tilespmem:s7+$0x0] =	vst v19  }
0x19f: {  	[tilespmem:s7+$0x10] =	vst v14  }
0x1a0: {  	[tilespmem:s7+$0x20] =	vst v17  }
0x1a1: {  	[hbm4b:s8+s2] =	stream.linear.scatter [tilespmem:s29], [sflag:$0x4], $0x3E80, $0x38;
	[tilespmem:$0x1F400] =	vst v63  }
0x1a2: {  	s5 =	rddreg [dreg:$0xe]  }
0x1a3: {  	[tilespmem:s26], [sflag:$0x3] =	stream.linear.gather [hbm4b:s5+s2], $0x7D00, $0x38;
	[tilespmem:$0x1F400] =	vst v63  }
0x1a4: {  	_ =	swait.ge [sflag:s28], $0x7D00  }
0x1a5: {  	[sflag:s28] =	ssyncset.done $0x0  }
0x1a6: {  	[sflag:s28] =	ssyncadd.s32 $0xFFFF8300  }
0x1a7: {  	_ =	swait.ge [sflag:s3], $0x3E80  }
0x1a8: {  	[sflag:s3] =	ssyncset.done $0x0  }
0x1a9: {  	[sflag:s3] =	ssyncadd.s32 $0xFFFFC180  }
0x1aa: {  	v14 =	vld.idx.msk [tilespmem:v0+s2+$0x0], $0xffff  }
0x1ab: {  	v15 =	vld.idx.msk [tilespmem:v4+s2+$0x0], $0xffff  }
0x1ac: {  	v16 =	vld.idx.msk [tilespmem:v5+s2+$0x0], $0xffff  }
0x1ad: {  	v20 =	vld.idx.msk [tilespmem:v8+s2+$0x0], $0xffff  }
0x1ae: {  	v18 =	vld.idx.msk [tilespmem:v6+s2+$0x0], $0xffff  }
0x1af: {  	v21 =	vld.idx.msk [tilespmem:v9+s2+$0x0], $0xffff  }
0x1b0: {  	s5 =	simm.s32 $0x1B5C0;
	v22 =	vld.idx.msk [tilespmem:v10+s2+$0x0], $0xffff  }
0x1b1: {  	v24 =	vadd.s32 $0x60, v3;
	v19 =	vld.idx.msk [tilespmem:v11+s2+$0x0], $0xffff;
	[tilespmem:s5+$0x30] =	vst v15  }
0x1b2: {  	v17 =	vld.idx.msk [tilespmem:v13+s2+$0x0], $0xffff;
	[tilespmem:s5+$0xFFFFFFF0] =	vst v20;
	v20 =	vadd.s32 $0x80, v3  }
0x1b3: {  	v23 =	vmov v2;
	v15 =	vld.idx.msk [tilespmem:v3+s2+$0x0], $0xffff;
	[tilespmem:s5+$0xFFFFFFD0] =	vst v16  }
0x1b4: {  	v16 =	vld.idx.msk [tilespmem:v12+s2+$0x0], $0xffff;
	[tilespmem:s5+$0x0] =	vst v21;
	v21 =	vmov v1  }
0x1b5: {  	v25 =	vadd.s32 $0x100, v3;
	s7 =	simm.s32 $0x8;
	[tilespmem:s5+$0xFFFFFFE0] =	vst v18;
	v18 =	vld.idx.msk [tilespmem:v7+s2+$0x0], $0xffff  }
.LBB2_20:
0x1b6: {  	v26 =	vadd.s32 $0x20, v25;
	v27 =	vadd.s32 $0x40, v25;
	v28 =	vadd.s32 $0xE0, v25;
	s7 =	sadd.s32 $0x8, s7;
	v29 =	vld.idx.msk [tilespmem:v24+s2+$0x0], $0xffff;
	[tilespmem:s5+$0x10] =	vst v22  }
0x1b7: {  	v24 =	vadd.s32 $0x60, v25;
	v30 =	vadd.s32 $0xA0, v25;
	p0 =	slt.u32 s7, $0x3E0;
	v31 =	vld.idx.msk [tilespmem:v20+s2+$0x0], $0xffff;
	v20 =	vadd.s32 $0x80, v25;
	[tilespmem:s5+$0x20] =	vst v19  }
0x1b8: {  	v32 =	vadd.s32 $0xC0, v25;
	v22 =	vld.idx.msk [tilespmem:v23+s2+$0x0], $0xffff;
	[tilespmem:s5+$0xFFFFFFC0] =	vst v14;
	s5 =	sadd.s32 $0x80, s5;
	v23 =	vmov v30;
	v14 =	vmov v15  }
.Ltmp9:
0x1b9: {  	v19 =	vld.idx.msk [tilespmem:v21+s2+$0x0], $0xffff;
	[tilespmem:s5+$0x30] =	vst v17;
	v21 =	vmov v32;
	(pc) =	sbr.rel @p0 .LBB2_20-.Ltmp9, $4  }
0x1ba: {  	v15 =	vld.idx.msk [tilespmem:v25+s2+$0x0], $0xffff;
	[tilespmem:s5+$0xFFFFFFD0] =	vst v16  }
0x1bb: {  	v17 =	vld.idx.msk [tilespmem:v28+s2+$0x0], $0xffff;
	[tilespmem:s5+$0xFFFFFFE0] =	vst v18  }
0x1bc: {  	v16 =	vld.idx.msk [tilespmem:v26+s2+$0x0], $0xffff;
	[tilespmem:s5+$0xFFFFFFF0] =	vst v29  }
0x1bd: {  	v25 =	vadd.s32 $0x100, v25;
	v18 =	vld.idx.msk [tilespmem:v27+s2+$0x0], $0xffff;
	[tilespmem:s5+$0x0] =	vst v31  }
0x1be: {  	_ =	sdelay $0x1  }
0x1bf: {  	[tilespmem:s5+$0x10] =	vst v22  }
0x1c0: {  	[tilespmem:s5+$0x20] =	vst v19  }
0x1c1: {  	v22 =	vld.idx.msk [tilespmem:v24+s2+$0x0], $0xffff;
	[tilespmem:s5+$0xFFFFFFC0] =	vst v14;
	s7 =	sadd.s32 $0x80, s5  }
0x1c2: {  	v19 =	vld.idx.msk [tilespmem:v20+s2+$0x0], $0xffff;
	[tilespmem:s7+$0xFFFFFFC0] =	vst v15  }
0x1c3: {  	v14 =	vld.idx.msk [tilespmem:v23+s2+$0x0], $0xffff;
	[tilespmem:s7+$0x30] =	vst v17  }
0x1c4: {  	v17 =	vld.idx.msk [tilespmem:v21+s2+$0x0], $0xffff;
	[tilespmem:s7+$0xFFFFFFD0] =	vst v16  }
0x1c5: {  	[tilespmem:s7+$0xFFFFFFE0] =	vst v18  }
0x1c6: {  	[tilespmem:s7+$0xFFFFFFF0] =	vst v22  }
0x1c7: {  	[tilespmem:s7+$0x0] =	vst v19  }
0x1c8: {  	[tilespmem:s7+$0x10] =	vst v14  }
0x1c9: {  	[tilespmem:s7+$0x20] =	vst v17  }
0x1ca: {  	[hbm4b:s9+s2] =	stream.linear.scatter [tilespmem:s31], [sflag:$0x5], $0x3E80, $0x38;
	[tilespmem:$0x1F400] =	vst v63  }
0x1cb: {  	s5 =	rddreg [dreg:$0xf]  }
0x1cc: {  	[tilespmem:s2], [sflag:$0x1] =	stream.linear.gather [hbm4b:s5+s2], $0x7D00, $0x38;
	[tilespmem:$0x1F400] =	vst v63  }
0x1cd: {  	_ =	swait.ge [sflag:s30], $0x7D00  }
0x1ce: {  	[sflag:s30] =	ssyncset.done $0x0  }
0x1cf: {  	[sflag:s30] =	ssyncadd.s32 $0xFFFF8300  }
0x1d0: {  	_ =	swait.ge [sflag:s0], $0x3E80  }
0x1d1: {  	[sflag:s0] =	ssyncset.done $0x0  }
0x1d2: {  	[sflag:s0] =	ssyncadd.s32 $0xFFFFC180  }
0x1d3: {  	v14 =	vld.idx.msk [tilespmem:v0+s25+$0x0], $0xffff  }
0x1d4: {  	v15 =	vld.idx.msk [tilespmem:v4+s25+$0x0], $0xffff  }
0x1d5: {  	v16 =	vld.idx.msk [tilespmem:v5+s25+$0x0], $0xffff  }
0x1d6: {  	v20 =	vld.idx.msk [tilespmem:v8+s25+$0x0], $0xffff  }
0x1d7: {  	v18 =	vld.idx.msk [tilespmem:v6+s25+$0x0], $0xffff  }
0x1d8: {  	v21 =	vld.idx.msk [tilespmem:v9+s25+$0x0], $0xffff  }
0x1d9: {  	s5 =	simm.s32 $0x17740;
	v22 =	vld.idx.msk [tilespmem:v10+s25+$0x0], $0xffff  }
0x1da: {  	v24 =	vadd.s32 $0x60, v3;
	v19 =	vld.idx.msk [tilespmem:v11+s25+$0x0], $0xffff;
	[tilespmem:s5+$0x30] =	vst v15  }
0x1db: {  	v17 =	vld.idx.msk [tilespmem:v13+s25+$0x0], $0xffff;
	[tilespmem:s5+$0xFFFFFFF0] =	vst v20;
	v20 =	vadd.s32 $0x80, v3  }
0x1dc: {  	v23 =	vmov v2;
	v15 =	vld.idx.msk [tilespmem:v3+s25+$0x0], $0xffff;
	[tilespmem:s5+$0xFFFFFFD0] =	vst v16  }
0x1dd: {  	v16 =	vld.idx.msk [tilespmem:v12+s25+$0x0], $0xffff;
	[tilespmem:s5+$0x0] =	vst v21;
	v21 =	vmov v1  }
0x1de: {  	v25 =	vadd.s32 $0x100, v3;
	s7 =	simm.s32 $0x8;
	[tilespmem:s5+$0xFFFFFFE0] =	vst v18;
	v18 =	vld.idx.msk [tilespmem:v7+s25+$0x0], $0xffff  }
.LBB2_22:
0x1df: {  	v26 =	vadd.s32 $0x20, v25;
	v27 =	vadd.s32 $0x40, v25;
	v28 =	vadd.s32 $0xE0, v25;
	s7 =	sadd.s32 $0x8, s7;
	v29 =	vld.idx.msk [tilespmem:v24+s25+$0x0], $0xffff;
	[tilespmem:s5+$0x10] =	vst v22  }
0x1e0: {  	v24 =	vadd.s32 $0x60, v25;
	v30 =	vadd.s32 $0xA0, v25;
	p0 =	slt.u32 s7, $0x3E0;
	v31 =	vld.idx.msk [tilespmem:v20+s25+$0x0], $0xffff;
	v20 =	vadd.s32 $0x80, v25;
	[tilespmem:s5+$0x20] =	vst v19  }
0x1e1: {  	v32 =	vadd.s32 $0xC0, v25;
	v22 =	vld.idx.msk [tilespmem:v23+s25+$0x0], $0xffff;
	[tilespmem:s5+$0xFFFFFFC0] =	vst v14;
	s5 =	sadd.s32 $0x80, s5;
	v23 =	vmov v30;
	v14 =	vmov v15  }
.Ltmp10:
0x1e2: {  	v19 =	vld.idx.msk [tilespmem:v21+s25+$0x0], $0xffff;
	[tilespmem:s5+$0x30] =	vst v17;
	v21 =	vmov v32;
	(pc) =	sbr.rel @p0 .LBB2_22-.Ltmp10, $4  }
0x1e3: {  	v15 =	vld.idx.msk [tilespmem:v25+s25+$0x0], $0xffff;
	[tilespmem:s5+$0xFFFFFFD0] =	vst v16  }
0x1e4: {  	v17 =	vld.idx.msk [tilespmem:v28+s25+$0x0], $0xffff;
	[tilespmem:s5+$0xFFFFFFE0] =	vst v18  }
0x1e5: {  	v16 =	vld.idx.msk [tilespmem:v26+s25+$0x0], $0xffff;
	[tilespmem:s5+$0xFFFFFFF0] =	vst v29  }
0x1e6: {  	v25 =	vadd.s32 $0x100, v25;
	v18 =	vld.idx.msk [tilespmem:v27+s25+$0x0], $0xffff;
	[tilespmem:s5+$0x0] =	vst v31  }
0x1e7: {  	_ =	sdelay $0x1  }
0x1e8: {  	[tilespmem:s5+$0x10] =	vst v22  }
0x1e9: {  	[tilespmem:s5+$0x20] =	vst v19  }
0x1ea: {  	v22 =	vld.idx.msk [tilespmem:v24+s25+$0x0], $0xffff;
	[tilespmem:s5+$0xFFFFFFC0] =	vst v14;
	s7 =	sadd.s32 $0x80, s5  }
0x1eb: {  	v19 =	vld.idx.msk [tilespmem:v20+s25+$0x0], $0xffff;
	[tilespmem:s7+$0xFFFFFFC0] =	vst v15  }
0x1ec: {  	v14 =	vld.idx.msk [tilespmem:v23+s25+$0x0], $0xffff;
	[tilespmem:s7+$0x30] =	vst v17  }
0x1ed: {  	v17 =	vld.idx.msk [tilespmem:v21+s25+$0x0], $0xffff;
	[tilespmem:s7+$0xFFFFFFD0] =	vst v16  }
0x1ee: {  	[tilespmem:s7+$0xFFFFFFE0] =	vst v18  }
0x1ef: {  	[tilespmem:s7+$0xFFFFFFF0] =	vst v22  }
0x1f0: {  	[tilespmem:s7+$0x0] =	vst v19  }
0x1f1: {  	[tilespmem:s7+$0x10] =	vst v14  }
0x1f2: {  	[tilespmem:s7+$0x20] =	vst v17  }
0x1f3: {  	[hbm4b:s10+s2] =	stream.linear.scatter [tilespmem:s29], [sflag:$0x4], $0x3E80, $0x38;
	[tilespmem:$0x1F400] =	vst v63  }
0x1f4: {  	s5 =	rddreg [dreg:$0x10]  }
0x1f5: {  	[tilespmem:s25], [sflag:$0x2] =	stream.linear.gather [hbm4b:s5+s2], $0x7D00, $0x38;
	[tilespmem:$0x1F400] =	vst v63  }
0x1f6: {  	_ =	swait.ge [sflag:s1], $0x7D00  }
0x1f7: {  	[sflag:s1] =	ssyncset.done $0x0  }
0x1f8: {  	[sflag:s1] =	ssyncadd.s32 $0xFFFF8300  }
0x1f9: {  	_ =	swait.ge [sflag:s3], $0x3E80  }
0x1fa: {  	[sflag:s3] =	ssyncset.done $0x0  }
0x1fb: {  	[sflag:s3] =	ssyncadd.s32 $0xFFFFC180  }
0x1fc: {  	v14 =	vld.idx.msk [tilespmem:v0+s26+$0x0], $0xffff  }
0x1fd: {  	v15 =	vld.idx.msk [tilespmem:v4+s26+$0x0], $0xffff  }
0x1fe: {  	v16 =	vld.idx.msk [tilespmem:v5+s26+$0x0], $0xffff  }
0x1ff: {  	v20 =	vld.idx.msk [tilespmem:v8+s26+$0x0], $0xffff  }
0x200: {  	v18 =	vld.idx.msk [tilespmem:v6+s26+$0x0], $0xffff  }
0x201: {  	v21 =	vld.idx.msk [tilespmem:v9+s26+$0x0], $0xffff  }
0x202: {  	s5 =	simm.s32 $0x1B5C0;
	v22 =	vld.idx.msk [tilespmem:v10+s26+$0x0], $0xffff  }
0x203: {  	v24 =	vadd.s32 $0x60, v3;
	v19 =	vld.idx.msk [tilespmem:v11+s26+$0x0], $0xffff;
	[tilespmem:s5+$0x30] =	vst v15  }
0x204: {  	v17 =	vld.idx.msk [tilespmem:v13+s26+$0x0], $0xffff;
	[tilespmem:s5+$0xFFFFFFF0] =	vst v20;
	v20 =	vadd.s32 $0x80, v3  }
0x205: {  	v23 =	vmov v2;
	v15 =	vld.idx.msk [tilespmem:v3+s26+$0x0], $0xffff;
	[tilespmem:s5+$0xFFFFFFD0] =	vst v16  }
0x206: {  	v16 =	vld.idx.msk [tilespmem:v12+s26+$0x0], $0xffff;
	[tilespmem:s5+$0x0] =	vst v21;
	v21 =	vmov v1  }
0x207: {  	v25 =	vadd.s32 $0x100, v3;
	s7 =	simm.s32 $0x8;
	[tilespmem:s5+$0xFFFFFFE0] =	vst v18;
	v18 =	vld.idx.msk [tilespmem:v7+s26+$0x0], $0xffff  }
.LBB2_24:
0x208: {  	v26 =	vadd.s32 $0x20, v25;
	v27 =	vadd.s32 $0x40, v25;
	v28 =	vadd.s32 $0xE0, v25;
	s7 =	sadd.s32 $0x8, s7;
	v29 =	vld.idx.msk [tilespmem:v24+s26+$0x0], $0xffff;
	[tilespmem:s5+$0x10] =	vst v22  }
0x209: {  	v24 =	vadd.s32 $0x60, v25;
	v30 =	vadd.s32 $0xA0, v25;
	p0 =	slt.u32 s7, $0x3E0;
	v31 =	vld.idx.msk [tilespmem:v20+s26+$0x0], $0xffff;
	v20 =	vadd.s32 $0x80, v25;
	[tilespmem:s5+$0x20] =	vst v19  }
0x20a: {  	v32 =	vadd.s32 $0xC0, v25;
	v22 =	vld.idx.msk [tilespmem:v23+s26+$0x0], $0xffff;
	[tilespmem:s5+$0xFFFFFFC0] =	vst v14;
	s5 =	sadd.s32 $0x80, s5;
	v23 =	vmov v30;
	v14 =	vmov v15  }
.Ltmp11:
0x20b: {  	v19 =	vld.idx.msk [tilespmem:v21+s26+$0x0], $0xffff;
	[tilespmem:s5+$0x30] =	vst v17;
	v21 =	vmov v32;
	(pc) =	sbr.rel @p0 .LBB2_24-.Ltmp11, $4  }
0x20c: {  	v15 =	vld.idx.msk [tilespmem:v25+s26+$0x0], $0xffff;
	[tilespmem:s5+$0xFFFFFFD0] =	vst v16  }
0x20d: {  	v17 =	vld.idx.msk [tilespmem:v28+s26+$0x0], $0xffff;
	[tilespmem:s5+$0xFFFFFFE0] =	vst v18  }
0x20e: {  	v16 =	vld.idx.msk [tilespmem:v26+s26+$0x0], $0xffff;
	[tilespmem:s5+$0xFFFFFFF0] =	vst v29  }
0x20f: {  	v25 =	vadd.s32 $0x100, v25;
	v18 =	vld.idx.msk [tilespmem:v27+s26+$0x0], $0xffff;
	[tilespmem:s5+$0x0] =	vst v31  }
0x210: {  	_ =	sdelay $0x1  }
0x211: {  	[tilespmem:s5+$0x10] =	vst v22  }
0x212: {  	[tilespmem:s5+$0x20] =	vst v19  }
0x213: {  	v22 =	vld.idx.msk [tilespmem:v24+s26+$0x0], $0xffff;
	[tilespmem:s5+$0xFFFFFFC0] =	vst v14;
	s7 =	sadd.s32 $0x80, s5  }
0x214: {  	v19 =	vld.idx.msk [tilespmem:v20+s26+$0x0], $0xffff;
	[tilespmem:s7+$0xFFFFFFC0] =	vst v15  }
0x215: {  	v14 =	vld.idx.msk [tilespmem:v23+s26+$0x0], $0xffff;
	[tilespmem:s7+$0x30] =	vst v17  }
0x216: {  	v17 =	vld.idx.msk [tilespmem:v21+s26+$0x0], $0xffff;
	[tilespmem:s7+$0xFFFFFFD0] =	vst v16  }
0x217: {  	[tilespmem:s7+$0xFFFFFFE0] =	vst v18  }
0x218: {  	[tilespmem:s7+$0xFFFFFFF0] =	vst v22  }
0x219: {  	[tilespmem:s7+$0x0] =	vst v19  }
0x21a: {  	[tilespmem:s7+$0x10] =	vst v14  }
0x21b: {  	[tilespmem:s7+$0x20] =	vst v17  }
0x21c: {  	[hbm4b:s11+s2] =	stream.linear.scatter [tilespmem:s31], [sflag:$0x5], $0x3E80, $0x38;
	[tilespmem:$0x1F400] =	vst v63  }
0x21d: {  	s5 =	rddreg [dreg:$0x11]  }
0x21e: {  	[tilespmem:s26], [sflag:$0x3] =	stream.linear.gather [hbm4b:s5+s2], $0x7D00, $0x38;
	[tilespmem:$0x1F400] =	vst v63  }
0x21f: {  	_ =	swait.ge [sflag:s28], $0x7D00  }
0x220: {  	[sflag:s28] =	ssyncset.done $0x0  }
0x221: {  	[sflag:s28] =	ssyncadd.s32 $0xFFFF8300  }
0x222: {  	_ =	swait.ge [sflag:s0], $0x3E80  }
0x223: {  	[sflag:s0] =	ssyncset.done $0x0  }
0x224: {  	[sflag:s0] =	ssyncadd.s32 $0xFFFFC180  }
0x225: {  	v14 =	vld.idx.msk [tilespmem:v0+s2+$0x0], $0xffff  }
0x226: {  	v15 =	vld.idx.msk [tilespmem:v4+s2+$0x0], $0xffff  }
0x227: {  	v16 =	vld.idx.msk [tilespmem:v5+s2+$0x0], $0xffff  }
0x228: {  	v20 =	vld.idx.msk [tilespmem:v8+s2+$0x0], $0xffff  }
0x229: {  	v18 =	vld.idx.msk [tilespmem:v6+s2+$0x0], $0xffff  }
0x22a: {  	v21 =	vld.idx.msk [tilespmem:v9+s2+$0x0], $0xffff  }
0x22b: {  	s5 =	simm.s32 $0x17740;
	v22 =	vld.idx.msk [tilespmem:v10+s2+$0x0], $0xffff  }
0x22c: {  	v24 =	vadd.s32 $0x60, v3;
	v19 =	vld.idx.msk [tilespmem:v11+s2+$0x0], $0xffff;
	[tilespmem:s5+$0x30] =	vst v15  }
0x22d: {  	v17 =	vld.idx.msk [tilespmem:v13+s2+$0x0], $0xffff;
	[tilespmem:s5+$0xFFFFFFF0] =	vst v20;
	v20 =	vadd.s32 $0x80, v3  }
0x22e: {  	v23 =	vmov v2;
	v15 =	vld.idx.msk [tilespmem:v3+s2+$0x0], $0xffff;
	[tilespmem:s5+$0xFFFFFFD0] =	vst v16  }
0x22f: {  	v16 =	vld.idx.msk [tilespmem:v12+s2+$0x0], $0xffff;
	[tilespmem:s5+$0x0] =	vst v21;
	v21 =	vmov v1  }
0x230: {  	v25 =	vadd.s32 $0x100, v3;
	s7 =	simm.s32 $0x8;
	[tilespmem:s5+$0xFFFFFFE0] =	vst v18;
	v18 =	vld.idx.msk [tilespmem:v7+s2+$0x0], $0xffff  }
.LBB2_26:
0x231: {  	v26 =	vadd.s32 $0x20, v25;
	v27 =	vadd.s32 $0x40, v25;
	v28 =	vadd.s32 $0xE0, v25;
	s7 =	sadd.s32 $0x8, s7;
	v29 =	vld.idx.msk [tilespmem:v24+s2+$0x0], $0xffff;
	[tilespmem:s5+$0x10] =	vst v22  }
0x232: {  	v24 =	vadd.s32 $0x60, v25;
	v30 =	vadd.s32 $0xA0, v25;
	p0 =	slt.u32 s7, $0x3E0;
	v31 =	vld.idx.msk [tilespmem:v20+s2+$0x0], $0xffff;
	v20 =	vadd.s32 $0x80, v25;
	[tilespmem:s5+$0x20] =	vst v19  }
0x233: {  	v32 =	vadd.s32 $0xC0, v25;
	v22 =	vld.idx.msk [tilespmem:v23+s2+$0x0], $0xffff;
	[tilespmem:s5+$0xFFFFFFC0] =	vst v14;
	s5 =	sadd.s32 $0x80, s5;
	v23 =	vmov v30;
	v14 =	vmov v15  }
.Ltmp12:
0x234: {  	v19 =	vld.idx.msk [tilespmem:v21+s2+$0x0], $0xffff;
	[tilespmem:s5+$0x30] =	vst v17;
	v21 =	vmov v32;
	(pc) =	sbr.rel @p0 .LBB2_26-.Ltmp12, $4  }
0x235: {  	v15 =	vld.idx.msk [tilespmem:v25+s2+$0x0], $0xffff;
	[tilespmem:s5+$0xFFFFFFD0] =	vst v16  }
0x236: {  	v17 =	vld.idx.msk [tilespmem:v28+s2+$0x0], $0xffff;
	[tilespmem:s5+$0xFFFFFFE0] =	vst v18  }
0x237: {  	v16 =	vld.idx.msk [tilespmem:v26+s2+$0x0], $0xffff;
	[tilespmem:s5+$0xFFFFFFF0] =	vst v29  }
0x238: {  	v25 =	vadd.s32 $0x100, v25;
	v18 =	vld.idx.msk [tilespmem:v27+s2+$0x0], $0xffff;
	[tilespmem:s5+$0x0] =	vst v31  }
0x239: {  	_ =	sdelay $0x1  }
0x23a: {  	[tilespmem:s5+$0x10] =	vst v22  }
0x23b: {  	[tilespmem:s5+$0x20] =	vst v19  }
0x23c: {  	v22 =	vld.idx.msk [tilespmem:v24+s2+$0x0], $0xffff;
	[tilespmem:s5+$0xFFFFFFC0] =	vst v14;
	s7 =	sadd.s32 $0x80, s5  }
0x23d: {  	v19 =	vld.idx.msk [tilespmem:v20+s2+$0x0], $0xffff;
	[tilespmem:s7+$0xFFFFFFC0] =	vst v15  }
0x23e: {  	v14 =	vld.idx.msk [tilespmem:v23+s2+$0x0], $0xffff;
	[tilespmem:s7+$0x30] =	vst v17  }
0x23f: {  	v17 =	vld.idx.msk [tilespmem:v21+s2+$0x0], $0xffff;
	[tilespmem:s7+$0xFFFFFFD0] =	vst v16  }
0x240: {  	[tilespmem:s7+$0xFFFFFFE0] =	vst v18  }
0x241: {  	[tilespmem:s7+$0xFFFFFFF0] =	vst v22  }
0x242: {  	[tilespmem:s7+$0x0] =	vst v19  }
0x243: {  	[tilespmem:s7+$0x10] =	vst v14  }
0x244: {  	[tilespmem:s7+$0x20] =	vst v17  }
0x245: {  	[hbm4b:s12+s2] =	stream.linear.scatter [tilespmem:s29], [sflag:$0x4], $0x3E80, $0x38;
	[tilespmem:$0x1F400] =	vst v63  }
0x246: {  	s5 =	rddreg [dreg:$0x12]  }
0x247: {  	[tilespmem:s2], [sflag:$0x1] =	stream.linear.gather [hbm4b:s5+s2], $0x7D00, $0x38;
	[tilespmem:$0x1F400] =	vst v63  }
0x248: {  	_ =	swait.ge [sflag:s30], $0x7D00  }
0x249: {  	[sflag:s30] =	ssyncset.done $0x0  }
0x24a: {  	[sflag:s30] =	ssyncadd.s32 $0xFFFF8300  }
0x24b: {  	_ =	swait.ge [sflag:s3], $0x3E80  }
0x24c: {  	[sflag:s3] =	ssyncset.done $0x0  }
0x24d: {  	[sflag:s3] =	ssyncadd.s32 $0xFFFFC180  }
0x24e: {  	v14 =	vld.idx.msk [tilespmem:v0+s25+$0x0], $0xffff  }
0x24f: {  	v15 =	vld.idx.msk [tilespmem:v4+s25+$0x0], $0xffff  }
0x250: {  	v16 =	vld.idx.msk [tilespmem:v5+s25+$0x0], $0xffff  }
0x251: {  	v20 =	vld.idx.msk [tilespmem:v8+s25+$0x0], $0xffff  }
0x252: {  	v18 =	vld.idx.msk [tilespmem:v6+s25+$0x0], $0xffff  }
0x253: {  	v21 =	vld.idx.msk [tilespmem:v9+s25+$0x0], $0xffff  }
0x254: {  	s5 =	simm.s32 $0x1B5C0;
	v22 =	vld.idx.msk [tilespmem:v10+s25+$0x0], $0xffff  }
0x255: {  	v24 =	vadd.s32 $0x60, v3;
	v19 =	vld.idx.msk [tilespmem:v11+s25+$0x0], $0xffff;
	[tilespmem:s5+$0x30] =	vst v15  }
0x256: {  	v17 =	vld.idx.msk [tilespmem:v13+s25+$0x0], $0xffff;
	[tilespmem:s5+$0xFFFFFFF0] =	vst v20;
	v20 =	vadd.s32 $0x80, v3  }
0x257: {  	v23 =	vmov v2;
	v15 =	vld.idx.msk [tilespmem:v3+s25+$0x0], $0xffff;
	[tilespmem:s5+$0xFFFFFFD0] =	vst v16  }
0x258: {  	v16 =	vld.idx.msk [tilespmem:v12+s25+$0x0], $0xffff;
	[tilespmem:s5+$0x0] =	vst v21;
	v21 =	vmov v1  }
0x259: {  	v25 =	vadd.s32 $0x100, v3;
	s7 =	simm.s32 $0x8;
	[tilespmem:s5+$0xFFFFFFE0] =	vst v18;
	v18 =	vld.idx.msk [tilespmem:v7+s25+$0x0], $0xffff  }
.LBB2_28:
0x25a: {  	v26 =	vadd.s32 $0x20, v25;
	v27 =	vadd.s32 $0x40, v25;
	v28 =	vadd.s32 $0xE0, v25;
	s7 =	sadd.s32 $0x8, s7;
	v29 =	vld.idx.msk [tilespmem:v24+s25+$0x0], $0xffff;
	[tilespmem:s5+$0x10] =	vst v22  }
0x25b: {  	v24 =	vadd.s32 $0x60, v25;
	v30 =	vadd.s32 $0xA0, v25;
	p0 =	slt.u32 s7, $0x3E0;
	v31 =	vld.idx.msk [tilespmem:v20+s25+$0x0], $0xffff;
	v20 =	vadd.s32 $0x80, v25;
	[tilespmem:s5+$0x20] =	vst v19  }
0x25c: {  	v32 =	vadd.s32 $0xC0, v25;
	v22 =	vld.idx.msk [tilespmem:v23+s25+$0x0], $0xffff;
	[tilespmem:s5+$0xFFFFFFC0] =	vst v14;
	s5 =	sadd.s32 $0x80, s5;
	v23 =	vmov v30;
	v14 =	vmov v15  }
.Ltmp13:
0x25d: {  	v19 =	vld.idx.msk [tilespmem:v21+s25+$0x0], $0xffff;
	[tilespmem:s5+$0x30] =	vst v17;
	v21 =	vmov v32;
	(pc) =	sbr.rel @p0 .LBB2_28-.Ltmp13, $4  }
0x25e: {  	v15 =	vld.idx.msk [tilespmem:v25+s25+$0x0], $0xffff;
	[tilespmem:s5+$0xFFFFFFD0] =	vst v16  }
0x25f: {  	v17 =	vld.idx.msk [tilespmem:v28+s25+$0x0], $0xffff;
	[tilespmem:s5+$0xFFFFFFE0] =	vst v18  }
0x260: {  	v16 =	vld.idx.msk [tilespmem:v26+s25+$0x0], $0xffff;
	[tilespmem:s5+$0xFFFFFFF0] =	vst v29  }
0x261: {  	v25 =	vadd.s32 $0x100, v25;
	v18 =	vld.idx.msk [tilespmem:v27+s25+$0x0], $0xffff;
	[tilespmem:s5+$0x0] =	vst v31  }
0x262: {  	_ =	sdelay $0x1  }
0x263: {  	[tilespmem:s5+$0x10] =	vst v22  }
0x264: {  	[tilespmem:s5+$0x20] =	vst v19  }
0x265: {  	v22 =	vld.idx.msk [tilespmem:v24+s25+$0x0], $0xffff;
	[tilespmem:s5+$0xFFFFFFC0] =	vst v14;
	s7 =	sadd.s32 $0x80, s5  }
0x266: {  	v19 =	vld.idx.msk [tilespmem:v20+s25+$0x0], $0xffff;
	[tilespmem:s7+$0xFFFFFFC0] =	vst v15  }
0x267: {  	v14 =	vld.idx.msk [tilespmem:v23+s25+$0x0], $0xffff;
	[tilespmem:s7+$0x30] =	vst v17  }
0x268: {  	v17 =	vld.idx.msk [tilespmem:v21+s25+$0x0], $0xffff;
	[tilespmem:s7+$0xFFFFFFD0] =	vst v16  }
0x269: {  	[tilespmem:s7+$0xFFFFFFE0] =	vst v18  }
0x26a: {  	[tilespmem:s7+$0xFFFFFFF0] =	vst v22  }
0x26b: {  	[tilespmem:s7+$0x0] =	vst v19  }
0x26c: {  	[tilespmem:s7+$0x10] =	vst v14  }
0x26d: {  	[tilespmem:s7+$0x20] =	vst v17  }
0x26e: {  	[hbm4b:s13+s2] =	stream.linear.scatter [tilespmem:s31], [sflag:$0x5], $0x3E80, $0x38;
	[tilespmem:$0x1F400] =	vst v63  }
0x26f: {  	s5 =	rddreg [dreg:$0x13]  }
0x270: {  	[tilespmem:s25], [sflag:$0x2] =	stream.linear.gather [hbm4b:s5+s2], $0x7D00, $0x38;
	[tilespmem:$0x1F400] =	vst v63  }
0x271: {  	_ =	swait.ge [sflag:s1], $0x7D00  }
0x272: {  	[sflag:s1] =	ssyncset.done $0x0  }
0x273: {  	[sflag:s1] =	ssyncadd.s32 $0xFFFF8300  }
0x274: {  	_ =	swait.ge [sflag:s0], $0x3E80  }
0x275: {  	[sflag:s0] =	ssyncset.done $0x0  }
0x276: {  	[sflag:s0] =	ssyncadd.s32 $0xFFFFC180  }
0x277: {  	v14 =	vld.idx.msk [tilespmem:v0+s26+$0x0], $0xffff  }
0x278: {  	v15 =	vld.idx.msk [tilespmem:v4+s26+$0x0], $0xffff  }
0x279: {  	v16 =	vld.idx.msk [tilespmem:v5+s26+$0x0], $0xffff  }
0x27a: {  	v20 =	vld.idx.msk [tilespmem:v8+s26+$0x0], $0xffff  }
0x27b: {  	v18 =	vld.idx.msk [tilespmem:v6+s26+$0x0], $0xffff  }
0x27c: {  	v21 =	vld.idx.msk [tilespmem:v9+s26+$0x0], $0xffff  }
0x27d: {  	s5 =	simm.s32 $0x17740;
	v22 =	vld.idx.msk [tilespmem:v10+s26+$0x0], $0xffff  }
0x27e: {  	v24 =	vadd.s32 $0x60, v3;
	v19 =	vld.idx.msk [tilespmem:v11+s26+$0x0], $0xffff;
	[tilespmem:s5+$0x30] =	vst v15  }
0x27f: {  	v17 =	vld.idx.msk [tilespmem:v13+s26+$0x0], $0xffff;
	[tilespmem:s5+$0xFFFFFFF0] =	vst v20;
	v20 =	vadd.s32 $0x80, v3  }
0x280: {  	v23 =	vmov v2;
	v15 =	vld.idx.msk [tilespmem:v3+s26+$0x0], $0xffff;
	[tilespmem:s5+$0xFFFFFFD0] =	vst v16  }
0x281: {  	v16 =	vld.idx.msk [tilespmem:v12+s26+$0x0], $0xffff;
	[tilespmem:s5+$0x0] =	vst v21;
	v21 =	vmov v1  }
0x282: {  	v25 =	vadd.s32 $0x100, v3;
	s7 =	simm.s32 $0x8;
	[tilespmem:s5+$0xFFFFFFE0] =	vst v18;
	v18 =	vld.idx.msk [tilespmem:v7+s26+$0x0], $0xffff  }
.LBB2_30:
0x283: {  	v26 =	vadd.s32 $0x20, v25;
	v27 =	vadd.s32 $0x40, v25;
	v28 =	vadd.s32 $0xE0, v25;
	s7 =	sadd.s32 $0x8, s7;
	v29 =	vld.idx.msk [tilespmem:v24+s26+$0x0], $0xffff;
	[tilespmem:s5+$0x10] =	vst v22  }
0x284: {  	v24 =	vadd.s32 $0x60, v25;
	v30 =	vadd.s32 $0xA0, v25;
	p0 =	slt.u32 s7, $0x3E0;
	v31 =	vld.idx.msk [tilespmem:v20+s26+$0x0], $0xffff;
	v20 =	vadd.s32 $0x80, v25;
	[tilespmem:s5+$0x20] =	vst v19  }
0x285: {  	v32 =	vadd.s32 $0xC0, v25;
	v22 =	vld.idx.msk [tilespmem:v23+s26+$0x0], $0xffff;
	[tilespmem:s5+$0xFFFFFFC0] =	vst v14;
	s5 =	sadd.s32 $0x80, s5;
	v23 =	vmov v30;
	v14 =	vmov v15  }
.Ltmp14:
0x286: {  	v19 =	vld.idx.msk [tilespmem:v21+s26+$0x0], $0xffff;
	[tilespmem:s5+$0x30] =	vst v17;
	v21 =	vmov v32;
	(pc) =	sbr.rel @p0 .LBB2_30-.Ltmp14, $4  }
0x287: {  	v15 =	vld.idx.msk [tilespmem:v25+s26+$0x0], $0xffff;
	[tilespmem:s5+$0xFFFFFFD0] =	vst v16  }
0x288: {  	v17 =	vld.idx.msk [tilespmem:v28+s26+$0x0], $0xffff;
	[tilespmem:s5+$0xFFFFFFE0] =	vst v18  }
0x289: {  	v16 =	vld.idx.msk [tilespmem:v26+s26+$0x0], $0xffff;
	[tilespmem:s5+$0xFFFFFFF0] =	vst v29  }
0x28a: {  	v25 =	vadd.s32 $0x100, v25;
	v18 =	vld.idx.msk [tilespmem:v27+s26+$0x0], $0xffff;
	[tilespmem:s5+$0x0] =	vst v31  }
0x28b: {  	_ =	sdelay $0x1  }
0x28c: {  	[tilespmem:s5+$0x10] =	vst v22  }
0x28d: {  	[tilespmem:s5+$0x20] =	vst v19  }
0x28e: {  	v22 =	vld.idx.msk [tilespmem:v24+s26+$0x0], $0xffff;
	[tilespmem:s5+$0xFFFFFFC0] =	vst v14;
	s7 =	sadd.s32 $0x80, s5  }
0x28f: {  	v19 =	vld.idx.msk [tilespmem:v20+s26+$0x0], $0xffff;
	[tilespmem:s7+$0xFFFFFFC0] =	vst v15  }
0x290: {  	v14 =	vld.idx.msk [tilespmem:v23+s26+$0x0], $0xffff;
	[tilespmem:s7+$0x30] =	vst v17  }
0x291: {  	v17 =	vld.idx.msk [tilespmem:v21+s26+$0x0], $0xffff;
	[tilespmem:s7+$0xFFFFFFD0] =	vst v16  }
0x292: {  	[tilespmem:s7+$0xFFFFFFE0] =	vst v18  }
0x293: {  	[tilespmem:s7+$0xFFFFFFF0] =	vst v22  }
0x294: {  	[tilespmem:s7+$0x0] =	vst v19  }
0x295: {  	[tilespmem:s7+$0x10] =	vst v14  }
0x296: {  	[tilespmem:s7+$0x20] =	vst v17  }
0x297: {  	[hbm4b:s14+s2] =	stream.linear.scatter [tilespmem:s29], [sflag:$0x4], $0x3E80, $0x38;
	[tilespmem:$0x1F400] =	vst v63  }
0x298: {  	s5 =	rddreg [dreg:$0x14]  }
0x299: {  	[tilespmem:s26], [sflag:$0x3] =	stream.linear.gather [hbm4b:s5+s2], $0x7D00, $0x38;
	[tilespmem:$0x1F400] =	vst v63  }
0x29a: {  	_ =	swait.ge [sflag:s28], $0x7D00  }
0x29b: {  	[sflag:s28] =	ssyncset.done $0x0  }
0x29c: {  	[sflag:s28] =	ssyncadd.s32 $0xFFFF8300  }
0x29d: {  	_ =	swait.ge [sflag:s3], $0x3E80  }
0x29e: {  	[sflag:s3] =	ssyncset.done $0x0  }
0x29f: {  	[sflag:s3] =	ssyncadd.s32 $0xFFFFC180  }
0x2a0: {  	v14 =	vld.idx.msk [tilespmem:v0+s2+$0x0], $0xffff  }
0x2a1: {  	v15 =	vld.idx.msk [tilespmem:v4+s2+$0x0], $0xffff  }
0x2a2: {  	v16 =	vld.idx.msk [tilespmem:v5+s2+$0x0], $0xffff  }
0x2a3: {  	v20 =	vld.idx.msk [tilespmem:v8+s2+$0x0], $0xffff  }
0x2a4: {  	v18 =	vld.idx.msk [tilespmem:v6+s2+$0x0], $0xffff  }
0x2a5: {  	v21 =	vld.idx.msk [tilespmem:v9+s2+$0x0], $0xffff  }
0x2a6: {  	s5 =	simm.s32 $0x1B5C0;
	v22 =	vld.idx.msk [tilespmem:v10+s2+$0x0], $0xffff  }
0x2a7: {  	v24 =	vadd.s32 $0x60, v3;
	v19 =	vld.idx.msk [tilespmem:v11+s2+$0x0], $0xffff;
	[tilespmem:s5+$0x30] =	vst v15  }
0x2a8: {  	v17 =	vld.idx.msk [tilespmem:v13+s2+$0x0], $0xffff;
	[tilespmem:s5+$0xFFFFFFF0] =	vst v20;
	v20 =	vadd.s32 $0x80, v3  }
0x2a9: {  	v23 =	vmov v2;
	v15 =	vld.idx.msk [tilespmem:v3+s2+$0x0], $0xffff;
	[tilespmem:s5+$0xFFFFFFD0] =	vst v16  }
0x2aa: {  	v16 =	vld.idx.msk [tilespmem:v12+s2+$0x0], $0xffff;
	[tilespmem:s5+$0x0] =	vst v21;
	v21 =	vmov v1  }
0x2ab: {  	v25 =	vadd.s32 $0x100, v3;
	s7 =	simm.s32 $0x8;
	[tilespmem:s5+$0xFFFFFFE0] =	vst v18;
	v18 =	vld.idx.msk [tilespmem:v7+s2+$0x0], $0xffff  }
.LBB2_32:
0x2ac: {  	v26 =	vadd.s32 $0x20, v25;
	v27 =	vadd.s32 $0x40, v25;
	v28 =	vadd.s32 $0xE0, v25;
	s7 =	sadd.s32 $0x8, s7;
	v29 =	vld.idx.msk [tilespmem:v24+s2+$0x0], $0xffff;
	[tilespmem:s5+$0x10] =	vst v22  }
0x2ad: {  	v24 =	vadd.s32 $0x60, v25;
	v30 =	vadd.s32 $0xA0, v25;
	p0 =	slt.u32 s7, $0x3E0;
	v31 =	vld.idx.msk [tilespmem:v20+s2+$0x0], $0xffff;
	v20 =	vadd.s32 $0x80, v25;
	[tilespmem:s5+$0x20] =	vst v19  }
0x2ae: {  	v32 =	vadd.s32 $0xC0, v25;
	v22 =	vld.idx.msk [tilespmem:v23+s2+$0x0], $0xffff;
	[tilespmem:s5+$0xFFFFFFC0] =	vst v14;
	s5 =	sadd.s32 $0x80, s5;
	v23 =	vmov v30;
	v14 =	vmov v15  }
.Ltmp15:
0x2af: {  	v19 =	vld.idx.msk [tilespmem:v21+s2+$0x0], $0xffff;
	[tilespmem:s5+$0x30] =	vst v17;
	v21 =	vmov v32;
	(pc) =	sbr.rel @p0 .LBB2_32-.Ltmp15, $4  }
0x2b0: {  	v15 =	vld.idx.msk [tilespmem:v25+s2+$0x0], $0xffff;
	[tilespmem:s5+$0xFFFFFFD0] =	vst v16  }
0x2b1: {  	v17 =	vld.idx.msk [tilespmem:v28+s2+$0x0], $0xffff;
	[tilespmem:s5+$0xFFFFFFE0] =	vst v18  }
0x2b2: {  	v16 =	vld.idx.msk [tilespmem:v26+s2+$0x0], $0xffff;
	[tilespmem:s5+$0xFFFFFFF0] =	vst v29  }
0x2b3: {  	v25 =	vadd.s32 $0x100, v25;
	v18 =	vld.idx.msk [tilespmem:v27+s2+$0x0], $0xffff;
	[tilespmem:s5+$0x0] =	vst v31  }
0x2b4: {  	_ =	sdelay $0x1  }
0x2b5: {  	[tilespmem:s5+$0x10] =	vst v22  }
0x2b6: {  	[tilespmem:s5+$0x20] =	vst v19  }
0x2b7: {  	v22 =	vld.idx.msk [tilespmem:v24+s2+$0x0], $0xffff;
	[tilespmem:s5+$0xFFFFFFC0] =	vst v14;
	s7 =	sadd.s32 $0x80, s5  }
0x2b8: {  	v19 =	vld.idx.msk [tilespmem:v20+s2+$0x0], $0xffff;
	[tilespmem:s7+$0xFFFFFFC0] =	vst v15  }
0x2b9: {  	v14 =	vld.idx.msk [tilespmem:v23+s2+$0x0], $0xffff;
	[tilespmem:s7+$0x30] =	vst v17  }
0x2ba: {  	v17 =	vld.idx.msk [tilespmem:v21+s2+$0x0], $0xffff;
	[tilespmem:s7+$0xFFFFFFD0] =	vst v16  }
0x2bb: {  	[tilespmem:s7+$0xFFFFFFE0] =	vst v18  }
0x2bc: {  	[tilespmem:s7+$0xFFFFFFF0] =	vst v22  }
0x2bd: {  	[tilespmem:s7+$0x0] =	vst v19  }
0x2be: {  	[tilespmem:s7+$0x10] =	vst v14  }
0x2bf: {  	[tilespmem:s7+$0x20] =	vst v17  }
0x2c0: {  	[hbm4b:s15+s2] =	stream.linear.scatter [tilespmem:s31], [sflag:$0x5], $0x3E80, $0x38;
	[tilespmem:$0x1F400] =	vst v63  }
0x2c1: {  	s5 =	rddreg [dreg:$0x15]  }
0x2c2: {  	[tilespmem:s2], [sflag:$0x1] =	stream.linear.gather [hbm4b:s5+s2], $0x7D00, $0x38;
	[tilespmem:$0x1F400] =	vst v63  }
0x2c3: {  	_ =	swait.ge [sflag:s30], $0x7D00  }
0x2c4: {  	[sflag:s30] =	ssyncset.done $0x0  }
0x2c5: {  	[sflag:s30] =	ssyncadd.s32 $0xFFFF8300  }
0x2c6: {  	_ =	swait.ge [sflag:s0], $0x3E80  }
0x2c7: {  	[sflag:s0] =	ssyncset.done $0x0  }
0x2c8: {  	[sflag:s0] =	ssyncadd.s32 $0xFFFFC180  }
0x2c9: {  	v14 =	vld.idx.msk [tilespmem:v0+s25+$0x0], $0xffff  }
0x2ca: {  	v15 =	vld.idx.msk [tilespmem:v4+s25+$0x0], $0xffff  }
0x2cb: {  	v16 =	vld.idx.msk [tilespmem:v5+s25+$0x0], $0xffff  }
0x2cc: {  	v20 =	vld.idx.msk [tilespmem:v8+s25+$0x0], $0xffff  }
0x2cd: {  	v18 =	vld.idx.msk [tilespmem:v6+s25+$0x0], $0xffff  }
0x2ce: {  	v21 =	vld.idx.msk [tilespmem:v9+s25+$0x0], $0xffff  }
0x2cf: {  	s5 =	simm.s32 $0x17740;
	v22 =	vld.idx.msk [tilespmem:v10+s25+$0x0], $0xffff  }
0x2d0: {  	v24 =	vadd.s32 $0x60, v3;
	v19 =	vld.idx.msk [tilespmem:v11+s25+$0x0], $0xffff;
	[tilespmem:s5+$0x30] =	vst v15  }
0x2d1: {  	v17 =	vld.idx.msk [tilespmem:v13+s25+$0x0], $0xffff;
	[tilespmem:s5+$0xFFFFFFF0] =	vst v20;
	v20 =	vadd.s32 $0x80, v3  }
0x2d2: {  	v23 =	vmov v2;
	v15 =	vld.idx.msk [tilespmem:v3+s25+$0x0], $0xffff;
	[tilespmem:s5+$0xFFFFFFD0] =	vst v16  }
0x2d3: {  	v16 =	vld.idx.msk [tilespmem:v12+s25+$0x0], $0xffff;
	[tilespmem:s5+$0x0] =	vst v21;
	v21 =	vmov v1  }
0x2d4: {  	v25 =	vadd.s32 $0x100, v3;
	s7 =	simm.s32 $0x8;
	[tilespmem:s5+$0xFFFFFFE0] =	vst v18;
	v18 =	vld.idx.msk [tilespmem:v7+s25+$0x0], $0xffff  }
.LBB2_34:
0x2d5: {  	v26 =	vadd.s32 $0x20, v25;
	v27 =	vadd.s32 $0x40, v25;
	v28 =	vadd.s32 $0xE0, v25;
	s7 =	sadd.s32 $0x8, s7;
	v29 =	vld.idx.msk [tilespmem:v24+s25+$0x0], $0xffff;
	[tilespmem:s5+$0x10] =	vst v22  }
0x2d6: {  	v24 =	vadd.s32 $0x60, v25;
	v30 =	vadd.s32 $0xA0, v25;
	p0 =	slt.u32 s7, $0x3E0;
	v31 =	vld.idx.msk [tilespmem:v20+s25+$0x0], $0xffff;
	v20 =	vadd.s32 $0x80, v25;
	[tilespmem:s5+$0x20] =	vst v19  }
0x2d7: {  	v32 =	vadd.s32 $0xC0, v25;
	v22 =	vld.idx.msk [tilespmem:v23+s25+$0x0], $0xffff;
	[tilespmem:s5+$0xFFFFFFC0] =	vst v14;
	s5 =	sadd.s32 $0x80, s5;
	v23 =	vmov v30;
	v14 =	vmov v15  }
.Ltmp16:
0x2d8: {  	v19 =	vld.idx.msk [tilespmem:v21+s25+$0x0], $0xffff;
	[tilespmem:s5+$0x30] =	vst v17;
	v21 =	vmov v32;
	(pc) =	sbr.rel @p0 .LBB2_34-.Ltmp16, $4  }
0x2d9: {  	v15 =	vld.idx.msk [tilespmem:v25+s25+$0x0], $0xffff;
	[tilespmem:s5+$0xFFFFFFD0] =	vst v16  }
0x2da: {  	v17 =	vld.idx.msk [tilespmem:v28+s25+$0x0], $0xffff;
	[tilespmem:s5+$0xFFFFFFE0] =	vst v18  }
0x2db: {  	v16 =	vld.idx.msk [tilespmem:v26+s25+$0x0], $0xffff;
	[tilespmem:s5+$0xFFFFFFF0] =	vst v29  }
0x2dc: {  	v25 =	vadd.s32 $0x100, v25;
	v18 =	vld.idx.msk [tilespmem:v27+s25+$0x0], $0xffff;
	[tilespmem:s5+$0x0] =	vst v31  }
0x2dd: {  	_ =	sdelay $0x1  }
0x2de: {  	[tilespmem:s5+$0x10] =	vst v22  }
0x2df: {  	[tilespmem:s5+$0x20] =	vst v19  }
0x2e0: {  	v22 =	vld.idx.msk [tilespmem:v24+s25+$0x0], $0xffff;
	[tilespmem:s5+$0xFFFFFFC0] =	vst v14;
	s7 =	sadd.s32 $0x80, s5  }
0x2e1: {  	v19 =	vld.idx.msk [tilespmem:v20+s25+$0x0], $0xffff;
	[tilespmem:s7+$0xFFFFFFC0] =	vst v15  }
0x2e2: {  	v14 =	vld.idx.msk [tilespmem:v23+s25+$0x0], $0xffff;
	[tilespmem:s7+$0x30] =	vst v17  }
0x2e3: {  	v17 =	vld.idx.msk [tilespmem:v21+s25+$0x0], $0xffff;
	[tilespmem:s7+$0xFFFFFFD0] =	vst v16  }
0x2e4: {  	[tilespmem:s7+$0xFFFFFFE0] =	vst v18  }
0x2e5: {  	[tilespmem:s7+$0xFFFFFFF0] =	vst v22  }
0x2e6: {  	[tilespmem:s7+$0x0] =	vst v19  }
0x2e7: {  	[tilespmem:s7+$0x10] =	vst v14  }
0x2e8: {  	[tilespmem:s7+$0x20] =	vst v17  }
0x2e9: {  	[hbm4b:s16+s2] =	stream.linear.scatter [tilespmem:s29], [sflag:$0x4], $0x3E80, $0x38;
	[tilespmem:$0x1F400] =	vst v63  }
0x2ea: {  	s5 =	rddreg [dreg:$0x16]  }
0x2eb: {  	[tilespmem:s25], [sflag:$0x2] =	stream.linear.gather [hbm4b:s5+s2], $0x7D00, $0x38;
	[tilespmem:$0x1F400] =	vst v63  }
0x2ec: {  	_ =	swait.ge [sflag:s1], $0x7D00  }
0x2ed: {  	[sflag:s1] =	ssyncset.done $0x0  }
0x2ee: {  	[sflag:s1] =	ssyncadd.s32 $0xFFFF8300  }
0x2ef: {  	_ =	swait.ge [sflag:s3], $0x3E80  }
0x2f0: {  	[sflag:s3] =	ssyncset.done $0x0  }
0x2f1: {  	[sflag:s3] =	ssyncadd.s32 $0xFFFFC180  }
0x2f2: {  	v14 =	vld.idx.msk [tilespmem:v0+s26+$0x0], $0xffff  }
0x2f3: {  	v15 =	vld.idx.msk [tilespmem:v4+s26+$0x0], $0xffff  }
0x2f4: {  	v16 =	vld.idx.msk [tilespmem:v5+s26+$0x0], $0xffff  }
0x2f5: {  	v20 =	vld.idx.msk [tilespmem:v8+s26+$0x0], $0xffff  }
0x2f6: {  	v18 =	vld.idx.msk [tilespmem:v6+s26+$0x0], $0xffff  }
0x2f7: {  	v21 =	vld.idx.msk [tilespmem:v9+s26+$0x0], $0xffff  }
0x2f8: {  	s5 =	simm.s32 $0x1B5C0;
	v22 =	vld.idx.msk [tilespmem:v10+s26+$0x0], $0xffff  }
0x2f9: {  	v24 =	vadd.s32 $0x60, v3;
	v19 =	vld.idx.msk [tilespmem:v11+s26+$0x0], $0xffff;
	[tilespmem:s5+$0x30] =	vst v15  }
0x2fa: {  	v17 =	vld.idx.msk [tilespmem:v13+s26+$0x0], $0xffff;
	[tilespmem:s5+$0xFFFFFFF0] =	vst v20;
	v20 =	vadd.s32 $0x80, v3  }
0x2fb: {  	v23 =	vmov v2;
	v15 =	vld.idx.msk [tilespmem:v3+s26+$0x0], $0xffff;
	[tilespmem:s5+$0xFFFFFFD0] =	vst v16  }
0x2fc: {  	v16 =	vld.idx.msk [tilespmem:v12+s26+$0x0], $0xffff;
	[tilespmem:s5+$0x0] =	vst v21;
	v21 =	vmov v1  }
0x2fd: {  	v25 =	vadd.s32 $0x100, v3;
	s7 =	simm.s32 $0x8;
	[tilespmem:s5+$0xFFFFFFE0] =	vst v18;
	v18 =	vld.idx.msk [tilespmem:v7+s26+$0x0], $0xffff  }
.LBB2_36:
0x2fe: {  	v26 =	vadd.s32 $0x20, v25;
	v27 =	vadd.s32 $0x40, v25;
	v28 =	vadd.s32 $0xE0, v25;
	s7 =	sadd.s32 $0x8, s7;
	v29 =	vld.idx.msk [tilespmem:v24+s26+$0x0], $0xffff;
	[tilespmem:s5+$0x10] =	vst v22  }
0x2ff: {  	v24 =	vadd.s32 $0x60, v25;
	v30 =	vadd.s32 $0xA0, v25;
	p0 =	slt.u32 s7, $0x3E0;
	v31 =	vld.idx.msk [tilespmem:v20+s26+$0x0], $0xffff;
	v20 =	vadd.s32 $0x80, v25;
	[tilespmem:s5+$0x20] =	vst v19  }
0x300: {  	v32 =	vadd.s32 $0xC0, v25;
	v22 =	vld.idx.msk [tilespmem:v23+s26+$0x0], $0xffff;
	[tilespmem:s5+$0xFFFFFFC0] =	vst v14;
	s5 =	sadd.s32 $0x80, s5;
	v23 =	vmov v30;
	v14 =	vmov v15  }
.Ltmp17:
0x301: {  	v19 =	vld.idx.msk [tilespmem:v21+s26+$0x0], $0xffff;
	[tilespmem:s5+$0x30] =	vst v17;
	v21 =	vmov v32;
	(pc) =	sbr.rel @p0 .LBB2_36-.Ltmp17, $4  }
0x302: {  	v15 =	vld.idx.msk [tilespmem:v25+s26+$0x0], $0xffff;
	[tilespmem:s5+$0xFFFFFFD0] =	vst v16  }
0x303: {  	v17 =	vld.idx.msk [tilespmem:v28+s26+$0x0], $0xffff;
	[tilespmem:s5+$0xFFFFFFE0] =	vst v18  }
0x304: {  	v16 =	vld.idx.msk [tilespmem:v26+s26+$0x0], $0xffff;
	[tilespmem:s5+$0xFFFFFFF0] =	vst v29  }
0x305: {  	v25 =	vadd.s32 $0x100, v25;
	v18 =	vld.idx.msk [tilespmem:v27+s26+$0x0], $0xffff;
	[tilespmem:s5+$0x0] =	vst v31  }
0x306: {  	_ =	sdelay $0x1  }
0x307: {  	[tilespmem:s5+$0x10] =	vst v22  }
0x308: {  	[tilespmem:s5+$0x20] =	vst v19  }
0x309: {  	v22 =	vld.idx.msk [tilespmem:v24+s26+$0x0], $0xffff;
	[tilespmem:s5+$0xFFFFFFC0] =	vst v14;
	s7 =	sadd.s32 $0x80, s5  }
0x30a: {  	v19 =	vld.idx.msk [tilespmem:v20+s26+$0x0], $0xffff;
	[tilespmem:s7+$0xFFFFFFC0] =	vst v15  }
0x30b: {  	v14 =	vld.idx.msk [tilespmem:v23+s26+$0x0], $0xffff;
	[tilespmem:s7+$0x30] =	vst v17  }
0x30c: {  	v17 =	vld.idx.msk [tilespmem:v21+s26+$0x0], $0xffff;
	[tilespmem:s7+$0xFFFFFFD0] =	vst v16  }
0x30d: {  	[tilespmem:s7+$0xFFFFFFE0] =	vst v18  }
0x30e: {  	[tilespmem:s7+$0xFFFFFFF0] =	vst v22  }
0x30f: {  	[tilespmem:s7+$0x0] =	vst v19  }
0x310: {  	[tilespmem:s7+$0x10] =	vst v14  }
0x311: {  	[tilespmem:s7+$0x20] =	vst v17  }
0x312: {  	[hbm4b:s17+s2] =	stream.linear.scatter [tilespmem:s31], [sflag:$0x5], $0x3E80, $0x38;
	[tilespmem:$0x1F400] =	vst v63  }
0x313: {  	s5 =	rddreg [dreg:$0x17]  }
0x314: {  	[tilespmem:s26], [sflag:$0x3] =	stream.linear.gather [hbm4b:s5+s2], $0x7D00, $0x38;
	[tilespmem:$0x1F400] =	vst v63  }
0x315: {  	_ =	swait.ge [sflag:s28], $0x7D00  }
0x316: {  	[sflag:s28] =	ssyncset.done $0x0  }
0x317: {  	[sflag:s28] =	ssyncadd.s32 $0xFFFF8300  }
0x318: {  	_ =	swait.ge [sflag:s0], $0x3E80  }
0x319: {  	[sflag:s0] =	ssyncset.done $0x0  }
0x31a: {  	[sflag:s0] =	ssyncadd.s32 $0xFFFFC180  }
0x31b: {  	v14 =	vld.idx.msk [tilespmem:v0+s2+$0x0], $0xffff  }
0x31c: {  	v15 =	vld.idx.msk [tilespmem:v4+s2+$0x0], $0xffff  }
0x31d: {  	v16 =	vld.idx.msk [tilespmem:v5+s2+$0x0], $0xffff  }
0x31e: {  	v20 =	vld.idx.msk [tilespmem:v8+s2+$0x0], $0xffff  }
0x31f: {  	v18 =	vld.idx.msk [tilespmem:v6+s2+$0x0], $0xffff  }
0x320: {  	v21 =	vld.idx.msk [tilespmem:v9+s2+$0x0], $0xffff  }
0x321: {  	s5 =	simm.s32 $0x17740;
	v22 =	vld.idx.msk [tilespmem:v10+s2+$0x0], $0xffff  }
0x322: {  	v24 =	vadd.s32 $0x60, v3;
	v19 =	vld.idx.msk [tilespmem:v11+s2+$0x0], $0xffff;
	[tilespmem:s5+$0x30] =	vst v15  }
0x323: {  	v17 =	vld.idx.msk [tilespmem:v13+s2+$0x0], $0xffff;
	[tilespmem:s5+$0xFFFFFFF0] =	vst v20;
	v20 =	vadd.s32 $0x80, v3  }
0x324: {  	v23 =	vmov v2;
	v15 =	vld.idx.msk [tilespmem:v3+s2+$0x0], $0xffff;
	[tilespmem:s5+$0xFFFFFFD0] =	vst v16  }
0x325: {  	v16 =	vld.idx.msk [tilespmem:v12+s2+$0x0], $0xffff;
	[tilespmem:s5+$0x0] =	vst v21;
	v21 =	vmov v1  }
0x326: {  	v25 =	vadd.s32 $0x100, v3;
	s7 =	simm.s32 $0x8;
	[tilespmem:s5+$0xFFFFFFE0] =	vst v18;
	v18 =	vld.idx.msk [tilespmem:v7+s2+$0x0], $0xffff  }
.LBB2_38:
0x327: {  	v26 =	vadd.s32 $0x20, v25;
	v27 =	vadd.s32 $0x40, v25;
	v28 =	vadd.s32 $0xE0, v25;
	s7 =	sadd.s32 $0x8, s7;
	v29 =	vld.idx.msk [tilespmem:v24+s2+$0x0], $0xffff;
	[tilespmem:s5+$0x10] =	vst v22  }
0x328: {  	v24 =	vadd.s32 $0x60, v25;
	v30 =	vadd.s32 $0xA0, v25;
	p0 =	slt.u32 s7, $0x3E0;
	v31 =	vld.idx.msk [tilespmem:v20+s2+$0x0], $0xffff;
	v20 =	vadd.s32 $0x80, v25;
	[tilespmem:s5+$0x20] =	vst v19  }
0x329: {  	v32 =	vadd.s32 $0xC0, v25;
	v22 =	vld.idx.msk [tilespmem:v23+s2+$0x0], $0xffff;
	[tilespmem:s5+$0xFFFFFFC0] =	vst v14;
	s5 =	sadd.s32 $0x80, s5;
	v23 =	vmov v30;
	v14 =	vmov v15  }
.Ltmp18:
0x32a: {  	v19 =	vld.idx.msk [tilespmem:v21+s2+$0x0], $0xffff;
	[tilespmem:s5+$0x30] =	vst v17;
	v21 =	vmov v32;
	(pc) =	sbr.rel @p0 .LBB2_38-.Ltmp18, $4  }
0x32b: {  	v15 =	vld.idx.msk [tilespmem:v25+s2+$0x0], $0xffff;
	[tilespmem:s5+$0xFFFFFFD0] =	vst v16  }
0x32c: {  	v17 =	vld.idx.msk [tilespmem:v28+s2+$0x0], $0xffff;
	[tilespmem:s5+$0xFFFFFFE0] =	vst v18  }
0x32d: {  	v16 =	vld.idx.msk [tilespmem:v26+s2+$0x0], $0xffff;
	[tilespmem:s5+$0xFFFFFFF0] =	vst v29  }
0x32e: {  	v25 =	vadd.s32 $0x100, v25;
	v18 =	vld.idx.msk [tilespmem:v27+s2+$0x0], $0xffff;
	[tilespmem:s5+$0x0] =	vst v31  }
0x32f: {  	_ =	sdelay $0x1  }
0x330: {  	[tilespmem:s5+$0x10] =	vst v22  }
0x331: {  	[tilespmem:s5+$0x20] =	vst v19  }
0x332: {  	v22 =	vld.idx.msk [tilespmem:v24+s2+$0x0], $0xffff;
	[tilespmem:s5+$0xFFFFFFC0] =	vst v14;
	s7 =	sadd.s32 $0x80, s5  }
0x333: {  	v19 =	vld.idx.msk [tilespmem:v20+s2+$0x0], $0xffff;
	[tilespmem:s7+$0xFFFFFFC0] =	vst v15  }
0x334: {  	v14 =	vld.idx.msk [tilespmem:v23+s2+$0x0], $0xffff;
	[tilespmem:s7+$0x30] =	vst v17  }
0x335: {  	v17 =	vld.idx.msk [tilespmem:v21+s2+$0x0], $0xffff;
	[tilespmem:s7+$0xFFFFFFD0] =	vst v16  }
0x336: {  	[tilespmem:s7+$0xFFFFFFE0] =	vst v18  }
0x337: {  	[tilespmem:s7+$0xFFFFFFF0] =	vst v22  }
0x338: {  	[tilespmem:s7+$0x0] =	vst v19  }
0x339: {  	[tilespmem:s7+$0x10] =	vst v14  }
0x33a: {  	[tilespmem:s7+$0x20] =	vst v17  }
0x33b: {  	[hbm4b:s18+s2] =	stream.linear.scatter [tilespmem:s29], [sflag:$0x4], $0x3E80, $0x38;
	[tilespmem:$0x1F400] =	vst v63  }
0x33c: {  	s5 =	rddreg [dreg:$0x18]  }
0x33d: {  	[tilespmem:s2], [sflag:$0x1] =	stream.linear.gather [hbm4b:s5+s2], $0x7D00, $0x38;
	[tilespmem:$0x1F400] =	vst v63  }
0x33e: {  	_ =	swait.ge [sflag:s30], $0x7D00  }
0x33f: {  	[sflag:s30] =	ssyncset.done $0x0  }
0x340: {  	[sflag:s30] =	ssyncadd.s32 $0xFFFF8300  }
0x341: {  	_ =	swait.ge [sflag:s3], $0x3E80  }
0x342: {  	[sflag:s3] =	ssyncset.done $0x0  }
0x343: {  	[sflag:s3] =	ssyncadd.s32 $0xFFFFC180  }
0x344: {  	v14 =	vld.idx.msk [tilespmem:v0+s25+$0x0], $0xffff  }
0x345: {  	v15 =	vld.idx.msk [tilespmem:v4+s25+$0x0], $0xffff  }
0x346: {  	v16 =	vld.idx.msk [tilespmem:v5+s25+$0x0], $0xffff  }
0x347: {  	v20 =	vld.idx.msk [tilespmem:v8+s25+$0x0], $0xffff  }
0x348: {  	v18 =	vld.idx.msk [tilespmem:v6+s25+$0x0], $0xffff  }
0x349: {  	v21 =	vld.idx.msk [tilespmem:v9+s25+$0x0], $0xffff  }
0x34a: {  	s5 =	simm.s32 $0x1B5C0;
	v22 =	vld.idx.msk [tilespmem:v10+s25+$0x0], $0xffff  }
0x34b: {  	v24 =	vadd.s32 $0x60, v3;
	v19 =	vld.idx.msk [tilespmem:v11+s25+$0x0], $0xffff;
	[tilespmem:s5+$0x30] =	vst v15  }
0x34c: {  	v17 =	vld.idx.msk [tilespmem:v13+s25+$0x0], $0xffff;
	[tilespmem:s5+$0xFFFFFFF0] =	vst v20;
	v20 =	vadd.s32 $0x80, v3  }
0x34d: {  	v23 =	vmov v2;
	v15 =	vld.idx.msk [tilespmem:v3+s25+$0x0], $0xffff;
	[tilespmem:s5+$0xFFFFFFD0] =	vst v16  }
0x34e: {  	v16 =	vld.idx.msk [tilespmem:v12+s25+$0x0], $0xffff;
	[tilespmem:s5+$0x0] =	vst v21;
	v21 =	vmov v1  }
0x34f: {  	v25 =	vadd.s32 $0x100, v3;
	s7 =	simm.s32 $0x8;
	[tilespmem:s5+$0xFFFFFFE0] =	vst v18;
	v18 =	vld.idx.msk [tilespmem:v7+s25+$0x0], $0xffff  }
.LBB2_40:
0x350: {  	v26 =	vadd.s32 $0x20, v25;
	v27 =	vadd.s32 $0x40, v25;
	v28 =	vadd.s32 $0xE0, v25;
	s7 =	sadd.s32 $0x8, s7;
	v29 =	vld.idx.msk [tilespmem:v24+s25+$0x0], $0xffff;
	[tilespmem:s5+$0x10] =	vst v22  }
0x351: {  	v24 =	vadd.s32 $0x60, v25;
	v30 =	vadd.s32 $0xA0, v25;
	p0 =	slt.u32 s7, $0x3E0;
	v31 =	vld.idx.msk [tilespmem:v20+s25+$0x0], $0xffff;
	v20 =	vadd.s32 $0x80, v25;
	[tilespmem:s5+$0x20] =	vst v19  }
0x352: {  	v32 =	vadd.s32 $0xC0, v25;
	v22 =	vld.idx.msk [tilespmem:v23+s25+$0x0], $0xffff;
	[tilespmem:s5+$0xFFFFFFC0] =	vst v14;
	s5 =	sadd.s32 $0x80, s5;
	v23 =	vmov v30;
	v14 =	vmov v15  }
.Ltmp19:
0x353: {  	v19 =	vld.idx.msk [tilespmem:v21+s25+$0x0], $0xffff;
	[tilespmem:s5+$0x30] =	vst v17;
	v21 =	vmov v32;
	(pc) =	sbr.rel @p0 .LBB2_40-.Ltmp19, $4  }
0x354: {  	v15 =	vld.idx.msk [tilespmem:v25+s25+$0x0], $0xffff;
	[tilespmem:s5+$0xFFFFFFD0] =	vst v16  }
0x355: {  	v17 =	vld.idx.msk [tilespmem:v28+s25+$0x0], $0xffff;
	[tilespmem:s5+$0xFFFFFFE0] =	vst v18  }
0x356: {  	v16 =	vld.idx.msk [tilespmem:v26+s25+$0x0], $0xffff;
	[tilespmem:s5+$0xFFFFFFF0] =	vst v29  }
0x357: {  	v25 =	vadd.s32 $0x100, v25;
	v18 =	vld.idx.msk [tilespmem:v27+s25+$0x0], $0xffff;
	[tilespmem:s5+$0x0] =	vst v31  }
0x358: {  	_ =	sdelay $0x1  }
0x359: {  	[tilespmem:s5+$0x10] =	vst v22  }
0x35a: {  	[tilespmem:s5+$0x20] =	vst v19  }
0x35b: {  	v22 =	vld.idx.msk [tilespmem:v24+s25+$0x0], $0xffff;
	[tilespmem:s5+$0xFFFFFFC0] =	vst v14;
	s7 =	sadd.s32 $0x80, s5  }
0x35c: {  	v19 =	vld.idx.msk [tilespmem:v20+s25+$0x0], $0xffff;
	[tilespmem:s7+$0xFFFFFFC0] =	vst v15  }
0x35d: {  	v14 =	vld.idx.msk [tilespmem:v23+s25+$0x0], $0xffff;
	[tilespmem:s7+$0x30] =	vst v17  }
0x35e: {  	v17 =	vld.idx.msk [tilespmem:v21+s25+$0x0], $0xffff;
	[tilespmem:s7+$0xFFFFFFD0] =	vst v16  }
0x35f: {  	[tilespmem:s7+$0xFFFFFFE0] =	vst v18  }
0x360: {  	[tilespmem:s7+$0xFFFFFFF0] =	vst v22  }
0x361: {  	[tilespmem:s7+$0x0] =	vst v19  }
0x362: {  	[tilespmem:s7+$0x10] =	vst v14  }
0x363: {  	[tilespmem:s7+$0x20] =	vst v17  }
0x364: {  	[hbm4b:s19+s2] =	stream.linear.scatter [tilespmem:s31], [sflag:$0x5], $0x3E80, $0x38;
	[tilespmem:$0x1F400] =	vst v63  }
0x365: {  	s5 =	rddreg [dreg:$0x19]  }
0x366: {  	[tilespmem:s25], [sflag:$0x2] =	stream.linear.gather [hbm4b:s5+s2], $0x7D00, $0x38;
	[tilespmem:$0x1F400] =	vst v63  }
0x367: {  	_ =	swait.ge [sflag:s1], $0x7D00  }
0x368: {  	[sflag:s1] =	ssyncset.done $0x0  }
0x369: {  	[sflag:s1] =	ssyncadd.s32 $0xFFFF8300  }
0x36a: {  	_ =	swait.ge [sflag:s0], $0x3E80  }
0x36b: {  	[sflag:s0] =	ssyncset.done $0x0  }
0x36c: {  	[sflag:s0] =	ssyncadd.s32 $0xFFFFC180  }
0x36d: {  	v14 =	vld.idx.msk [tilespmem:v0+s26+$0x0], $0xffff  }
0x36e: {  	v15 =	vld.idx.msk [tilespmem:v4+s26+$0x0], $0xffff  }
0x36f: {  	v16 =	vld.idx.msk [tilespmem:v5+s26+$0x0], $0xffff  }
0x370: {  	v20 =	vld.idx.msk [tilespmem:v8+s26+$0x0], $0xffff  }
0x371: {  	v18 =	vld.idx.msk [tilespmem:v6+s26+$0x0], $0xffff  }
0x372: {  	v21 =	vld.idx.msk [tilespmem:v9+s26+$0x0], $0xffff  }
0x373: {  	s5 =	simm.s32 $0x17740;
	v22 =	vld.idx.msk [tilespmem:v10+s26+$0x0], $0xffff  }
0x374: {  	v24 =	vadd.s32 $0x60, v3;
	v19 =	vld.idx.msk [tilespmem:v11+s26+$0x0], $0xffff;
	[tilespmem:s5+$0x30] =	vst v15  }
0x375: {  	v17 =	vld.idx.msk [tilespmem:v13+s26+$0x0], $0xffff;
	[tilespmem:s5+$0xFFFFFFF0] =	vst v20;
	v20 =	vadd.s32 $0x80, v3  }
0x376: {  	v23 =	vmov v2;
	v15 =	vld.idx.msk [tilespmem:v3+s26+$0x0], $0xffff;
	[tilespmem:s5+$0xFFFFFFD0] =	vst v16  }
0x377: {  	v16 =	vld.idx.msk [tilespmem:v12+s26+$0x0], $0xffff;
	[tilespmem:s5+$0x0] =	vst v21;
	v21 =	vmov v1  }
0x378: {  	v25 =	vadd.s32 $0x100, v3;
	s7 =	simm.s32 $0x8;
	[tilespmem:s5+$0xFFFFFFE0] =	vst v18;
	v18 =	vld.idx.msk [tilespmem:v7+s26+$0x0], $0xffff  }
.LBB2_42:
0x379: {  	v26 =	vadd.s32 $0x20, v25;
	v27 =	vadd.s32 $0x40, v25;
	v28 =	vadd.s32 $0xE0, v25;
	s7 =	sadd.s32 $0x8, s7;
	v29 =	vld.idx.msk [tilespmem:v24+s26+$0x0], $0xffff;
	[tilespmem:s5+$0x10] =	vst v22  }
0x37a: {  	v24 =	vadd.s32 $0x60, v25;
	v30 =	vadd.s32 $0xA0, v25;
	p0 =	slt.u32 s7, $0x3E0;
	v31 =	vld.idx.msk [tilespmem:v20+s26+$0x0], $0xffff;
	v20 =	vadd.s32 $0x80, v25;
	[tilespmem:s5+$0x20] =	vst v19  }
0x37b: {  	v32 =	vadd.s32 $0xC0, v25;
	v22 =	vld.idx.msk [tilespmem:v23+s26+$0x0], $0xffff;
	[tilespmem:s5+$0xFFFFFFC0] =	vst v14;
	s5 =	sadd.s32 $0x80, s5;
	v23 =	vmov v30;
	v14 =	vmov v15  }
.Ltmp20:
0x37c: {  	v19 =	vld.idx.msk [tilespmem:v21+s26+$0x0], $0xffff;
	[tilespmem:s5+$0x30] =	vst v17;
	v21 =	vmov v32;
	(pc) =	sbr.rel @p0 .LBB2_42-.Ltmp20, $4  }
0x37d: {  	v15 =	vld.idx.msk [tilespmem:v25+s26+$0x0], $0xffff;
	[tilespmem:s5+$0xFFFFFFD0] =	vst v16  }
0x37e: {  	v17 =	vld.idx.msk [tilespmem:v28+s26+$0x0], $0xffff;
	[tilespmem:s5+$0xFFFFFFE0] =	vst v18  }
0x37f: {  	v16 =	vld.idx.msk [tilespmem:v26+s26+$0x0], $0xffff;
	[tilespmem:s5+$0xFFFFFFF0] =	vst v29  }
0x380: {  	v25 =	vadd.s32 $0x100, v25;
	v18 =	vld.idx.msk [tilespmem:v27+s26+$0x0], $0xffff;
	[tilespmem:s5+$0x0] =	vst v31  }
0x381: {  	_ =	sdelay $0x1  }
0x382: {  	[tilespmem:s5+$0x10] =	vst v22  }
0x383: {  	[tilespmem:s5+$0x20] =	vst v19  }
0x384: {  	v22 =	vld.idx.msk [tilespmem:v24+s26+$0x0], $0xffff;
	[tilespmem:s5+$0xFFFFFFC0] =	vst v14;
	s7 =	sadd.s32 $0x80, s5  }
0x385: {  	v19 =	vld.idx.msk [tilespmem:v20+s26+$0x0], $0xffff;
	[tilespmem:s7+$0xFFFFFFC0] =	vst v15  }
0x386: {  	v14 =	vld.idx.msk [tilespmem:v23+s26+$0x0], $0xffff;
	[tilespmem:s7+$0x30] =	vst v17  }
0x387: {  	v17 =	vld.idx.msk [tilespmem:v21+s26+$0x0], $0xffff;
	[tilespmem:s7+$0xFFFFFFD0] =	vst v16  }
0x388: {  	[tilespmem:s7+$0xFFFFFFE0] =	vst v18  }
0x389: {  	[tilespmem:s7+$0xFFFFFFF0] =	vst v22  }
0x38a: {  	[tilespmem:s7+$0x0] =	vst v19  }
0x38b: {  	[tilespmem:s7+$0x10] =	vst v14  }
0x38c: {  	[tilespmem:s7+$0x20] =	vst v17  }
0x38d: {  	[hbm4b:s20+s2] =	stream.linear.scatter [tilespmem:s29], [sflag:$0x4], $0x3E80, $0x38;
	[tilespmem:$0x1F400] =	vst v63  }
0x38e: {  	s5 =	rddreg [dreg:$0x1a]  }
0x38f: {  	[tilespmem:s26], [sflag:$0x3] =	stream.linear.gather [hbm4b:s5+s2], $0x7D00, $0x38;
	[tilespmem:$0x1F400] =	vst v63  }
0x390: {  	_ =	swait.ge [sflag:s28], $0x7D00  }
0x391: {  	[sflag:s28] =	ssyncset.done $0x0  }
0x392: {  	[sflag:s28] =	ssyncadd.s32 $0xFFFF8300  }
0x393: {  	_ =	swait.ge [sflag:s3], $0x3E80  }
0x394: {  	[sflag:s3] =	ssyncset.done $0x0  }
0x395: {  	[sflag:s3] =	ssyncadd.s32 $0xFFFFC180  }
0x396: {  	v14 =	vld.idx.msk [tilespmem:v0+s2+$0x0], $0xffff  }
0x397: {  	v15 =	vld.idx.msk [tilespmem:v4+s2+$0x0], $0xffff  }
0x398: {  	v16 =	vld.idx.msk [tilespmem:v5+s2+$0x0], $0xffff  }
0x399: {  	v20 =	vld.idx.msk [tilespmem:v8+s2+$0x0], $0xffff  }
0x39a: {  	v18 =	vld.idx.msk [tilespmem:v6+s2+$0x0], $0xffff  }
0x39b: {  	v21 =	vld.idx.msk [tilespmem:v9+s2+$0x0], $0xffff  }
0x39c: {  	s5 =	simm.s32 $0x1B5C0;
	v22 =	vld.idx.msk [tilespmem:v10+s2+$0x0], $0xffff  }
0x39d: {  	v24 =	vadd.s32 $0x60, v3;
	v19 =	vld.idx.msk [tilespmem:v11+s2+$0x0], $0xffff;
	[tilespmem:s5+$0x30] =	vst v15  }
0x39e: {  	v17 =	vld.idx.msk [tilespmem:v13+s2+$0x0], $0xffff;
	[tilespmem:s5+$0xFFFFFFF0] =	vst v20;
	v20 =	vadd.s32 $0x80, v3  }
0x39f: {  	v23 =	vmov v2;
	v15 =	vld.idx.msk [tilespmem:v3+s2+$0x0], $0xffff;
	[tilespmem:s5+$0xFFFFFFD0] =	vst v16  }
0x3a0: {  	v16 =	vld.idx.msk [tilespmem:v12+s2+$0x0], $0xffff;
	[tilespmem:s5+$0x0] =	vst v21;
	v21 =	vmov v1  }
0x3a1: {  	v25 =	vadd.s32 $0x100, v3;
	s7 =	simm.s32 $0x8;
	[tilespmem:s5+$0xFFFFFFE0] =	vst v18;
	v18 =	vld.idx.msk [tilespmem:v7+s2+$0x0], $0xffff  }
.LBB2_44:
0x3a2: {  	v26 =	vadd.s32 $0x20, v25;
	v27 =	vadd.s32 $0x40, v25;
	v28 =	vadd.s32 $0xE0, v25;
	s7 =	sadd.s32 $0x8, s7;
	v29 =	vld.idx.msk [tilespmem:v24+s2+$0x0], $0xffff;
	[tilespmem:s5+$0x10] =	vst v22  }
0x3a3: {  	v24 =	vadd.s32 $0x60, v25;
	v30 =	vadd.s32 $0xA0, v25;
	p0 =	slt.u32 s7, $0x3E0;
	v31 =	vld.idx.msk [tilespmem:v20+s2+$0x0], $0xffff;
	v20 =	vadd.s32 $0x80, v25;
	[tilespmem:s5+$0x20] =	vst v19  }
0x3a4: {  	v32 =	vadd.s32 $0xC0, v25;
	v22 =	vld.idx.msk [tilespmem:v23+s2+$0x0], $0xffff;
	[tilespmem:s5+$0xFFFFFFC0] =	vst v14;
	s5 =	sadd.s32 $0x80, s5;
	v23 =	vmov v30;
	v14 =	vmov v15  }
.Ltmp21:
0x3a5: {  	v19 =	vld.idx.msk [tilespmem:v21+s2+$0x0], $0xffff;
	[tilespmem:s5+$0x30] =	vst v17;
	v21 =	vmov v32;
	(pc) =	sbr.rel @p0 .LBB2_44-.Ltmp21, $4  }
0x3a6: {  	v15 =	vld.idx.msk [tilespmem:v25+s2+$0x0], $0xffff;
	[tilespmem:s5+$0xFFFFFFD0] =	vst v16  }
0x3a7: {  	v17 =	vld.idx.msk [tilespmem:v28+s2+$0x0], $0xffff;
	[tilespmem:s5+$0xFFFFFFE0] =	vst v18  }
0x3a8: {  	v16 =	vld.idx.msk [tilespmem:v26+s2+$0x0], $0xffff;
	[tilespmem:s5+$0xFFFFFFF0] =	vst v29  }
0x3a9: {  	v25 =	vadd.s32 $0x100, v25;
	v18 =	vld.idx.msk [tilespmem:v27+s2+$0x0], $0xffff;
	[tilespmem:s5+$0x0] =	vst v31  }
0x3aa: {  	_ =	sdelay $0x1  }
0x3ab: {  	[tilespmem:s5+$0x10] =	vst v22  }
0x3ac: {  	[tilespmem:s5+$0x20] =	vst v19  }
0x3ad: {  	v22 =	vld.idx.msk [tilespmem:v24+s2+$0x0], $0xffff;
	[tilespmem:s5+$0xFFFFFFC0] =	vst v14;
	s7 =	sadd.s32 $0x80, s5  }
0x3ae: {  	v19 =	vld.idx.msk [tilespmem:v20+s2+$0x0], $0xffff;
	[tilespmem:s7+$0xFFFFFFC0] =	vst v15  }
0x3af: {  	v14 =	vld.idx.msk [tilespmem:v23+s2+$0x0], $0xffff;
	[tilespmem:s7+$0x30] =	vst v17  }
0x3b0: {  	v17 =	vld.idx.msk [tilespmem:v21+s2+$0x0], $0xffff;
	[tilespmem:s7+$0xFFFFFFD0] =	vst v16  }
0x3b1: {  	[tilespmem:s7+$0xFFFFFFE0] =	vst v18  }
0x3b2: {  	[tilespmem:s7+$0xFFFFFFF0] =	vst v22  }
0x3b3: {  	[tilespmem:s7+$0x0] =	vst v19  }
0x3b4: {  	[tilespmem:s7+$0x10] =	vst v14  }
0x3b5: {  	[tilespmem:s7+$0x20] =	vst v17  }
0x3b6: {  	[hbm4b:s21+s2] =	stream.linear.scatter [tilespmem:s31], [sflag:$0x5], $0x3E80, $0x38;
	[tilespmem:$0x1F400] =	vst v63  }
0x3b7: {  	s5 =	rddreg [dreg:$0x1b]  }
0x3b8: {  	[tilespmem:s2], [sflag:$0x1] =	stream.linear.gather [hbm4b:s5+s2], $0x7D00, $0x38;
	[tilespmem:$0x1F400] =	vst v63  }
0x3b9: {  	_ =	swait.ge [sflag:s30], $0x7D00  }
0x3ba: {  	[sflag:s30] =	ssyncset.done $0x0  }
0x3bb: {  	[sflag:s30] =	ssyncadd.s32 $0xFFFF8300  }
0x3bc: {  	_ =	swait.ge [sflag:s0], $0x3E80  }
0x3bd: {  	[sflag:s0] =	ssyncset.done $0x0  }
0x3be: {  	[sflag:s0] =	ssyncadd.s32 $0xFFFFC180  }
0x3bf: {  	v14 =	vld.idx.msk [tilespmem:v0+s25+$0x0], $0xffff  }
0x3c0: {  	v15 =	vld.idx.msk [tilespmem:v4+s25+$0x0], $0xffff  }
0x3c1: {  	v16 =	vld.idx.msk [tilespmem:v5+s25+$0x0], $0xffff  }
0x3c2: {  	v20 =	vld.idx.msk [tilespmem:v8+s25+$0x0], $0xffff  }
0x3c3: {  	v18 =	vld.idx.msk [tilespmem:v6+s25+$0x0], $0xffff  }
0x3c4: {  	v21 =	vld.idx.msk [tilespmem:v9+s25+$0x0], $0xffff  }
0x3c5: {  	s5 =	simm.s32 $0x17740;
	v22 =	vld.idx.msk [tilespmem:v10+s25+$0x0], $0xffff  }
0x3c6: {  	v24 =	vadd.s32 $0x60, v3;
	v19 =	vld.idx.msk [tilespmem:v11+s25+$0x0], $0xffff;
	[tilespmem:s5+$0x30] =	vst v15  }
0x3c7: {  	v17 =	vld.idx.msk [tilespmem:v13+s25+$0x0], $0xffff;
	[tilespmem:s5+$0xFFFFFFF0] =	vst v20;
	v20 =	vadd.s32 $0x80, v3  }
0x3c8: {  	v23 =	vmov v2;
	v15 =	vld.idx.msk [tilespmem:v3+s25+$0x0], $0xffff;
	[tilespmem:s5+$0xFFFFFFD0] =	vst v16  }
0x3c9: {  	v16 =	vld.idx.msk [tilespmem:v12+s25+$0x0], $0xffff;
	[tilespmem:s5+$0x0] =	vst v21;
	v21 =	vmov v1  }
0x3ca: {  	v25 =	vadd.s32 $0x100, v3;
	s7 =	simm.s32 $0x8;
	[tilespmem:s5+$0xFFFFFFE0] =	vst v18;
	v18 =	vld.idx.msk [tilespmem:v7+s25+$0x0], $0xffff  }
.LBB2_46:
0x3cb: {  	v26 =	vadd.s32 $0x20, v25;
	v27 =	vadd.s32 $0x40, v25;
	v28 =	vadd.s32 $0xE0, v25;
	s7 =	sadd.s32 $0x8, s7;
	v29 =	vld.idx.msk [tilespmem:v24+s25+$0x0], $0xffff;
	[tilespmem:s5+$0x10] =	vst v22  }
0x3cc: {  	v24 =	vadd.s32 $0x60, v25;
	v30 =	vadd.s32 $0xA0, v25;
	p0 =	slt.u32 s7, $0x3E0;
	v31 =	vld.idx.msk [tilespmem:v20+s25+$0x0], $0xffff;
	v20 =	vadd.s32 $0x80, v25;
	[tilespmem:s5+$0x20] =	vst v19  }
0x3cd: {  	v32 =	vadd.s32 $0xC0, v25;
	v22 =	vld.idx.msk [tilespmem:v23+s25+$0x0], $0xffff;
	[tilespmem:s5+$0xFFFFFFC0] =	vst v14;
	s5 =	sadd.s32 $0x80, s5;
	v23 =	vmov v30;
	v14 =	vmov v15  }
.Ltmp22:
0x3ce: {  	v19 =	vld.idx.msk [tilespmem:v21+s25+$0x0], $0xffff;
	[tilespmem:s5+$0x30] =	vst v17;
	v21 =	vmov v32;
	(pc) =	sbr.rel @p0 .LBB2_46-.Ltmp22, $4  }
0x3cf: {  	v15 =	vld.idx.msk [tilespmem:v25+s25+$0x0], $0xffff;
	[tilespmem:s5+$0xFFFFFFD0] =	vst v16  }
0x3d0: {  	v17 =	vld.idx.msk [tilespmem:v28+s25+$0x0], $0xffff;
	[tilespmem:s5+$0xFFFFFFE0] =	vst v18  }
0x3d1: {  	v16 =	vld.idx.msk [tilespmem:v26+s25+$0x0], $0xffff;
	[tilespmem:s5+$0xFFFFFFF0] =	vst v29  }
0x3d2: {  	v25 =	vadd.s32 $0x100, v25;
	v18 =	vld.idx.msk [tilespmem:v27+s25+$0x0], $0xffff;
	[tilespmem:s5+$0x0] =	vst v31  }
0x3d3: {  	_ =	sdelay $0x1  }
0x3d4: {  	[tilespmem:s5+$0x10] =	vst v22  }
0x3d5: {  	[tilespmem:s5+$0x20] =	vst v19  }
0x3d6: {  	v22 =	vld.idx.msk [tilespmem:v24+s25+$0x0], $0xffff;
	[tilespmem:s5+$0xFFFFFFC0] =	vst v14;
	s7 =	sadd.s32 $0x80, s5  }
0x3d7: {  	v19 =	vld.idx.msk [tilespmem:v20+s25+$0x0], $0xffff;
	[tilespmem:s7+$0xFFFFFFC0] =	vst v15  }
0x3d8: {  	v14 =	vld.idx.msk [tilespmem:v23+s25+$0x0], $0xffff;
	[tilespmem:s7+$0x30] =	vst v17  }
0x3d9: {  	v17 =	vld.idx.msk [tilespmem:v21+s25+$0x0], $0xffff;
	[tilespmem:s7+$0xFFFFFFD0] =	vst v16  }
0x3da: {  	[tilespmem:s7+$0xFFFFFFE0] =	vst v18  }
0x3db: {  	[tilespmem:s7+$0xFFFFFFF0] =	vst v22  }
0x3dc: {  	[tilespmem:s7+$0x0] =	vst v19  }
0x3dd: {  	[tilespmem:s7+$0x10] =	vst v14  }
0x3de: {  	[tilespmem:s7+$0x20] =	vst v17  }
0x3df: {  	[hbm4b:s22+s2] =	stream.linear.scatter [tilespmem:s29], [sflag:$0x4], $0x3E80, $0x38;
	[tilespmem:$0x1F400] =	vst v63  }
0x3e0: {  	_ =	swait.ge [sflag:s1], $0x7D00  }
0x3e1: {  	[sflag:s1] =	ssyncset.done $0x0  }
0x3e2: {  	[sflag:s1] =	ssyncadd.s32 $0xFFFF8300  }
0x3e3: {  	_ =	swait.ge [sflag:s3], $0x3E80  }
0x3e4: {  	[sflag:s3] =	ssyncset.done $0x0  }
0x3e5: {  	[sflag:s3] =	ssyncadd.s32 $0xFFFFC180  }
0x3e6: {  	v14 =	vld.idx.msk [tilespmem:v0+s26+$0x0], $0xffff  }
0x3e7: {  	v15 =	vld.idx.msk [tilespmem:v4+s26+$0x0], $0xffff  }
0x3e8: {  	v16 =	vld.idx.msk [tilespmem:v5+s26+$0x0], $0xffff  }
0x3e9: {  	v20 =	vld.idx.msk [tilespmem:v8+s26+$0x0], $0xffff  }
0x3ea: {  	v18 =	vld.idx.msk [tilespmem:v6+s26+$0x0], $0xffff  }
0x3eb: {  	v21 =	vld.idx.msk [tilespmem:v9+s26+$0x0], $0xffff  }
0x3ec: {  	s5 =	simm.s32 $0x1B5C0;
	v22 =	vld.idx.msk [tilespmem:v10+s26+$0x0], $0xffff  }
0x3ed: {  	v24 =	vadd.s32 $0x60, v3;
	v19 =	vld.idx.msk [tilespmem:v11+s26+$0x0], $0xffff;
	[tilespmem:s5+$0x30] =	vst v15  }
0x3ee: {  	v17 =	vld.idx.msk [tilespmem:v13+s26+$0x0], $0xffff;
	[tilespmem:s5+$0xFFFFFFF0] =	vst v20;
	v20 =	vadd.s32 $0x80, v3  }
0x3ef: {  	v23 =	vmov v2;
	v15 =	vld.idx.msk [tilespmem:v3+s26+$0x0], $0xffff;
	[tilespmem:s5+$0xFFFFFFD0] =	vst v16  }
0x3f0: {  	v16 =	vld.idx.msk [tilespmem:v12+s26+$0x0], $0xffff;
	[tilespmem:s5+$0x0] =	vst v21;
	v21 =	vmov v1  }
0x3f1: {  	v25 =	vadd.s32 $0x100, v3;
	s7 =	simm.s32 $0x8;
	[tilespmem:s5+$0xFFFFFFE0] =	vst v18;
	v18 =	vld.idx.msk [tilespmem:v7+s26+$0x0], $0xffff  }
.LBB2_48:
0x3f2: {  	v26 =	vadd.s32 $0x20, v25;
	v27 =	vadd.s32 $0x40, v25;
	v28 =	vadd.s32 $0xE0, v25;
	s7 =	sadd.s32 $0x8, s7;
	v29 =	vld.idx.msk [tilespmem:v24+s26+$0x0], $0xffff;
	[tilespmem:s5+$0x10] =	vst v22  }
0x3f3: {  	v24 =	vadd.s32 $0x60, v25;
	v30 =	vadd.s32 $0xA0, v25;
	p0 =	slt.u32 s7, $0x3E0;
	v31 =	vld.idx.msk [tilespmem:v20+s26+$0x0], $0xffff;
	v20 =	vadd.s32 $0x80, v25;
	[tilespmem:s5+$0x20] =	vst v19  }
0x3f4: {  	v32 =	vadd.s32 $0xC0, v25;
	v22 =	vld.idx.msk [tilespmem:v23+s26+$0x0], $0xffff;
	[tilespmem:s5+$0xFFFFFFC0] =	vst v14;
	s5 =	sadd.s32 $0x80, s5;
	v23 =	vmov v30;
	v14 =	vmov v15  }
.Ltmp23:
0x3f5: {  	v19 =	vld.idx.msk [tilespmem:v21+s26+$0x0], $0xffff;
	[tilespmem:s5+$0x30] =	vst v17;
	v21 =	vmov v32;
	(pc) =	sbr.rel @p0 .LBB2_48-.Ltmp23, $4  }
0x3f6: {  	v15 =	vld.idx.msk [tilespmem:v25+s26+$0x0], $0xffff;
	[tilespmem:s5+$0xFFFFFFD0] =	vst v16  }
0x3f7: {  	v17 =	vld.idx.msk [tilespmem:v28+s26+$0x0], $0xffff;
	[tilespmem:s5+$0xFFFFFFE0] =	vst v18  }
0x3f8: {  	v16 =	vld.idx.msk [tilespmem:v26+s26+$0x0], $0xffff;
	[tilespmem:s5+$0xFFFFFFF0] =	vst v29  }
0x3f9: {  	v25 =	vadd.s32 $0x100, v25;
	v18 =	vld.idx.msk [tilespmem:v27+s26+$0x0], $0xffff;
	[tilespmem:s5+$0x0] =	vst v31  }
0x3fa: {  	_ =	sdelay $0x1  }
0x3fb: {  	[tilespmem:s5+$0x10] =	vst v22  }
0x3fc: {  	[tilespmem:s5+$0x20] =	vst v19  }
0x3fd: {  	v59 =	vld.idx.msk [tilespmem:v24+s26+$0x0], $0xffff;
	[tilespmem:s5+$0xFFFFFFC0] =	vst v14;
	s7 =	sadd.s32 $0x80, s5  }
0x3fe: {  	v60 =	vld.idx.msk [tilespmem:v20+s26+$0x0], $0xffff;
	[tilespmem:s7+$0xFFFFFFC0] =	vst v15  }
0x3ff: {  	v14 =	vld.idx.msk [tilespmem:v23+s26+$0x0], $0xffff;
	[tilespmem:s7+$0x30] =	vst v17  }
0x400: {  	v61 =	vld.idx.msk [tilespmem:v21+s26+$0x0], $0xffff;
	[tilespmem:s7+$0xFFFFFFD0] =	vst v16  }
0x401: {  	[tilespmem:s7+$0xFFFFFFE0] =	vst v18  }
0x402: {  	[tilespmem:s7+$0xFFFFFFF0] =	vst v59  }
0x403: {  	[tilespmem:s7+$0x0] =	vst v60  }
0x404: {  	[tilespmem:s7+$0x10] =	vst v14  }
0x405: {  	[tilespmem:s7+$0x20] =	vst v61  }
0x406: {  	[hbm4b:s23+s2] =	stream.linear.scatter [tilespmem:s31], [sflag:$0x5], $0x3E80, $0x38;
	[tilespmem:$0x1F400] =	vst v63  }
0x407: {  	_ =	swait.ge [sflag:s28], $0x7D00  }
0x408: {  	[sflag:s28] =	ssyncset.done $0x0  }
0x409: {  	[sflag:s28] =	ssyncadd.s32 $0xFFFF8300  }
0x40a: {  	_ =	swait.ge [sflag:s0], $0x3E80  }
0x40b: {  	[sflag:s0] =	ssyncset.done $0x0  }
0x40c: {  	[sflag:s0] =	ssyncadd.s32 $0xFFFFC180  }
0x40d: {  	v14 =	vld.idx.msk [tilespmem:v0+s2+$0x0], $0xffff  }
0x40e: {  	v4 =	vld.idx.msk [tilespmem:v4+s2+$0x0], $0xffff  }
0x40f: {  	v5 =	vld.idx.msk [tilespmem:v5+s2+$0x0], $0xffff  }
0x410: {  	v15 =	vld.idx.msk [tilespmem:v6+s2+$0x0], $0xffff  }
0x411: {  	v62 =	vld.idx.msk [tilespmem:v8+s2+$0x0], $0xffff  }
0x412: {  	v63 =	vld.idx.msk [tilespmem:v9+s2+$0x0], $0xffff  }
0x413: {  	s5 =	simm.s32 $0x17740;
	v10 =	vld.idx.msk [tilespmem:v10+s2+$0x0], $0xffff  }
0x414: {  	v8 =	vld.idx.msk [tilespmem:v11+s2+$0x0], $0xffff;
	v11 =	vadd.s32 $0x60, v3;
	[tilespmem:s5+$0x30] =	vst v4  }
0x415: {  	v6 =	vld.idx.msk [tilespmem:v13+s2+$0x0], $0xffff;
	v9 =	vadd.s32 $0x80, v3;
	[tilespmem:s5+$0xFFFFFFD0] =	vst v5  }
0x416: {  	v4 =	vld.idx.msk [tilespmem:v3+s2+$0x0], $0xffff;
	[tilespmem:s5+$0xFFFFFFE0] =	vst v15  }
0x417: {  	v7 =	vld.idx.msk [tilespmem:v7+s2+$0x0], $0xffff;
	[tilespmem:s5+$0xFFFFFFF0] =	vst v62  }
0x418: {  	s7 =	simm.s32 $0x8;
	v5 =	vld.idx.msk [tilespmem:v12+s2+$0x0], $0xffff;
	v3 =	vadd.s32 $0x100, v3;
	[tilespmem:s5+$0x0] =	vst v63  }
.LBB2_50:
0x419: {  	v12 =	vadd.s32 $0x20, v3;
	v13 =	vadd.s32 $0x40, v3;
	v15 =	vadd.s32 $0xE0, v3;
	s7 =	sadd.s32 $0x8, s7;
	v16 =	vld.idx.msk [tilespmem:v11+s2+$0x0], $0xffff;
	[tilespmem:s5+$0x10] =	vst v10  }
0x41a: {  	v11 =	vadd.s32 $0x60, v3;
	v17 =	vadd.s32 $0xA0, v3;
	p0 =	slt.u32 s7, $0x3E0;
	v18 =	vld.idx.msk [tilespmem:v9+s2+$0x0], $0xffff;
	v9 =	vadd.s32 $0x80, v3;
	[tilespmem:s5+$0x20] =	vst v8  }
0x41b: {  	v19 =	vadd.s32 $0xC0, v3;
	v10 =	vld.idx.msk [tilespmem:v2+s2+$0x0], $0xffff;
	[tilespmem:s5+$0xFFFFFFC0] =	vst v14;
	s5 =	sadd.s32 $0x80, s5;
	v2 =	vmov v17;
	v14 =	vmov v4  }
.Ltmp24:
0x41c: {  	v8 =	vld.idx.msk [tilespmem:v1+s2+$0x0], $0xffff;
	[tilespmem:s5+$0x30] =	vst v6;
	v1 =	vmov v19;
	(pc) =	sbr.rel @p0 .LBB2_50-.Ltmp24, $4  }
0x41d: {  	v4 =	vld.idx.msk [tilespmem:v3+s2+$0x0], $0xffff;
	[tilespmem:s5+$0xFFFFFFD0] =	vst v5  }
0x41e: {  	v6 =	vld.idx.msk [tilespmem:v15+s2+$0x0], $0xffff;
	[tilespmem:s5+$0xFFFFFFE0] =	vst v7  }
0x41f: {  	v5 =	vld.idx.msk [tilespmem:v12+s2+$0x0], $0xffff;
	[tilespmem:s5+$0xFFFFFFF0] =	vst v16  }
0x420: {  	v3 =	vadd.s32 $0x100, v3;
	v7 =	vld.idx.msk [tilespmem:v13+s2+$0x0], $0xffff;
	[tilespmem:s5+$0x0] =	vst v18  }
0x421: {  	_ =	sdelay $0x1  }
0x422: {  	[tilespmem:s5+$0x10] =	vst v10  }
0x423: {  	[tilespmem:s5+$0x20] =	vst v8  }
0x424: {  	v3 =	vld.idx.msk [tilespmem:v11+s2+$0x0], $0xffff;
	[tilespmem:s5+$0xFFFFFFC0] =	vst v14;
	s7 =	sadd.s32 $0x80, s5  }
0x425: {  	v63 =	vld.idx.msk [tilespmem:v9+s2+$0x0], $0xffff;
	[tilespmem:s7+$0xFFFFFFC0] =	vst v4  }
0x426: {  	v2 =	vld.idx.msk [tilespmem:v2+s2+$0x0], $0xffff;
	[tilespmem:s7+$0x30] =	vst v6  }
0x427: {  	v1 =	vld.idx.msk [tilespmem:v1+s2+$0x0], $0xffff;
	[tilespmem:s7+$0xFFFFFFD0] =	vst v5  }
0x428: {  	[tilespmem:s7+$0xFFFFFFE0] =	vst v7  }
0x429: {  	[tilespmem:s7+$0xFFFFFFF0] =	vst v3  }
0x42a: {  	[tilespmem:s7+$0x0] =	vst v63  }
0x42b: {  	[tilespmem:s7+$0x10] =	vst v2  }
0x42c: {  	[tilespmem:s7+$0x20] =	vst v1  }
0x42d: {  	[hbm4b:s24+s2] =	stream.linear.scatter [tilespmem:s29], [sflag:$0x4], $0x3E80, $0x38;
	[tilespmem:$0x1F400] =	vst v63  }
0x42e: {  	_ =	swait.ge [sflag:s0], $0x3E80  }
0x42f: {  	[sflag:s0] =	ssyncset.done $0x0  }
0x430: {  	[sflag:s0] =	ssyncadd.s32 $0xFFFFC180  }
0x431: {  	_ =	swait.ge [sflag:s3], $0x3E80  }
0x432: {  	s4 =	sadd.s32 $0x1, s4;
	s7 =	rddreg [dreg:$0x1c]  }
0x433: {  	p0 =	sne.s32 s4, s7  }
.Ltmp25:
0x434: {  	_ = 	snop;
	(pc) =	sbr.rel @p0 .LBB2_1-.Ltmp25, $3  }
0x435: {  	_ =	sdelay $0x1  }
0x436: {  	[sflag:s3] =	ssyncset.done $0x0  }
0x437: {  	[sflag:s3] =	ssyncadd.s32 $0xFFFFC180  }
0x438: {  	_ =	sfence.sel $0x180000  }
0x439: {  	[bflag:$0x0] =	sbarrier.arrive $0xFFFF  }
0x43a: {  	_ =	strace $0x9000004A  }
0x43b: {  	s0 =	stileid.u32;
	[bflag:$0x2] =	sbarrier.arrive $0xFFFF  }
0x43c: {  	p0 =	sne.s32 s0, $0x0;
	s0 =	rddreg [dreg:$0x2]  }
0x43d: {  	s0 =	sadd.s32 @!p0 $0x100000, s0  }
0x43e: {  	[sflag:s0] =	ssyncadd.tile.s32 @!p0 $0x1;
	_ =	shalt  }
.Lfunc_end2:
_tile_overlayer_lowered:
.L_overlay_start_2:
0x43f: {  	(tag) =	ssettag $0x2  }
0x440: {  	s0 =	rddreg [dreg:$0x0];
	s2 =	stileid.u32  }
0x441: {  	s1 =	rddreg [dreg:$0x1];
	p0 =	sne.s32 s2, $0x0  }
0x442: {  	s3 =	rddreg [dreg:$0x2];
	[bflag:$0x3] =	sbarrier.arrive $0xFFFF;
	s2 =	simm.s32 @!p0 $0x1C06  }
0x443: {  	[timem:s3], [sflag:s2] =	dma.local @!p0 [hbm:s0], s1  }
0x444: {  	s0 =	simm.s32 @!p0 $0x6  }
0x445: {  	_ =	swait.ge @!p0 [sflag:s0], s1  }
0x446: {  	s1 =	ssub.s32 @!p0 $0x0, s1;
	[sflag:s0] =	ssyncset.done @!p0 $0x0  }
0x447: {  	[sflag:s0] =	ssyncadd.s32 @!p0 s1  }
0x448: {  	[bflag:$0x3] =	sbarrier.arrive $0xFFFF  }
0x449: {  	_ =	shalt  }

// kernel: sparse-core-data-format-call.cloned.1.call-start
scs
called_computation_lowered:
.L_overlay_start_0:
0x0: {  	s2 =	sld [smem:$0x3FD9]  }
0x1: {  	s3 =	sld [smem:$0x3FFE];
	_ =	sdelay $0x1  }
0x2: {  	s1 =	srdreg.scid  }
0x3: {  	s0 =	sand.u32 $0x1, s1  }
0x4: {  	s18 =	sshll.u32 s0, $0xA;
	s2 =	sadd.s32 s3, s2  }
0x5: {  	s2 =	sadd.s32 s2, s18  }
0x6: {  	[smem:$0x3FC7] =	sst s2  }
0x7: {  	_ = 	snop  }
0x8: {  	s2 =	sld [smem:$0x3FC9];
	(tm) =	ssettm $0x1  }
0x9: {  	s19 =	sld [smem:$0x3FFB];
	_ =	sdelay $0x3  }
0xa: {  	_ =	strace s19  }
0xb: {  	s3 =	sld [smem:$0x3FFC];
	_ =	sdelay $0x3  }
0xc: {  	_ =	strace s3  }
0xd: {  	s3 =	sld [smem:$0x3FFD];
	_ =	sdelay $0x3  }
0xe: {  	_ =	strace s3  }
0xf: {  	_ =	strace $0x8FFFFFFF  }
0x10: {  	s20 =	sld [smem:$0x3FDB];
	_ =	sdelay $0x1  }
0x11: {  	s4 =	simm.s32 $_scs_section_size  }
0x12: {  	s5 =	simm.s32 $_size__tile_overlayer_lowered;
	s6 =	simm.s32 $_tile_overlayer_lowered  }
0x13: {  	s23 =	simm.s32 $0x1BFF;
	s22 =	sshll.u32 s6, $0x1;
	s3 =	sadd.s32 s4, s20  }
0x14: {  	s7 =	simm.s32 $0x0;
	s21 =	sshll.u32 s5, $0x1;
	s5 =	sadd.s32 s22, s3  }
0x15: {  	[timem:s7], [sflag:s23] =	dma.local [hbm:s5], s21  }
0x16: {  	_ =	swait.ge [sflag:s23], s21  }
0x17: {  	s4 =	ssub.s32 $0x0, s21;
	[sflag:s23] =	ssyncset.done $0x0  }
0x18: {  	[sflag:s23] =	ssyncadd.s32 s4;
	_ =	sdelay $0x1  }
0x19: {  	s24 =	simm.s32 $0x1B8B  }
0x1a: {  	_ =	swait.ge [sflag:s24], $0x1  }
0x1b: {  	[sflag:s24] =	ssyncset.done $0x0  }
0x1c: {  	s26 =	simm.s32 $0x1B8E;
	s25 =	sld [smem:$0x3FFE];
	[sflag:s24] =	ssyncadd.s32 $0xFFFFFFFF  }
0x1d: {  	s27 =	simm.s32 $execute0_lowered;
	[smem:$0x3FD2] =	sst s26  }
0x1e: {  	s5 =	sshll.u32 s27, $0x1;
	_ =	strace $0x80000046;
	[dreg:$0x1] =	wrdreg $0xFFFFFFFF  }
0x1f: {  	s28 =	simm.s32 $_size_execute0_lowered;
	s3 =	sadd.s32 s3, s5;
	[dreg:$0x0] =	wrdreg $0x0  }
0x20: {  	s5 =	sshll.u32 s28, $0x1;
	[dreg:$0x2] =	wrdreg s3  }
0x21: {  	[dreg:$0x3] =	wrdreg s5  }
0x22: {  	[dreg:$0x4] =	wrdreg $0xC0  }
0x23: {  	_ =	task [dreg:s7], $0x5FFFF  }
0x24: {  	[dreg:$0x1] =	wrdreg $0xFFFFFFFF  }
0x25: {  	[dreg:$0x0] =	wrdreg $0x60  }
0x26: {  	[dreg:$0x2] =	wrdreg s2  }
0x27: {  	[dreg:$0x3] =	wrdreg s25  }
0x28: {  	[dreg:$0x4] =	wrdreg $0x9  }
0x29: {  	_ =	task.clear_ibuf [dreg:s7], $0x5FFFF;
	_ =	strace $0x90000046  }
0x2a: {  	s29 =	simm.s32 $0x9;
	_ =	strace $0x80000048  }
0x2b: {  	_ =	swait.ge [sflag:s29], $0x1  }
0x2c: {  	[sflag:s29] =	ssyncadd.s32 $0xFFFFFFFF  }
0x2d: {  	_ =	strace $0x90000048  }
0x2e: {  	_ =	sfence  }
0x2f: {  	s30 =	sld [smem:$0x0];
	_ =	sdelay $0x2  }
0x30: {  	s31 =	sshll.u32 s1, $0xD;
	s1 =	sshrl.u32 s1, $0x2  }
0x31: {  	s3 =	sand.u32 $0x4000, s31;
	s1 =	sadd.s32 s1, s30  }
0x32: {  	s0 =	sor.u32 s3, s0;
	s1 =	sshll.u32 s1, $0x11  }
0x33: {  	s0 =	sor.u32 s1, s0  }
0x34: {  	s0 =	sadd.s32 $0x8F2B, s0  }
0x35: {  	[sflag:s0] =	ssyncadd.remote.s32 $0x1  }
0x36: {  	_ =	sfence.sel $0xFFFF  }
0x37: {  	[dreg:$0x0] =	wrdreg $0xFFFFFFFF;
	(pc) =	sbr.abs _section_cstart, $3  }
0x38: {  	[dreg:$0x1] =	wrdreg $0xFFFFFFFF  }
0x39: {  	_ =	task.clear_ibuf [dreg:s7], $0x2FFFF;
	_ =	strace $0x9FFFFFFF  }
0x3a: {  	(tm) =	ssettm $0x7FFFFFFF  }
0x3b: {  	_ =	shalt  }
tec
execute0_lowered:
.L_overlay_start_1:
0x0: {  	(tag) =	ssettag $0x1  }
0x1: {  	s0 =	srdreg.scid;
	s2 =	rddreg [dreg:$0x0]  }
0x2: {  	s5 =	rddreg [dreg:$0x1];
	s1 =	stileid.u32  }
0x3: {  	s4 =	simm.s32 $0x1;
	s6 =	simm.s32 $0x2;
	s0 =	sshll.u32 s0, $0x4  }
0x4: {  	s8 =	simm.s32 $0x0;
	s9 =	simm.s32 $0x0;
	s3 =	sand.u32 $0x10, s0  }
.Ltmp0:
0x5: {  	s13 =	simm.s32 $0x0;
	s3 =	sor.u32 s1, s3;
	(pc) =	sbr.rel .LBB1_1-.Ltmp0, $4  }
0x6: {  	s0 =	rddreg [dreg:$0x2];
	_ =	strace $0x80000047;
	s3 =	sshll.u32 s3, $0x3  }
0x7: {  	s10 =	simm.s32 $0x0;
	[sflag:s4] =	ssyncpa.u1 $0x0;
	s7 =	ssub.s32 $0x30D0, s3  }
0x8: {  	s12 =	simm.s32 $0x0;
	[sflag:s6] =	ssyncpa.u1 $0x0;
	s6 =	sshrl.u32 s7, $0x8  }
0x9: {  	s5 =	sadd.s32 $0x800, s5;
	s11 =	smov.u32 s3;
	s7 =	sadd.s32 $0x2, s6  }
.LBB1_9:
0xa: {  	s15 =	sshll.u32 s12, $0xE  }
0xb: {  	s16 =	sshll.u32 s10, $0x8;
	s15 =	sand.u32 $0x4000, s15  }
0xc: {  	s16 =	sadd.s32 s5, s16;
	s15 =	sor.u32 $0x8000, s15  }
0xd: {  	[hbm4b:s16+s8] =	stream.linear.scatter [tilespmem:s15], [sflag:$0x2], s14, $0x38;
	[tilespmem:$0x10000] =	vst v63  }
.LBB1_10:
0xe: {  	p0 =	slt.u32 s12, $0x2  }
0xf: {  	p1 =	sgt.s32 @!p0 s13, $0x30CC  }
0x10: {  	s14 =	smov.u32 s13;
	s15 =	sshra.s32 @!p0 s13, $0x1F;
	p1 =	por !p1, p0  }
0x11: {  	s13 =	sand.u32 @!p0 s15, s13;
	s14 =	simm.s32 @p1 $0x30CC  }
0x12: {  	s13 =	ssub.s32 @!p0 s14, s13  }
0x13: {  	s13 =	sadd.s32 @!p0 $0xFFFFCF34, s13  }
0x14: {  	s14 =	sshll.u32 @!p0 s13, $0xD  }
0x15: {  	p1 =	sgt.s32 @!p0 s13, $0x7;
	s13 =	ssub.s32 @!p0 $0x10000, s14  }
0x16: {  	s15 =	sadd.s32 $0x100, s11;
	p1 =	por !p1, p0;
	s13 =	sshrl.u32 @!p0 s13, $0x2  }
0x17: {  	s13 =	simm.s32 @!p1 $0x0;
	p1 =	sgt.s32 s15, $0x30D3  }
0x18: {  	s15 =	smov.u32 @p1 s3;
	p1 =	sne.s32 s12, s7  }
.Ltmp1:
0x19: {  	_ = 	snop;
	(pc) =	sbr.rel @!p1 .LBB1_11-.Ltmp1, $4  }
0x1a: {  	s14 =	simm.s32 @!p0 $0x2  }
0x1b: {  	s9 =	sadd.s32 $0x4000, s9;
	_ =	swait.ge @!p0 [sflag:s14], s13;
	s16 =	ssub.s32 @!p0 $0x0, s13  }
0x1c: {  	s13 =	smov.u32 s10;
	s12 =	sadd.s32 $0x1, s12;
	[sflag:s14] =	ssyncset.done @!p0 $0x0  }
0x1d: {  	s10 =	smov.u32 s11;
	s11 =	smov.u32 s15;
	[sflag:s14] =	ssyncadd.s32 @!p0 s16  }
.LBB1_1:
0x1e: {  	p0 =	sgt.u32 s12, s6  }
0x1f: {  	p1 =	sgt.s32 @!p0 s11, $0x30CC  }
0x20: {  	s14 =	smov.u32 s11;
	s15 =	sshra.s32 @!p0 s11, $0x1F;
	p1 =	por !p1, p0  }
0x21: {  	s15 =	sand.u32 @!p0 s15, s11;
	s14 =	simm.s32 @p1 $0x30CC  }
0x22: {  	s14 =	ssub.s32 @!p0 s14, s15  }
0x23: {  	s14 =	sadd.s32 @!p0 $0xFFFFCF34, s14  }
0x24: {  	s17 =	simm.s32 @!p0 $0x0;
	s15 =	sxor.u32 @!p0 $0xFFFFFFFF, s12;
	s16 =	sshll.u32 @!p0 s14, $0xD  }
0x25: {  	s15 =	sshll.u32 @!p0 s15, $0xE;
	p1 =	sgt.s32 @!p0 s14, $0x7;
	s14 =	ssub.s32 @!p0 $0x10000, s16  }
0x26: {  	p1 =	por !p1, p0;
	s16 =	sshll.u32 @!p0 s11, $0x8;
	s14 =	sshrl.u32 @!p0 s14, $0x2  }
0x27: {  	s15 =	sand.u32 @!p0 $0x4000, s15;
	s16 =	sadd.s32 @!p0 s2, s16;
	s14 =	simm.s32 @!p1 $0x0  }
0x28: {  	[tilespmem:s15], [sflag:$0x1] =	stream.linear.gather @!p0 [hbm4b:s16+s17], s14, $0x38;
	[tilespmem:$0x10000] =	vst v63  }
0x29: {  	p0 =	seq.s32 s12, $0x0  }
0x2a: {  	p1 =	sge.u32 @!p0 s12, s7  }
0x2b: {  	p0 =	por p0, p1  }
.Ltmp2:
0x2c: {  	_ = 	snop;
	(pc) =	sbr.rel @p0 .LBB1_10-.Ltmp2, $1  }
0x2d: {  	_ =	sdelay $0x3  }
0x2e: {  	p0 =	sgt.s32 s10, $0x30CC;
	s14 =	smov.u32 s10;
	s15 =	sshra.s32 s10, $0x1F  }
0x2f: {  	s14 =	simm.s32 @!p0 $0x30CC;
	s15 =	sand.u32 s15, s10  }
0x30: {  	s14 =	ssub.s32 s14, s15  }
0x31: {  	s16 =	sadd.s32 $0x8, s10;
	s14 =	sadd.s32 $0xFFFFCF34, s14  }
0x32: {  	p1 =	slt.s32 s16, $0x30D4;
	s30 =	sshll.u32 s14, $0xD  }
0x33: {  	s16 =	simm.s32 @!p1 $0x30D4;
	s15 =	ssub.s32 $0x10000, s30  }
0x34: {  	p0 =	sgt.s32 s14, $0x7;
	s14 =	sshrl.u32 s15, $0x2;
	s15 =	ssub.s32 s16, s10  }
0x35: {  	s14 =	simm.s32 @p0 $0x0;
	p0 =	slt.s32 s15, $0x1  }
.Ltmp3:
0x36: {  	_ = 	snop;
	(pc) =	sbr.rel @p0 .LBB1_9-.Ltmp3, $4  }
0x37: {  	_ = 	snop  }
0x38: {  	_ =	swait.ge [sflag:s4], s14  }
0x39: {  	s31 =	ssub.s32 $0x0, s14;
	[sflag:s4] =	ssyncset.done $0x0  }
0x3a: {  	[sflag:s4] =	ssyncadd.s32 s31  }
0x3b: {  	s16 =	sshll.u32 s9, $0x2  }
0x3c: {  	s16 =	sand.u32 $0x10000, s16  }
0x3d: {  	s16 =	sshrl.u32 s16, $0x2  }
0x3e: {  	s18 =	simm.s32 $0x0;
	s19 =	simm.s32 $0x0;
	s17 =	sor.u32 $0x8000, s16  }
.LBB1_4:
0x3f: {  	s20 =	sshra.s32 s18, $0x2  }
0x40: {  	v0 =	vmov s20;
	_ =	sdelay $0x3  }
0x41: {  	p1 =	por $0x1, $0x1;
	s20 =	simm.s32 $0x0  }
.LBB1_5:
0x42: {  	_ = 	snop  }
0x43: {  	s21 =	sshll.u32 s20, $0xA  }
0x44: {  	s21 =	sand.u32 $0x3FFFFC00, s21  }
0x45: {  	s21 =	sadd.s32 s21, s16  }
0x46: {  	v5 =	vld.idx.msk [tilespmem:v0+s21+$0x70 ss:$0x1], $0xffff  }
0x47: {  	v6 =	vld.idx.msk [tilespmem:v0+s21+$0x10 ss:$0x1], $0xffff  }
0x48: {  	v7 =	vld.idx.msk [tilespmem:v0+s21+$0x20 ss:$0x1], $0xffff  }
0x49: {  	s31 =	sshll.u32 s20, $0x7;
	v1 =	vld.idx.msk [tilespmem:v0+s21+$0x30 ss:$0x1], $0xffff  }
0x4a: {  	s20 =	sand.u32 $0x3FFFFF80, s31;
	v2 =	vld.idx.msk [tilespmem:v0+s21+$0x40 ss:$0x1], $0xffff  }
0x4b: {  	s20 =	sadd.s32 s20, s17;
	v3 =	vld.idx.msk [tilespmem:v0+s21+$0x50 ss:$0x1], $0xffff  }
0x4c: {  	v4 =	vld.idx.msk [tilespmem:v0+s21+$0x60 ss:$0x1], $0xffff;
	[tilespmem:v0+s20+$0x70 ss:$0x1] =	vst.idx.msk $0xffff, v5  }
0x4d: {  	v5 =	vld.idx.msk [tilespmem:v0+s21+$0x0 ss:$0x1], $0xffff;
	[tilespmem:v0+s20+$0x10 ss:$0x1] =	vst.idx.msk $0xffff, v6;
	s21 =	sadd.s32 $0x80, s21  }
0x4e: {  	p0 =	por p1, p1;
	s22 =	simm.s32 $0x6;
	[tilespmem:v0+s20+$0x20 ss:$0x1] =	vst.idx.msk $0xffff, v7;
	v6 =	vld.idx.msk [tilespmem:v0+s21+$0x70 ss:$0x1], $0xffff  }
.LBB1_6:
0x4f: {  	p1 =	sne.s32 s22, $0x1;
	v7 =	vld.idx.msk [tilespmem:v0+s21+$0x10 ss:$0x1], $0xffff;
	[tilespmem:v0+s20+$0x30 ss:$0x1] =	vst.idx.msk $0xffff, v1  }
0x50: {  	v8 =	vld.idx.msk [tilespmem:v0+s21+$0x20 ss:$0x1], $0xffff;
	[tilespmem:v0+s20+$0x40 ss:$0x1] =	vst.idx.msk $0xffff, v2  }
0x51: {  	v1 =	vld.idx.msk [tilespmem:v0+s21+$0x30 ss:$0x1], $0xffff;
	[tilespmem:v0+s20+$0x50 ss:$0x1] =	vst.idx.msk $0xffff, v3  }
.Ltmp4:
0x52: {  	v2 =	vld.idx.msk [tilespmem:v0+s21+$0x40 ss:$0x1], $0xffff;
	[tilespmem:v0+s20+$0x60 ss:$0x1] =	vst.idx.msk $0xffff, v4;
	(pc) =	sbr.rel @p1 .LBB1_6-.Ltmp4, $4  }
0x53: {  	v3 =	vld.idx.msk [tilespmem:v0+s21+$0x50 ss:$0x1], $0xffff;
	[tilespmem:v0+s20+$0x0 ss:$0x1] =	vst.idx.msk $0xffff, v5;
	s20 =	sadd.s32 $0x100, s20  }
0x54: {  	v4 =	vld.idx.msk [tilespmem:v0+s21+$0x60 ss:$0x1], $0xffff;
	[tilespmem:v0+s20+$0x70 ss:$0x1] =	vst.idx.msk $0xffff, v6  }
0x55: {  	v5 =	vld.idx.msk [tilespmem:v0+s21+$0x0 ss:$0x1], $0xffff;
	[tilespmem:v0+s20+$0x10 ss:$0x1] =	vst.idx.msk $0xffff, v7;
	s21 =	sadd.s32 $0x80, s21  }
0x56: {  	s22 =	sadd.s32 $0xFFFFFFFF, s22;
	v6 =	vld.idx.msk [tilespmem:v0+s21+$0x70 ss:$0x1], $0xffff;
	[tilespmem:v0+s20+$0x20 ss:$0x1] =	vst.idx.msk $0xffff, v8  }
0x57: {  	_ =	sdelay $0x3  }
0x58: {  	[tilespmem:v0+s20+$0x30 ss:$0x1] =	vst.idx.msk $0xffff, v1  }
0x59: {  	v1 =	vld.idx.msk [tilespmem:v0+s21+$0x10 ss:$0x1], $0xffff;
	[tilespmem:v0+s20+$0x40 ss:$0x1] =	vst.idx.msk $0xffff, v2  }
0x5a: {  	v2 =	vld.idx.msk [tilespmem:v0+s21+$0x20 ss:$0x1], $0xffff;
	[tilespmem:v0+s20+$0x50 ss:$0x1] =	vst.idx.msk $0xffff, v3  }
0x5b: {  	v61 =	vld.idx.msk [tilespmem:v0+s21+$0x40 ss:$0x1], $0xffff;
	[tilespmem:v0+s20+$0x60 ss:$0x1] =	vst.idx.msk $0xffff, v4  }
0x5c: {  	s31 =	sadd.s32 $0x100, s20;
	v62 =	vld.idx.msk [tilespmem:v0+s21+$0x50 ss:$0x1], $0xffff;
	[tilespmem:v0+s20+$0x0 ss:$0x1] =	vst.idx.msk $0xffff, v5  }
0x5d: {  	v63 =	vld.idx.msk [tilespmem:v0+s21+$0x60 ss:$0x1], $0xffff;
	[tilespmem:v0+s31+$0x70 ss:$0x1] =	vst.idx.msk $0xffff, v6  }
0x5e: {  	v3 =	vld.idx.msk [tilespmem:v0+s21+$0x30 ss:$0x1], $0xffff;
	[tilespmem:v0+s31+$0x10 ss:$0x1] =	vst.idx.msk $0xffff, v1  }
0x5f: {  	v1 =	vld.idx.msk [tilespmem:v0+s21+$0x0 ss:$0x1], $0xffff;
	[tilespmem:v0+s31+$0x20 ss:$0x1] =	vst.idx.msk $0xffff, v2  }
.Ltmp5:
0x60: {  	[tilespmem:v0+s31+$0x40 ss:$0x1] =	vst.idx.msk $0xffff, v61;
	(pc) =	sbr.rel @p0 .LBB1_5-.Ltmp5, $4  }
0x61: {  	[tilespmem:v0+s31+$0x50 ss:$0x1] =	vst.idx.msk $0xffff, v62  }
0x62: {  	[tilespmem:v0+s31+$0x60 ss:$0x1] =	vst.idx.msk $0xffff, v63  }
0x63: {  	[tilespmem:v0+s31+$0x30 ss:$0x1] =	vst.idx.msk $0xffff, v3  }
0x64: {  	p1 =	por $0x0, $0x0;
	s20 =	simm.s32 $0x1;
	[tilespmem:v0+s31+$0x0 ss:$0x1] =	vst.idx.msk $0xffff, v1  }
0x65: {  	s19 =	sadd.s32 $0x1, s19  }
0x66: {  	p0 =	sne.s32 s19, s15  }
.Ltmp6:
0x67: {  	_ = 	snop;
	(pc) =	sbr.rel @p0 .LBB1_4-.Ltmp6, $4  }
.Ltmp7:
0x68: {  	_ = 	snop;
	(pc) =	sbr.rel @!p0 .LBB1_9-.Ltmp7, $4  }
0x69: {  	_ = 	snop  }
0x6a: {  	_ = 	snop  }
0x6b: {  	s18 =	sadd.s32 $0x2000, s18  }
0x6c: {  	_ = 	snop  }
.LBB1_11:
0x6d: {  	_ =	sfence.sel $0x180000  }
0x6e: {  	s2 =	simm.s32 $0x1;
	[bflag:$0x0] =	sbarrier.arrive $0xFFFF  }
0x6f: {  	s31 =	simm.s32 $0x2;
	[sflag:s2] =	ssyncpa.u1 $0x1  }
0x70: {  	[sflag:s31] =	ssyncpa.u1 $0x1  }
0x71: {  	p0 =	sne.s32 s1, $0x0;
	_ =	strace $0x90000047  }
0x72: {  	s0 =	sadd.s32 @!p0 $0x100000, s0;
	[bflag:$0x2] =	sbarrier.arrive $0xFFFF  }
0x73: {  	[sflag:s0] =	ssyncadd.tile.s32 @!p0 $0x1;
	_ =	shalt  }
.Lfunc_end1:
_tile_overlayer_lowered:
.L_overlay_start_2:
0x74: {  	(tag) =	ssettag $0x2  }
0x75: {  	s0 =	rddreg [dreg:$0x0];
	s2 =	stileid.u32  }
0x76: {  	s1 =	rddreg [dreg:$0x1];
	p0 =	sne.s32 s2, $0x0  }
0x77: {  	s3 =	rddreg [dreg:$0x2];
	[bflag:$0x3] =	sbarrier.arrive $0xFFFF;
	s2 =	simm.s32 @!p0 $0x1C01  }
0x78: {  	[timem:s3], [sflag:s2] =	dma.local @!p0 [hbm:s0], s1  }
0x79: {  	s0 =	simm.s32 @!p0 $0x1  }
0x7a: {  	_ =	swait.ge @!p0 [sflag:s0], s1  }
0x7b: {  	s1 =	ssub.s32 @!p0 $0x0, s1;
	[sflag:s0] =	ssyncset.done @!p0 $0x0  }
0x7c: {  	[sflag:s0] =	ssyncadd.s32 @!p0 s1  }
0x7d: {  	[bflag:$0x3] =	sbarrier.arrive $0xFFFF  }
0x7e: {  	_ =	shalt  }

</sc_bundles>
